<compile_context>
chip_gen: v7x
topology: tpu7x:2x2x1
jax: 0.10.2.dev20260603
libtpu: 0.0.44.dev20260713+nightly
codegen_flags: <defaults>
</compile_context>

<pallas_src>
import functools

import jax
import jax.numpy as jnp
from jax import lax
from jax.experimental import pallas as pl
from jax.experimental.pallas import tpu as pltpu
from jax.experimental.pallas import tpu_sc as plsc

_B = 16384
_L = 200
_EMB = 10
_H1 = 16
_V = 100001

_NW = 32
_RPW = _B // _NW
_C = 16
_NCHUNK = _RPW // _C
_HL = _L // 2

_mesh = plsc.VectorSubcoreMesh(core_axis_name="c", subcore_axis_name="s")


def _t1_body(tab_ref, w_ref, o_ref):
    o_ref[...] = jnp.dot(
        tab_ref[...], w_ref[...], preferred_element_type=jnp.float32
    ) * (1.0 / _L)


def _make_t1(table, w1):
    blk = 8192
    grid = (_V + blk - 1) // blk
    return pl.pallas_call(
        _t1_body,
        grid=(grid,),
        in_specs=[
            pl.BlockSpec((blk, _EMB), lambda i: (i, 0)),
            pl.BlockSpec((_EMB, _H1), lambda i: (0, 0)),
        ],
        out_specs=pl.BlockSpec((blk, _H1), lambda i: (i, 0)),
        out_shape=jax.ShapeDtypeStruct((_V, _H1), jnp.float32),
    )(table, w1)


@functools.partial(
    pl.kernel,
    mesh=_mesh,
    compiler_params=pltpu.CompilerParams(
        needs_layout_passes=False, use_tc_tiling_on_sc=False),
    out_type=jax.ShapeDtypeStruct((_B,), jnp.float32),
    scratch_types=[
        pltpu.VMEM((_C * 2, _HL), jnp.int32),
        pltpu.VMEM((_C * _L, _H1), jnp.float32),
        pltpu.VMEM((_C * 16,), jnp.float32),
        pltpu.VMEM((_C,), jnp.float32),
        pltpu.VMEM((3, 16), jnp.float32),
        pltpu.SemaphoreType.DMA,
    ],
)
def _sc_pool(x_hbm, t1_hbm, consts_hbm, out_hbm,
             idx_v, rows_v, tr_v, outb_v, c_v, sem):
    wid = lax.axis_index("s") * 2 + lax.axis_index("c")
    base = wid * _RPW
    pltpu.sync_copy(consts_hbm, c_v)
    b1v = c_v[0, :]
    w2v = c_v[1, :]
    b2v = c_v[2, :]

    def chunk_body(ch, carry):
        rowbase = base + ch * _C
        pltpu.sync_copy(x_hbm.at[pl.ds(rowbase * 2, _C * 2)], idx_v)
        descs = [
            pltpu.async_copy(t1_hbm.at[idx_v.at[h]],
                             rows_v.at[pl.ds(h * _HL, _HL)], sem)
            for h in range(_C * 2)
        ]
        for d in descs:
            d.wait()
        lanes = lax.iota(jnp.int32, 16)
        for r in range(_C):
            def j_body(t, acc, _r=r):
                return acc + rows_v[_r * _L + t, :]
            acc = lax.fori_loop(0, _L, j_body,
                                jnp.zeros((16,), jnp.float32), unroll=8)
            plsc.store_scatter(tr_v, [lanes * _C + r], acc)
        z = jnp.zeros((_C,), jnp.float32)
        for lane in range(_H1):
            col = tr_v[pl.ds(lane * _C, _C)]
            h = jnp.maximum(col + b1v[lane], 0.0)
            z = z + h * w2v[lane]
        z = z + b2v[0]
        outb_v[...] = 1.0 / (1.0 + jnp.exp(-z))
        pltpu.sync_copy(outb_v, out_hbm.at[pl.ds(rowbase, _C)])
        return carry

    lax.fori_loop(0, _NCHUNK, chunk_body, 0)


def kernel(x, table, W1, b1, W2, b2):
    t1 = _make_t1(table, W1)
    consts = jnp.concatenate(
        [b1[None, :], W2.T, jnp.full((1, _H1), b2[0], jnp.float32)], axis=0)
    x2 = x.astype(jnp.int32).reshape(_B * 2, _HL)
    out = _sc_pool(x2, t1, consts)
    return out.reshape(_B, 1)

# --- scband reference (transcript-rebuilt; emitter-appended) ---
"""Pipeline reference for scband-annclassifier-5403068858757 (READ-ONLY COPY).

The authoritative reference and input builder live on the scoring server;
editing this copy changes nothing except your own understanding.
"""

import jax, jax.numpy as jnp
import numpy as np

VOCAB = 100000
EMB = 10
H1 = 16

def setup_inputs(seed: int = 0) -> dict:
    key = jax.random.key(seed)
    k1, k2, k3, k4, k5, k6 = jax.random.split(key, 6)
    x = jax.random.randint(k1, (16384, 200), 0, VOCAB + 1, dtype=jnp.int64)
    table = jax.random.normal(k2, (VOCAB + 1, EMB), dtype=jnp.float32) * 0.02
    W1 = jax.random.normal(k3, (EMB, H1), dtype=jnp.float32) * (1.0 / np.sqrt(EMB))
    b1 = jax.random.normal(k4, (H1,), dtype=jnp.float32) * 0.01
    W2 = jax.random.normal(k5, (H1, 1), dtype=jnp.float32) * (1.0 / np.sqrt(H1))
    b2 = jax.random.normal(k6, (1,), dtype=jnp.float32) * 0.01
    return {"x": x, "table": table, "W1": W1, "b1": b1, "W2": W2, "b2": b2}

def reference(x, table, W1, b1, W2, b2):
    emb = jnp.take(table, x, axis=0)          # [B, L, EMB] gather
    pooled = emb.mean(axis=1)                  # [B, EMB]
    h = jax.nn.relu(pooled @ W1 + b1)          # [B, 16]
    out = jax.nn.sigmoid(h @ W2 + b2)          # [B, 1]
    return out

if __name__ == "__main__":
    import jax
    _d = setup_inputs()
    print(jax.jit(kernel)(*tuple(_d.values())))

</pallas_src>

<mosaic_0001>
#map = affine_map<(d0, d1) -> (0, 0)>
#map1 = affine_map<(d0, d1) -> (0)>
module attributes {stable_mosaic.version = 14 : i64} {
  func.func @_sc_pool(%arg0: i32, %arg1: i32, %arg2: memref<32768x100xi32, #tpu.memory_space<hbm>>, %arg3: memref<100001x16xf32, #tpu.memory_space<hbm>>, %arg4: memref<3x16xf32, #tpu.memory_space<hbm>>, %arg5: memref<16384xf32, #tpu.memory_space<hbm>>, %arg6: memref<32x100xi32, #tpu.memory_space<vmem>>, %arg7: memref<3200x16xf32, #tpu.memory_space<vmem>>, %arg8: memref<256xf32, #tpu.memory_space<vmem>>, %arg9: memref<16xf32, #tpu.memory_space<vmem>>, %arg10: memref<3x16xf32, #tpu.memory_space<vmem>>, %arg11: memref<!tpu.dma_semaphore, #tpu.memory_space<semaphore_mem>>) attributes {dimension_semantics = [#tpu.dimension_semantics<core_parallel>, #tpu.dimension_semantics<subcore_parallel>], iteration_bounds = array<i64: 2, 16>, scalar_prefetch = 0 : i64, scratch_operands = 6 : i64, tpu.core_type = #tpu.core_type<sc_vector_subcore>, window_params = [{transform_indices = #map}, {transform_indices = #map}, {transform_indices = #map}, {transform_indices = #map1}]} {
    %mul3A = arith.constant 2 : i32
    %mul3A_0 = arith.muli %arg1, %mul3A : i32
    %add3A = arith.addi %mul3A_0, %arg0 : i32
    %mul3A_1 = arith.constant 512 : i32
    %mul3A_2 = arith.muli %add3A, %mul3A_1 : i32
    "tpu.region"() ({
      %run_scoped3A = tpu.sem_alloc : memref<!tpu.dma_semaphore, #tpu.memory_space<semaphore_mem>>
      tpu.enqueue_dma source(%arg4 : memref<3x16xf32, #tpu.memory_space<hbm>>) target(%arg10 : memref<3x16xf32, #tpu.memory_space<vmem>>) target_semaphore(%run_scoped3A : memref<!tpu.dma_semaphore, #tpu.memory_space<semaphore_mem>>)
      tpu.wait_dma2 semaphore(%run_scoped3A : memref<!tpu.dma_semaphore, #tpu.memory_space<semaphore_mem>>) src(%arg4 : memref<3x16xf32, #tpu.memory_space<hbm>>) dst(%arg10 : memref<3x16xf32, #tpu.memory_space<vmem>>)
      tpu.yield
    }) : () -> ()
    %get3A = arith.constant 0 : i32
    %get3A_3 = arith.index_cast %get3A : i32 to index
    %get3A_4 = arith.constant 0 : index
    %get3A_5 = tpu.vector_load %arg10[%get3A_3, %get3A_4] {strides = array<i32>} : memref<3x16xf32, #tpu.memory_space<vmem>>, vector<16xf32>,
    %get3A_6 = arith.constant 1 : i32
    %get3A_7 = arith.index_cast %get3A_6 : i32 to index
    %get3A_8 = arith.constant 0 : index
    %get3A_9 = tpu.vector_load %arg10[%get3A_7, %get3A_8] {strides = array<i32>} : memref<3x16xf32, #tpu.memory_space<vmem>>, vector<16xf32>,
    %get3A_10 = arith.constant 2 : i32
    %get3A_11 = arith.index_cast %get3A_10 : i32 to index
    %get3A_12 = arith.constant 0 : index
    %get3A_13 = tpu.vector_load %arg10[%get3A_11, %get3A_12] {strides = array<i32>} : memref<3x16xf32, #tpu.memory_space<vmem>>, vector<16xf32>,
    %scan3A = arith.constant 0 : i32
    %scan3A_14 = arith.constant 0 : i32
    %scan3A_15 = arith.constant 32 : i32
    %scan3A_16 = arith.addi %scan3A_14, %scan3A_15 : i32
    %scan3A_17 = arith.constant 1 : i32
    scf.for %scan3A_19 = %scan3A_14 to %scan3A_16 step %scan3A_17  : i32 {
      %mul3A_20 = arith.constant 16 : i32
      %mul3A_21 = arith.muli %scan3A_19, %mul3A_20 : i32
      %add3A_22 = arith.addi %mul3A_2, %mul3A_21 : i32
      %mul3A_23 = arith.constant 2 : i32
      %mul3A_24 = arith.muli %add3A_22, %mul3A_23 : i32
      "tpu.region"() ({
        %run_scoped3A = tpu.sem_alloc : memref<!tpu.dma_semaphore, #tpu.memory_space<semaphore_mem>>
        %dma_start3A_1121 = arith.constant 0 : i32
        %dma_start3A_1122 = tpu.memref_slice %arg2[%mul3A_24, %dma_start3A_1121] : memref<32768x100xi32, #tpu.memory_space<hbm>> -> memref<32x100xi32, #tpu.memory_space<hbm>>
        %dma_start3A_1123 = arith.constant 0 : i32
        %dma_start3A_1124 = tpu.memref_slice %arg2[%mul3A_24, %dma_start3A_1123] : memref<32768x100xi32, #tpu.memory_space<hbm>> -> memref<32x100xi32, #tpu.memory_space<hbm>>
        tpu.enqueue_dma source(%dma_start3A_1124 : memref<32x100xi32, #tpu.memory_space<hbm>>) target(%arg6 : memref<32x100xi32, #tpu.memory_space<vmem>>) target_semaphore(%run_scoped3A : memref<!tpu.dma_semaphore, #tpu.memory_space<semaphore_mem>>)
        %dma_wait3A_1125 = arith.constant 0 : i32
        %dma_wait3A_1126 = tpu.memref_slice %arg2[%mul3A_24, %dma_wait3A_1125] : memref<32768x100xi32, #tpu.memory_space<hbm>> -> memref<32x100xi32, #tpu.memory_space<hbm>>
        %dma_wait3A_1127 = arith.constant 0 : i32
        %dma_wait3A_1128 = tpu.memref_slice %arg2[%mul3A_24, %dma_wait3A_1127] : memref<32768x100xi32, #tpu.memory_space<hbm>> -> memref<32x100xi32, #tpu.memory_space<hbm>>
        tpu.wait_dma2 semaphore(%run_scoped3A : memref<!tpu.dma_semaphore, #tpu.memory_space<semaphore_mem>>) src(%dma_wait3A_1128 : memref<32x100xi32, #tpu.memory_space<hbm>>) dst(%arg6 : memref<32x100xi32, #tpu.memory_space<vmem>>)
        tpu.yield
      }) : () -> ()
      %dma_start3A = arith.constant 0 : i32
      %dma_start3A_25 = arith.constant 0 : i32
      %dma_start3A_26 = arith.constant 0 : i32
      %dma_start3A_27 = tpu.memref_slice %arg7[%dma_start3A_25, %dma_start3A_26] : memref<3200x16xf32, #tpu.memory_space<vmem>> -> memref<100x16xf32, #tpu.memory_space<vmem>>
      %dma_start3A_28 = arith.constant 0 : i32
      %dma_start3A_29 = tpu.memref_slice %arg6[%dma_start3A, %dma_start3A_28] : memref<32x100xi32, #tpu.memory_space<vmem>> -> memref<1x100xi32, #tpu.memory_space<vmem>>
      %dma_start3A_30 = tpu.memref_squeeze %dma_start3A_29 : memref<1x100xi32, #tpu.memory_space<vmem>> -> memref<100xi32, #tpu.memory_space<vmem>>
      %dma_start3A_31 = arith.constant 0 : i32
      %dma_start3A_32 = arith.constant 0 : i32
      %dma_start3A_33 = tpu.memref_slice %arg3[%dma_start3A_31, %dma_start3A_32] : memref<100001x16xf32, #tpu.memory_space<hbm>> -> memref<100001x16xf32, #tpu.memory_space<hbm>>
      tpu.enqueue_indirect_dma source(%dma_start3A_33 : memref<100001x16xf32, #tpu.memory_space<hbm>>) target(%dma_start3A_27 : memref<100x16xf32, #tpu.memory_space<vmem>>) offsets(%dma_start3A_30 : memref<100xi32, #tpu.memory_space<vmem>>) semaphore(%arg11 : memref<!tpu.dma_semaphore, #tpu.memory_space<semaphore_mem>>)
      %dma_start3A_34 = arith.constant 1 : i32
      %dma_start3A_35 = arith.constant 100 : i32
      %dma_start3A_36 = arith.constant 0 : i32
      %dma_start3A_37 = tpu.memref_slice %arg7[%dma_start3A_35, %dma_start3A_36] : memref<3200x16xf32, #tpu.memory_space<vmem>> -> memref<100x16xf32, #tpu.memory_space<vmem>>
      %dma_start3A_38 = arith.constant 0 : i32
      %dma_start3A_39 = tpu.memref_slice %arg6[%dma_start3A_34, %dma_start3A_38] : memref<32x100xi32, #tpu.memory_space<vmem>> -> memref<1x100xi32, #tpu.memory_space<vmem>>
      %dma_start3A_40 = tpu.memref_squeeze %dma_start3A_39 : memref<1x100xi32, #tpu.memory_space<vmem>> -> memref<100xi32, #tpu.memory_space<vmem>>
      %dma_start3A_41 = arith.constant 0 : i32
      %dma_start3A_42 = arith.constant 0 : i32
      %dma_start3A_43 = tpu.memref_slice %arg3[%dma_start3A_41, %dma_start3A_42] : memref<100001x16xf32, #tpu.memory_space<hbm>> -> memref<100001x16xf32, #tpu.memory_space<hbm>>
      tpu.enqueue_indirect_dma source(%dma_start3A_43 : memref<100001x16xf32, #tpu.memory_space<hbm>>) target(%dma_start3A_37 : memref<100x16xf32, #tpu.memory_space<vmem>>) offsets(%dma_start3A_40 : memref<100xi32, #tpu.memory_space<vmem>>) semaphore(%arg11 : memref<!tpu.dma_semaphore, #tpu.memory_space<semaphore_mem>>)
      %dma_start3A_44 = arith.constant 2 : i32
      %dma_start3A_45 = arith.constant 200 : i32
      %dma_start3A_46 = arith.constant 0 : i32
      %dma_start3A_47 = tpu.memref_slice %arg7[%dma_start3A_45, %dma_start3A_46] : memref<3200x16xf32, #tpu.memory_space<vmem>> -> memref<100x16xf32, #tpu.memory_space<vmem>>
      %dma_start3A_48 = arith.constant 0 : i32
      %dma_start3A_49 = tpu.memref_slice %arg6[%dma_start3A_44, %dma_start3A_48] : memref<32x100xi32, #tpu.memory_space<vmem>> -> memref<1x100xi32, #tpu.memory_space<vmem>>
      %dma_start3A_50 = tpu.memref_squeeze %dma_start3A_49 : memref<1x100xi32, #tpu.memory_space<vmem>> -> memref<100xi32, #tpu.memory_space<vmem>>
      %dma_start3A_51 = arith.constant 0 : i32
      %dma_start3A_52 = arith.constant 0 : i32
      %dma_start3A_53 = tpu.memref_slice %arg3[%dma_start3A_51, %dma_start3A_52] : memref<100001x16xf32, #tpu.memory_space<hbm>> -> memref<100001x16xf32, #tpu.memory_space<hbm>>
      tpu.enqueue_indirect_dma source(%dma_start3A_53 : memref<100001x16xf32, #tpu.memory_space<hbm>>) target(%dma_start3A_47 : memref<100x16xf32, #tpu.memory_space<vmem>>) offsets(%dma_start3A_50 : memref<100xi32, #tpu.memory_space<vmem>>) semaphore(%arg11 : memref<!tpu.dma_semaphore, #tpu.memory_space<semaphore_mem>>)
      %dma_start3A_54 = arith.constant 3 : i32
      %dma_start3A_55 = arith.constant 300 : i32
      %dma_start3A_56 = arith.constant 0 : i32
      %dma_start3A_57 = tpu.memref_slice %arg7[%dma_start3A_55, %dma_start3A_56] : memref<3200x16xf32, #tpu.memory_space<vmem>> -> memref<100x16xf32, #tpu.memory_space<vmem>>
      %dma_start3A_58 = arith.constant 0 : i32
      %dma_start3A_59 = tpu.memref_slice %arg6[%dma_start3A_54, %dma_start3A_58] : memref<32x100xi32, #tpu.memory_space<vmem>> -> memref<1x100xi32, #tpu.memory_space<vmem>>
      %dma_start3A_60 = tpu.memref_squeeze %dma_start3A_59 : memref<1x100xi32, #tpu.memory_space<vmem>> -> memref<100xi32, #tpu.memory_space<vmem>>
      %dma_start3A_61 = arith.constant 0 : i32
      %dma_start3A_62 = arith.constant 0 : i32
      %dma_start3A_63 = tpu.memref_slice %arg3[%dma_start3A_61, %dma_start3A_62] : memref<100001x16xf32, #tpu.memory_space<hbm>> -> memref<100001x16xf32, #tpu.memory_space<hbm>>
      tpu.enqueue_indirect_dma source(%dma_start3A_63 : memref<100001x16xf32, #tpu.memory_space<hbm>>) target(%dma_start3A_57 : memref<100x16xf32, #tpu.memory_space<vmem>>) offsets(%dma_start3A_60 : memref<100xi32, #tpu.memory_space<vmem>>) semaphore(%arg11 : memref<!tpu.dma_semaphore, #tpu.memory_space<semaphore_mem>>)
      %dma_start3A_64 = arith.constant 4 : i32
      %dma_start3A_65 = arith.constant 400 : i32
      %dma_start3A_66 = arith.constant 0 : i32
      %dma_start3A_67 = tpu.memref_slice %arg7[%dma_start3A_65, %dma_start3A_66] : memref<3200x16xf32, #tpu.memory_space<vmem>> -> memref<100x16xf32, #tpu.memory_space<vmem>>
      %dma_start3A_68 = arith.constant 0 : i32
      %dma_start3A_69 = tpu.memref_slice %arg6[%dma_start3A_64, %dma_start3A_68] : memref<32x100xi32, #tpu.memory_space<vmem>> -> memref<1x100xi32, #tpu.memory_space<vmem>>
      %dma_start3A_70 = tpu.memref_squeeze %dma_start3A_69 : memref<1x100xi32, #tpu.memory_space<vmem>> -> memref<100xi32, #tpu.memory_space<vmem>>
      %dma_start3A_71 = arith.constant 0 : i32
      %dma_start3A_72 = arith.constant 0 : i32
      %dma_start3A_73 = tpu.memref_slice %arg3[%dma_start3A_71, %dma_start3A_72] : memref<100001x16xf32, #tpu.memory_space<hbm>> -> memref<100001x16xf32, #tpu.memory_space<hbm>>
      tpu.enqueue_indirect_dma source(%dma_start3A_73 : memref<100001x16xf32, #tpu.memory_space<hbm>>) target(%dma_start3A_67 : memref<100x16xf32, #tpu.memory_space<vmem>>) offsets(%dma_start3A_70 : memref<100xi32, #tpu.memory_space<vmem>>) semaphore(%arg11 : memref<!tpu.dma_semaphore, #tpu.memory_space<semaphore_mem>>)
      %dma_start3A_74 = arith.constant 5 : i32
      %dma_start3A_75 = arith.constant 500 : i32
      %dma_start3A_76 = arith.constant 0 : i32
      %dma_start3A_77 = tpu.memref_slice %arg7[%dma_start3A_75, %dma_start3A_76] : memref<3200x16xf32, #tpu.memory_space<vmem>> -> memref<100x16xf32, #tpu.memory_space<vmem>>
      %dma_start3A_78 = arith.constant 0 : i32
      %dma_start3A_79 = tpu.memref_slice %arg6[%dma_start3A_74, %dma_start3A_78] : memref<32x100xi32, #tpu.memory_space<vmem>> -> memref<1x100xi32, #tpu.memory_space<vmem>>
      %dma_start3A_80 = tpu.memref_squeeze %dma_start3A_79 : memref<1x100xi32, #tpu.memory_space<vmem>> -> memref<100xi32, #tpu.memory_space<vmem>>
      %dma_start3A_81 = arith.constant 0 : i32
      %dma_start3A_82 = arith.constant 0 : i32
      %dma_start3A_83 = tpu.memref_slice %arg3[%dma_start3A_81, %dma_start3A_82] : memref<100001x16xf32, #tpu.memory_space<hbm>> -> memref<100001x16xf32, #tpu.memory_space<hbm>>
      tpu.enqueue_indirect_dma source(%dma_start3A_83 : memref<100001x16xf32, #tpu.memory_space<hbm>>) target(%dma_start3A_77 : memref<100x16xf32, #tpu.memory_space<vmem>>) offsets(%dma_start3A_80 : memref<100xi32, #tpu.memory_space<vmem>>) semaphore(%arg11 : memref<!tpu.dma_semaphore, #tpu.memory_space<semaphore_mem>>)
      %dma_start3A_84 = arith.constant 6 : i32
      %dma_start3A_85 = arith.constant 600 : i32
      %dma_start3A_86 = arith.constant 0 : i32
      %dma_start3A_87 = tpu.memref_slice %arg7[%dma_start3A_85, %dma_start3A_86] : memref<3200x16xf32, #tpu.memory_space<vmem>> -> memref<100x16xf32, #tpu.memory_space<vmem>>
      %dma_start3A_88 = arith.constant 0 : i32
      %dma_start3A_89 = tpu.memref_slice %arg6[%dma_start3A_84, %dma_start3A_88] : memref<32x100xi32, #tpu.memory_space<vmem>> -> memref<1x100xi32, #tpu.memory_space<vmem>>
      %dma_start3A_90 = tpu.memref_squeeze %dma_start3A_89 : memref<1x100xi32, #tpu.memory_space<vmem>> -> memref<100xi32, #tpu.memory_space<vmem>>
      %dma_start3A_91 = arith.constant 0 : i32
      %dma_start3A_92 = arith.constant 0 : i32
      %dma_start3A_93 = tpu.memref_slice %arg3[%dma_start3A_91, %dma_start3A_92] : memref<100001x16xf32, #tpu.memory_space<hbm>> -> memref<100001x16xf32, #tpu.memory_space<hbm>>
      tpu.enqueue_indirect_dma source(%dma_start3A_93 : memref<100001x16xf32, #tpu.memory_space<hbm>>) target(%dma_start3A_87 : memref<100x16xf32, #tpu.memory_space<vmem>>) offsets(%dma_start3A_90 : memref<100xi32, #tpu.memory_space<vmem>>) semaphore(%arg11 : memref<!tpu.dma_semaphore, #tpu.memory_space<semaphore_mem>>)
      %dma_start3A_94 = arith.constant 7 : i32
      %dma_start3A_95 = arith.constant 700 : i32
      %dma_start3A_96 = arith.constant 0 : i32
      %dma_start3A_97 = tpu.memref_slice %arg7[%dma_start3A_95, %dma_start3A_96] : memref<3200x16xf32, #tpu.memory_space<vmem>> -> memref<100x16xf32, #tpu.memory_space<vmem>>
      %dma_start3A_98 = arith.constant 0 : i32
      %dma_start3A_99 = tpu.memref_slice %arg6[%dma_start3A_94, %dma_start3A_98] : memref<32x100xi32, #tpu.memory_space<vmem>> -> memref<1x100xi32, #tpu.memory_space<vmem>>
      %dma_start3A_100 = tpu.memref_squeeze %dma_start3A_99 : memref<1x100xi32, #tpu.memory_space<vmem>> -> memref<100xi32, #tpu.memory_space<vmem>>
      %dma_start3A_101 = arith.constant 0 : i32
      %dma_start3A_102 = arith.constant 0 : i32
      %dma_start3A_103 = tpu.memref_slice %arg3[%dma_start3A_101, %dma_start3A_102] : memref<100001x16xf32, #tpu.memory_space<hbm>> -> memref<100001x16xf32, #tpu.memory_space<hbm>>
      tpu.enqueue_indirect_dma source(%dma_start3A_103 : memref<100001x16xf32, #tpu.memory_space<hbm>>) target(%dma_start3A_97 : memref<100x16xf32, #tpu.memory_space<vmem>>) offsets(%dma_start3A_100 : memref<100xi32, #tpu.memory_space<vmem>>) semaphore(%arg11 : memref<!tpu.dma_semaphore, #tpu.memory_space<semaphore_mem>>)
      %dma_start3A_104 = arith.constant 8 : i32
      %dma_start3A_105 = arith.constant 800 : i32
      %dma_start3A_106 = arith.constant 0 : i32
      %dma_start3A_107 = tpu.memref_slice %arg7[%dma_start3A_105, %dma_start3A_106] : memref<3200x16xf32, #tpu.memory_space<vmem>> -> memref<100x16xf32, #tpu.memory_space<vmem>>
      %dma_start3A_108 = arith.constant 0 : i32
      %dma_start3A_109 = tpu.memref_slice %arg6[%dma_start3A_104, %dma_start3A_108] : memref<32x100xi32, #tpu.memory_space<vmem>> -> memref<1x100xi32, #tpu.memory_space<vmem>>
      %dma_start3A_110 = tpu.memref_squeeze %dma_start3A_109 : memref<1x100xi32, #tpu.memory_space<vmem>> -> memref<100xi32, #tpu.memory_space<vmem>>
      %dma_start3A_111 = arith.constant 0 : i32
      %dma_start3A_112 = arith.constant 0 : i32
      %dma_start3A_113 = tpu.memref_slice %arg3[%dma_start3A_111, %dma_start3A_112] : memref<100001x16xf32, #tpu.memory_space<hbm>> -> memref<100001x16xf32, #tpu.memory_space<hbm>>
      tpu.enqueue_indirect_dma source(%dma_start3A_113 : memref<100001x16xf32, #tpu.memory_space<hbm>>) target(%dma_start3A_107 : memref<100x16xf32, #tpu.memory_space<vmem>>) offsets(%dma_start3A_110 : memref<100xi32, #tpu.memory_space<vmem>>) semaphore(%arg11 : memref<!tpu.dma_semaphore, #tpu.memory_space<semaphore_mem>>)
      %dma_start3A_114 = arith.constant 9 : i32
      %dma_start3A_115 = arith.constant 900 : i32
      %dma_start3A_116 = arith.constant 0 : i32
      %dma_start3A_117 = tpu.memref_slice %arg7[%dma_start3A_115, %dma_start3A_116] : memref<3200x16xf32, #tpu.memory_space<vmem>> -> memref<100x16xf32, #tpu.memory_space<vmem>>
      %dma_start3A_118 = arith.constant 0 : i32
      %dma_start3A_119 = tpu.memref_slice %arg6[%dma_start3A_114, %dma_start3A_118] : memref<32x100xi32, #tpu.memory_space<vmem>> -> memref<1x100xi32, #tpu.memory_space<vmem>>
      %dma_start3A_120 = tpu.memref_squeeze %dma_start3A_119 : memref<1x100xi32, #tpu.memory_space<vmem>> -> memref<100xi32, #tpu.memory_space<vmem>>
      %dma_start3A_121 = arith.constant 0 : i32
      %dma_start3A_122 = arith.constant 0 : i32
      %dma_start3A_123 = tpu.memref_slice %arg3[%dma_start3A_121, %dma_start3A_122] : memref<100001x16xf32, #tpu.memory_space<hbm>> -> memref<100001x16xf32, #tpu.memory_space<hbm>>
      tpu.enqueue_indirect_dma source(%dma_start3A_123 : memref<100001x16xf32, #tpu.memory_space<hbm>>) target(%dma_start3A_117 : memref<100x16xf32, #tpu.memory_space<vmem>>) offsets(%dma_start3A_120 : memref<100xi32, #tpu.memory_space<vmem>>) semaphore(%arg11 : memref<!tpu.dma_semaphore, #tpu.memory_space<semaphore_mem>>)
      %dma_start3A_124 = arith.constant 10 : i32
      %dma_start3A_125 = arith.constant 1000 : i32
      %dma_start3A_126 = arith.constant 0 : i32
      %dma_start3A_127 = tpu.memref_slice %arg7[%dma_start3A_125, %dma_start3A_126] : memref<3200x16xf32, #tpu.memory_space<vmem>> -> memref<100x16xf32, #tpu.memory_space<vmem>>
      %dma_start3A_128 = arith.constant 0 : i32
      %dma_start3A_129 = tpu.memref_slice %arg6[%dma_start3A_124, %dma_start3A_128] : memref<32x100xi32, #tpu.memory_space<vmem>> -> memref<1x100xi32, #tpu.memory_space<vmem>>
      %dma_start3A_130 = tpu.memref_squeeze %dma_start3A_129 : memref<1x100xi32, #tpu.memory_space<vmem>> -> memref<100xi32, #tpu.memory_space<vmem>>
      %dma_start3A_131 = arith.constant 0 : i32
      %dma_start3A_132 = arith.constant 0 : i32
      %dma_start3A_133 = tpu.memref_slice %arg3[%dma_start3A_131, %dma_start3A_132] : memref<100001x16xf32, #tpu.memory_space<hbm>> -> memref<100001x16xf32, #tpu.memory_space<hbm>>
      tpu.enqueue_indirect_dma source(%dma_start3A_133 : memref<100001x16xf32, #tpu.memory_space<hbm>>) target(%dma_start3A_127 : memref<100x16xf32, #tpu.memory_space<vmem>>) offsets(%dma_start3A_130 : memref<100xi32, #tpu.memory_space<vmem>>) semaphore(%arg11 : memref<!tpu.dma_semaphore, #tpu.memory_space<semaphore_mem>>)
      %dma_start3A_134 = arith.constant 11 : i32
      %dma_start3A_135 = arith.constant 1100 : i32
      %dma_start3A_136 = arith.constant 0 : i32
      %dma_start3A_137 = tpu.memref_slice %arg7[%dma_start3A_135, %dma_start3A_136] : memref<3200x16xf32, #tpu.memory_space<vmem>> -> memref<100x16xf32, #tpu.memory_space<vmem>>
      %dma_start3A_138 = arith.constant 0 : i32
      %dma_start3A_139 = tpu.memref_slice %arg6[%dma_start3A_134, %dma_start3A_138] : memref<32x100xi32, #tpu.memory_space<vmem>> -> memref<1x100xi32, #tpu.memory_space<vmem>>
      %dma_start3A_140 = tpu.memref_squeeze %dma_start3A_139 : memref<1x100xi32, #tpu.memory_space<vmem>> -> memref<100xi32, #tpu.memory_space<vmem>>
      %dma_start3A_141 = arith.constant 0 : i32
      %dma_start3A_142 = arith.constant 0 : i32
      %dma_start3A_143 = tpu.memref_slice %arg3[%dma_start3A_141, %dma_start3A_142] : memref<100001x16xf32, #tpu.memory_space<hbm>> -> memref<100001x16xf32, #tpu.memory_space<hbm>>
      tpu.enqueue_indirect_dma source(%dma_start3A_143 : memref<100001x16xf32, #tpu.memory_space<hbm>>) target(%dma_start3A_137 : memref<100x16xf32, #tpu.memory_space<vmem>>) offsets(%dma_start3A_140 : memref<100xi32, #tpu.memory_space<vmem>>) semaphore(%arg11 : memref<!tpu.dma_semaphore, #tpu.memory_space<semaphore_mem>>)
      %dma_start3A_144 = arith.constant 12 : i32
      %dma_start3A_145 = arith.constant 1200 : i32
      %dma_start3A_146 = arith.constant 0 : i32
      %dma_start3A_147 = tpu.memref_slice %arg7[%dma_start3A_145, %dma_start3A_146] : memref<3200x16xf32, #tpu.memory_space<vmem>> -> memref<100x16xf32, #tpu.memory_space<vmem>>
      %dma_start3A_148 = arith.constant 0 : i32
      %dma_start3A_149 = tpu.memref_slice %arg6[%dma_start3A_144, %dma_start3A_148] : memref<32x100xi32, #tpu.memory_space<vmem>> -> memref<1x100xi32, #tpu.memory_space<vmem>>
      %dma_start3A_150 = tpu.memref_squeeze %dma_start3A_149 : memref<1x100xi32, #tpu.memory_space<vmem>> -> memref<100xi32, #tpu.memory_space<vmem>>
      %dma_start3A_151 = arith.constant 0 : i32
      %dma_start3A_152 = arith.constant 0 : i32
      %dma_start3A_153 = tpu.memref_slice %arg3[%dma_start3A_151, %dma_start3A_152] : memref<100001x16xf32, #tpu.memory_space<hbm>> -> memref<100001x16xf32, #tpu.memory_space<hbm>>
      tpu.enqueue_indirect_dma source(%dma_start3A_153 : memref<100001x16xf32, #tpu.memory_space<hbm>>) target(%dma_start3A_147 : memref<100x16xf32, #tpu.memory_space<vmem>>) offsets(%dma_start3A_150 : memref<100xi32, #tpu.memory_space<vmem>>) semaphore(%arg11 : memref<!tpu.dma_semaphore, #tpu.memory_space<semaphore_mem>>)
      %dma_start3A_154 = arith.constant 13 : i32
      %dma_start3A_155 = arith.constant 1300 : i32
      %dma_start3A_156 = arith.constant 0 : i32
      %dma_start3A_157 = tpu.memref_slice %arg7[%dma_start3A_155, %dma_start3A_156] : memref<3200x16xf32, #tpu.memory_space<vmem>> -> memref<100x16xf32, #tpu.memory_space<vmem>>
      %dma_start3A_158 = arith.constant 0 : i32
      %dma_start3A_159 = tpu.memref_slice %arg6[%dma_start3A_154, %dma_start3A_158] : memref<32x100xi32, #tpu.memory_space<vmem>> -> memref<1x100xi32, #tpu.memory_space<vmem>>
      %dma_start3A_160 = tpu.memref_squeeze %dma_start3A_159 : memref<1x100xi32, #tpu.memory_space<vmem>> -> memref<100xi32, #tpu.memory_space<vmem>>
      %dma_start3A_161 = arith.constant 0 : i32
      %dma_start3A_162 = arith.constant 0 : i32
      %dma_start3A_163 = tpu.memref_slice %arg3[%dma_start3A_161, %dma_start3A_162] : memref<100001x16xf32, #tpu.memory_space<hbm>> -> memref<100001x16xf32, #tpu.memory_space<hbm>>
      tpu.enqueue_indirect_dma source(%dma_start3A_163 : memref<100001x16xf32, #tpu.memory_space<hbm>>) target(%dma_start3A_157 : memref<100x16xf32, #tpu.memory_space<vmem>>) offsets(%dma_start3A_160 : memref<100xi32, #tpu.memory_space<vmem>>) semaphore(%arg11 : memref<!tpu.dma_semaphore, #tpu.memory_space<semaphore_mem>>)
      %dma_start3A_164 = arith.constant 14 : i32
      %dma_start3A_165 = arith.constant 1400 : i32
      %dma_start3A_166 = arith.constant 0 : i32
      %dma_start3A_167 = tpu.memref_slice %arg7[%dma_start3A_165, %dma_start3A_166] : memref<3200x16xf32, #tpu.memory_space<vmem>> -> memref<100x16xf32, #tpu.memory_space<vmem>>
      %dma_start3A_168 = arith.constant 0 : i32
      %dma_start3A_169 = tpu.memref_slice %arg6[%dma_start3A_164, %dma_start3A_168] : memref<32x100xi32, #tpu.memory_space<vmem>> -> memref<1x100xi32, #tpu.memory_space<vmem>>
      %dma_start3A_170 = tpu.memref_squeeze %dma_start3A_169 : memref<1x100xi32, #tpu.memory_space<vmem>> -> memref<100xi32, #tpu.memory_space<vmem>>
      %dma_start3A_171 = arith.constant 0 : i32
      %dma_start3A_172 = arith.constant 0 : i32
      %dma_start3A_173 = tpu.memref_slice %arg3[%dma_start3A_171, %dma_start3A_172] : memref<100001x16xf32, #tpu.memory_space<hbm>> -> memref<100001x16xf32, #tpu.memory_space<hbm>>
      tpu.enqueue_indirect_dma source(%dma_start3A_173 : memref<100001x16xf32, #tpu.memory_space<hbm>>) target(%dma_start3A_167 : memref<100x16xf32, #tpu.memory_space<vmem>>) offsets(%dma_start3A_170 : memref<100xi32, #tpu.memory_space<vmem>>) semaphore(%arg11 : memref<!tpu.dma_semaphore, #tpu.memory_space<semaphore_mem>>)
      %dma_start3A_174 = arith.constant 15 : i32
      %dma_start3A_175 = arith.constant 1500 : i32
      %dma_start3A_176 = arith.constant 0 : i32
      %dma_start3A_177 = tpu.memref_slice %arg7[%dma_start3A_175, %dma_start3A_176] : memref<3200x16xf32, #tpu.memory_space<vmem>> -> memref<100x16xf32, #tpu.memory_space<vmem>>
      %dma_start3A_178 = arith.constant 0 : i32
      %dma_start3A_179 = tpu.memref_slice %arg6[%dma_start3A_174, %dma_start3A_178] : memref<32x100xi32, #tpu.memory_space<vmem>> -> memref<1x100xi32, #tpu.memory_space<vmem>>
      %dma_start3A_180 = tpu.memref_squeeze %dma_start3A_179 : memref<1x100xi32, #tpu.memory_space<vmem>> -> memref<100xi32, #tpu.memory_space<vmem>>
      %dma_start3A_181 = arith.constant 0 : i32
      %dma_start3A_182 = arith.constant 0 : i32
      %dma_start3A_183 = tpu.memref_slice %arg3[%dma_start3A_181, %dma_start3A_182] : memref<100001x16xf32, #tpu.memory_space<hbm>> -> memref<100001x16xf32, #tpu.memory_space<hbm>>
      tpu.enqueue_indirect_dma source(%dma_start3A_183 : memref<100001x16xf32, #tpu.memory_space<hbm>>) target(%dma_start3A_177 : memref<100x16xf32, #tpu.memory_space<vmem>>) offsets(%dma_start3A_180 : memref<100xi32, #tpu.memory_space<vmem>>) semaphore(%arg11 : memref<!tpu.dma_semaphore, #tpu.memory_space<semaphore_mem>>)
      %dma_start3A_184 = arith.constant 16 : i32
      %dma_start3A_185 = arith.constant 1600 : i32
      %dma_start3A_186 = arith.constant 0 : i32
      %dma_start3A_187 = tpu.memref_slice %arg7[%dma_start3A_185, %dma_start3A_186] : memref<3200x16xf32, #tpu.memory_space<vmem>> -> memref<100x16xf32, #tpu.memory_space<vmem>>
      %dma_start3A_188 = arith.constant 0 : i32
      %dma_start3A_189 = tpu.memref_slice %arg6[%dma_start3A_184, %dma_start3A_188] : memref<32x100xi32, #tpu.memory_space<vmem>> -> memref<1x100xi32, #tpu.memory_space<vmem>>
      %dma_start3A_190 = tpu.memref_squeeze %dma_start3A_189 : memref<1x100xi32, #tpu.memory_space<vmem>> -> memref<100xi32, #tpu.memory_space<vmem>>
      %dma_start3A_191 = arith.constant 0 : i32
      %dma_start3A_192 = arith.constant 0 : i32
      %dma_start3A_193 = tpu.memref_slice %arg3[%dma_start3A_191, %dma_start3A_192] : memref<100001x16xf32, #tpu.memory_space<hbm>> -> memref<100001x16xf32, #tpu.memory_space<hbm>>
      tpu.enqueue_indirect_dma source(%dma_start3A_193 : memref<100001x16xf32, #tpu.memory_space<hbm>>) target(%dma_start3A_187 : memref<100x16xf32, #tpu.memory_space<vmem>>) offsets(%dma_start3A_190 : memref<100xi32, #tpu.memory_space<vmem>>) semaphore(%arg11 : memref<!tpu.dma_semaphore, #tpu.memory_space<semaphore_mem>>)
      %dma_start3A_194 = arith.constant 17 : i32
      %dma_start3A_195 = arith.constant 1700 : i32
      %dma_start3A_196 = arith.constant 0 : i32
      %dma_start3A_197 = tpu.memref_slice %arg7[%dma_start3A_195, %dma_start3A_196] : memref<3200x16xf32, #tpu.memory_space<vmem>> -> memref<100x16xf32, #tpu.memory_space<vmem>>
      %dma_start3A_198 = arith.constant 0 : i32
      %dma_start3A_199 = tpu.memref_slice %arg6[%dma_start3A_194, %dma_start3A_198] : memref<32x100xi32, #tpu.memory_space<vmem>> -> memref<1x100xi32, #tpu.memory_space<vmem>>
      %dma_start3A_200 = tpu.memref_squeeze %dma_start3A_199 : memref<1x100xi32, #tpu.memory_space<vmem>> -> memref<100xi32, #tpu.memory_space<vmem>>
      %dma_start3A_201 = arith.constant 0 : i32
      %dma_start3A_202 = arith.constant 0 : i32
      %dma_start3A_203 = tpu.memref_slice %arg3[%dma_start3A_201, %dma_start3A_202] : memref<100001x16xf32, #tpu.memory_space<hbm>> -> memref<100001x16xf32, #tpu.memory_space<hbm>>
      tpu.enqueue_indirect_dma source(%dma_start3A_203 : memref<100001x16xf32, #tpu.memory_space<hbm>>) target(%dma_start3A_197 : memref<100x16xf32, #tpu.memory_space<vmem>>) offsets(%dma_start3A_200 : memref<100xi32, #tpu.memory_space<vmem>>) semaphore(%arg11 : memref<!tpu.dma_semaphore, #tpu.memory_space<semaphore_mem>>)
      %dma_start3A_204 = arith.constant 18 : i32
      %dma_start3A_205 = arith.constant 1800 : i32
      %dma_start3A_206 = arith.constant 0 : i32
      %dma_start3A_207 = tpu.memref_slice %arg7[%dma_start3A_205, %dma_start3A_206] : memref<3200x16xf32, #tpu.memory_space<vmem>> -> memref<100x16xf32, #tpu.memory_space<vmem>>
      %dma_start3A_208 = arith.constant 0 : i32
      %dma_start3A_209 = tpu.memref_slice %arg6[%dma_start3A_204, %dma_start3A_208] : memref<32x100xi32, #tpu.memory_space<vmem>> -> memref<1x100xi32, #tpu.memory_space<vmem>>
      %dma_start3A_210 = tpu.memref_squeeze %dma_start3A_209 : memref<1x100xi32, #tpu.memory_space<vmem>> -> memref<100xi32, #tpu.memory_space<vmem>>
      %dma_start3A_211 = arith.constant 0 : i32
      %dma_start3A_212 = arith.constant 0 : i32
      %dma_start3A_213 = tpu.memref_slice %arg3[%dma_start3A_211, %dma_start3A_212] : memref<100001x16xf32, #tpu.memory_space<hbm>> -> memref<100001x16xf32, #tpu.memory_space<hbm>>
      tpu.enqueue_indirect_dma source(%dma_start3A_213 : memref<100001x16xf32, #tpu.memory_space<hbm>>) target(%dma_start3A_207 : memref<100x16xf32, #tpu.memory_space<vmem>>) offsets(%dma_start3A_210 : memref<100xi32, #tpu.memory_space<vmem>>) semaphore(%arg11 : memref<!tpu.dma_semaphore, #tpu.memory_space<semaphore_mem>>)
      %dma_start3A_214 = arith.constant 19 : i32
      %dma_start3A_215 = arith.constant 1900 : i32
      %dma_start3A_216 = arith.constant 0 : i32
      %dma_start3A_217 = tpu.memref_slice %arg7[%dma_start3A_215, %dma_start3A_216] : memref<3200x16xf32, #tpu.memory_space<vmem>> -> memref<100x16xf32, #tpu.memory_space<vmem>>
      %dma_start3A_218 = arith.constant 0 : i32
      %dma_start3A_219 = tpu.memref_slice %arg6[%dma_start3A_214, %dma_start3A_218] : memref<32x100xi32, #tpu.memory_space<vmem>> -> memref<1x100xi32, #tpu.memory_space<vmem>>
      %dma_start3A_220 = tpu.memref_squeeze %dma_start3A_219 : memref<1x100xi32, #tpu.memory_space<vmem>> -> memref<100xi32, #tpu.memory_space<vmem>>
      %dma_start3A_221 = arith.constant 0 : i32
      %dma_start3A_222 = arith.constant 0 : i32
      %dma_start3A_223 = tpu.memref_slice %arg3[%dma_start3A_221, %dma_start3A_222] : memref<100001x16xf32, #tpu.memory_space<hbm>> -> memref<100001x16xf32, #tpu.memory_space<hbm>>
      tpu.enqueue_indirect_dma source(%dma_start3A_223 : memref<100001x16xf32, #tpu.memory_space<hbm>>) target(%dma_start3A_217 : memref<100x16xf32, #tpu.memory_space<vmem>>) offsets(%dma_start3A_220 : memref<100xi32, #tpu.memory_space<vmem>>) semaphore(%arg11 : memref<!tpu.dma_semaphore, #tpu.memory_space<semaphore_mem>>)
      %dma_start3A_224 = arith.constant 20 : i32
      %dma_start3A_225 = arith.constant 2000 : i32
      %dma_start3A_226 = arith.constant 0 : i32
      %dma_start3A_227 = tpu.memref_slice %arg7[%dma_start3A_225, %dma_start3A_226] : memref<3200x16xf32, #tpu.memory_space<vmem>> -> memref<100x16xf32, #tpu.memory_space<vmem>>
      %dma_start3A_228 = arith.constant 0 : i32
      %dma_start3A_229 = tpu.memref_slice %arg6[%dma_start3A_224, %dma_start3A_228] : memref<32x100xi32, #tpu.memory_space<vmem>> -> memref<1x100xi32, #tpu.memory_space<vmem>>
      %dma_start3A_230 = tpu.memref_squeeze %dma_start3A_229 : memref<1x100xi32, #tpu.memory_space<vmem>> -> memref<100xi32, #tpu.memory_space<vmem>>
      %dma_start3A_231 = arith.constant 0 : i32
      %dma_start3A_232 = arith.constant 0 : i32
      %dma_start3A_233 = tpu.memref_slice %arg3[%dma_start3A_231, %dma_start3A_232] : memref<100001x16xf32, #tpu.memory_space<hbm>> -> memref<100001x16xf32, #tpu.memory_space<hbm>>
      tpu.enqueue_indirect_dma source(%dma_start3A_233 : memref<100001x16xf32, #tpu.memory_space<hbm>>) target(%dma_start3A_227 : memref<100x16xf32, #tpu.memory_space<vmem>>) offsets(%dma_start3A_230 : memref<100xi32, #tpu.memory_space<vmem>>) semaphore(%arg11 : memref<!tpu.dma_semaphore, #tpu.memory_space<semaphore_mem>>)
      %dma_start3A_234 = arith.constant 21 : i32
      %dma_start3A_235 = arith.constant 2100 : i32
      %dma_start3A_236 = arith.constant 0 : i32
      %dma_start3A_237 = tpu.memref_slice %arg7[%dma_start3A_235, %dma_start3A_236] : memref<3200x16xf32, #tpu.memory_space<vmem>> -> memref<100x16xf32, #tpu.memory_space<vmem>>
      %dma_start3A_238 = arith.constant 0 : i32
      %dma_start3A_239 = tpu.memref_slice %arg6[%dma_start3A_234, %dma_start3A_238] : memref<32x100xi32, #tpu.memory_space<vmem>> -> memref<1x100xi32, #tpu.memory_space<vmem>>
      %dma_start3A_240 = tpu.memref_squeeze %dma_start3A_239 : memref<1x100xi32, #tpu.memory_space<vmem>> -> memref<100xi32, #tpu.memory_space<vmem>>
      %dma_start3A_241 = arith.constant 0 : i32
      %dma_start3A_242 = arith.constant 0 : i32
      %dma_start3A_243 = tpu.memref_slice %arg3[%dma_start3A_241, %dma_start3A_242] : memref<100001x16xf32, #tpu.memory_space<hbm>> -> memref<100001x16xf32, #tpu.memory_space<hbm>>
      tpu.enqueue_indirect_dma source(%dma_start3A_243 : memref<100001x16xf32, #tpu.memory_space<hbm>>) target(%dma_start3A_237 : memref<100x16xf32, #tpu.memory_space<vmem>>) offsets(%dma_start3A_240 : memref<100xi32, #tpu.memory_space<vmem>>) semaphore(%arg11 : memref<!tpu.dma_semaphore, #tpu.memory_space<semaphore_mem>>)
      %dma_start3A_244 = arith.constant 22 : i32
      %dma_start3A_245 = arith.constant 2200 : i32
      %dma_start3A_246 = arith.constant 0 : i32
      %dma_start3A_247 = tpu.memref_slice %arg7[%dma_start3A_245, %dma_start3A_246] : memref<3200x16xf32, #tpu.memory_space<vmem>> -> memref<100x16xf32, #tpu.memory_space<vmem>>
      %dma_start3A_248 = arith.constant 0 : i32
      %dma_start3A_249 = tpu.memref_slice %arg6[%dma_start3A_244, %dma_start3A_248] : memref<32x100xi32, #tpu.memory_space<vmem>> -> memref<1x100xi32, #tpu.memory_space<vmem>>
      %dma_start3A_250 = tpu.memref_squeeze %dma_start3A_249 : memref<1x100xi32, #tpu.memory_space<vmem>> -> memref<100xi32, #tpu.memory_space<vmem>>
      %dma_start3A_251 = arith.constant 0 : i32
      %dma_start3A_252 = arith.constant 0 : i32
      %dma_start3A_253 = tpu.memref_slice %arg3[%dma_start3A_251, %dma_start3A_252] : memref<100001x16xf32, #tpu.memory_space<hbm>> -> memref<100001x16xf32, #tpu.memory_space<hbm>>
      tpu.enqueue_indirect_dma source(%dma_start3A_253 : memref<100001x16xf32, #tpu.memory_space<hbm>>) target(%dma_start3A_247 : memref<100x16xf32, #tpu.memory_space<vmem>>) offsets(%dma_start3A_250 : memref<100xi32, #tpu.memory_space<vmem>>) semaphore(%arg11 : memref<!tpu.dma_semaphore, #tpu.memory_space<semaphore_mem>>)
      %dma_start3A_254 = arith.constant 23 : i32
      %dma_start3A_255 = arith.constant 2300 : i32
      %dma_start3A_256 = arith.constant 0 : i32
      %dma_start3A_257 = tpu.memref_slice %arg7[%dma_start3A_255, %dma_start3A_256] : memref<3200x16xf32, #tpu.memory_space<vmem>> -> memref<100x16xf32, #tpu.memory_space<vmem>>
      %dma_start3A_258 = arith.constant 0 : i32
      %dma_start3A_259 = tpu.memref_slice %arg6[%dma_start3A_254, %dma_start3A_258] : memref<32x100xi32, #tpu.memory_space<vmem>> -> memref<1x100xi32, #tpu.memory_space<vmem>>
      %dma_start3A_260 = tpu.memref_squeeze %dma_start3A_259 : memref<1x100xi32, #tpu.memory_space<vmem>> -> memref<100xi32, #tpu.memory_space<vmem>>
      %dma_start3A_261 = arith.constant 0 : i32
      %dma_start3A_262 = arith.constant 0 : i32
      %dma_start3A_263 = tpu.memref_slice %arg3[%dma_start3A_261, %dma_start3A_262] : memref<100001x16xf32, #tpu.memory_space<hbm>> -> memref<100001x16xf32, #tpu.memory_space<hbm>>
      tpu.enqueue_indirect_dma source(%dma_start3A_263 : memref<100001x16xf32, #tpu.memory_space<hbm>>) target(%dma_start3A_257 : memref<100x16xf32, #tpu.memory_space<vmem>>) offsets(%dma_start3A_260 : memref<100xi32, #tpu.memory_space<vmem>>) semaphore(%arg11 : memref<!tpu.dma_semaphore, #tpu.memory_space<semaphore_mem>>)
      %dma_start3A_264 = arith.constant 24 : i32
      %dma_start3A_265 = arith.constant 2400 : i32
      %dma_start3A_266 = arith.constant 0 : i32
      %dma_start3A_267 = tpu.memref_slice %arg7[%dma_start3A_265, %dma_start3A_266] : memref<3200x16xf32, #tpu.memory_space<vmem>> -> memref<100x16xf32, #tpu.memory_space<vmem>>
      %dma_start3A_268 = arith.constant 0 : i32
      %dma_start3A_269 = tpu.memref_slice %arg6[%dma_start3A_264, %dma_start3A_268] : memref<32x100xi32, #tpu.memory_space<vmem>> -> memref<1x100xi32, #tpu.memory_space<vmem>>
      %dma_start3A_270 = tpu.memref_squeeze %dma_start3A_269 : memref<1x100xi32, #tpu.memory_space<vmem>> -> memref<100xi32, #tpu.memory_space<vmem>>
      %dma_start3A_271 = arith.constant 0 : i32
      %dma_start3A_272 = arith.constant 0 : i32
      %dma_start3A_273 = tpu.memref_slice %arg3[%dma_start3A_271, %dma_start3A_272] : memref<100001x16xf32, #tpu.memory_space<hbm>> -> memref<100001x16xf32, #tpu.memory_space<hbm>>
      tpu.enqueue_indirect_dma source(%dma_start3A_273 : memref<100001x16xf32, #tpu.memory_space<hbm>>) target(%dma_start3A_267 : memref<100x16xf32, #tpu.memory_space<vmem>>) offsets(%dma_start3A_270 : memref<100xi32, #tpu.memory_space<vmem>>) semaphore(%arg11 : memref<!tpu.dma_semaphore, #tpu.memory_space<semaphore_mem>>)
      %dma_start3A_274 = arith.constant 25 : i32
      %dma_start3A_275 = arith.constant 2500 : i32
      %dma_start3A_276 = arith.constant 0 : i32
      %dma_start3A_277 = tpu.memref_slice %arg7[%dma_start3A_275, %dma_start3A_276] : memref<3200x16xf32, #tpu.memory_space<vmem>> -> memref<100x16xf32, #tpu.memory_space<vmem>>
      %dma_start3A_278 = arith.constant 0 : i32
      %dma_start3A_279 = tpu.memref_slice %arg6[%dma_start3A_274, %dma_start3A_278] : memref<32x100xi32, #tpu.memory_space<vmem>> -> memref<1x100xi32, #tpu.memory_space<vmem>>
      %dma_start3A_280 = tpu.memref_squeeze %dma_start3A_279 : memref<1x100xi32, #tpu.memory_space<vmem>> -> memref<100xi32, #tpu.memory_space<vmem>>
      %dma_start3A_281 = arith.constant 0 : i32
      %dma_start3A_282 = arith.constant 0 : i32
      %dma_start3A_283 = tpu.memref_slice %arg3[%dma_start3A_281, %dma_start3A_282] : memref<100001x16xf32, #tpu.memory_space<hbm>> -> memref<100001x16xf32, #tpu.memory_space<hbm>>
      tpu.enqueue_indirect_dma source(%dma_start3A_283 : memref<100001x16xf32, #tpu.memory_space<hbm>>) target(%dma_start3A_277 : memref<100x16xf32, #tpu.memory_space<vmem>>) offsets(%dma_start3A_280 : memref<100xi32, #tpu.memory_space<vmem>>) semaphore(%arg11 : memref<!tpu.dma_semaphore, #tpu.memory_space<semaphore_mem>>)
      %dma_start3A_284 = arith.constant 26 : i32
      %dma_start3A_285 = arith.constant 2600 : i32
      %dma_start3A_286 = arith.constant 0 : i32
      %dma_start3A_287 = tpu.memref_slice %arg7[%dma_start3A_285, %dma_start3A_286] : memref<3200x16xf32, #tpu.memory_space<vmem>> -> memref<100x16xf32, #tpu.memory_space<vmem>>
      %dma_start3A_288 = arith.constant 0 : i32
      %dma_start3A_289 = tpu.memref_slice %arg6[%dma_start3A_284, %dma_start3A_288] : memref<32x100xi32, #tpu.memory_space<vmem>> -> memref<1x100xi32, #tpu.memory_space<vmem>>
      %dma_start3A_290 = tpu.memref_squeeze %dma_start3A_289 : memref<1x100xi32, #tpu.memory_space<vmem>> -> memref<100xi32, #tpu.memory_space<vmem>>
      %dma_start3A_291 = arith.constant 0 : i32
      %dma_start3A_292 = arith.constant 0 : i32
      %dma_start3A_293 = tpu.memref_slice %arg3[%dma_start3A_291, %dma_start3A_292] : memref<100001x16xf32, #tpu.memory_space<hbm>> -> memref<100001x16xf32, #tpu.memory_space<hbm>>
      tpu.enqueue_indirect_dma source(%dma_start3A_293 : memref<100001x16xf32, #tpu.memory_space<hbm>>) target(%dma_start3A_287 : memref<100x16xf32, #tpu.memory_space<vmem>>) offsets(%dma_start3A_290 : memref<100xi32, #tpu.memory_space<vmem>>) semaphore(%arg11 : memref<!tpu.dma_semaphore, #tpu.memory_space<semaphore_mem>>)
      %dma_start3A_294 = arith.constant 27 : i32
      %dma_start3A_295 = arith.constant 2700 : i32
      %dma_start3A_296 = arith.constant 0 : i32
      %dma_start3A_297 = tpu.memref_slice %arg7[%dma_start3A_295, %dma_start3A_296] : memref<3200x16xf32, #tpu.memory_space<vmem>> -> memref<100x16xf32, #tpu.memory_space<vmem>>
      %dma_start3A_298 = arith.constant 0 : i32
      %dma_start3A_299 = tpu.memref_slice %arg6[%dma_start3A_294, %dma_start3A_298] : memref<32x100xi32, #tpu.memory_space<vmem>> -> memref<1x100xi32, #tpu.memory_space<vmem>>
      %dma_start3A_300 = tpu.memref_squeeze %dma_start3A_299 : memref<1x100xi32, #tpu.memory_space<vmem>> -> memref<100xi32, #tpu.memory_space<vmem>>
      %dma_start3A_301 = arith.constant 0 : i32
      %dma_start3A_302 = arith.constant 0 : i32
      %dma_start3A_303 = tpu.memref_slice %arg3[%dma_start3A_301, %dma_start3A_302] : memref<100001x16xf32, #tpu.memory_space<hbm>> -> memref<100001x16xf32, #tpu.memory_space<hbm>>
      tpu.enqueue_indirect_dma source(%dma_start3A_303 : memref<100001x16xf32, #tpu.memory_space<hbm>>) target(%dma_start3A_297 : memref<100x16xf32, #tpu.memory_space<vmem>>) offsets(%dma_start3A_300 : memref<100xi32, #tpu.memory_space<vmem>>) semaphore(%arg11 : memref<!tpu.dma_semaphore, #tpu.memory_space<semaphore_mem>>)
      %dma_start3A_304 = arith.constant 28 : i32
      %dma_start3A_305 = arith.constant 2800 : i32
      %dma_start3A_306 = arith.constant 0 : i32
      %dma_start3A_307 = tpu.memref_slice %arg7[%dma_start3A_305, %dma_start3A_306] : memref<3200x16xf32, #tpu.memory_space<vmem>> -> memref<100x16xf32, #tpu.memory_space<vmem>>
      %dma_start3A_308 = arith.constant 0 : i32
      %dma_start3A_309 = tpu.memref_slice %arg6[%dma_start3A_304, %dma_start3A_308] : memref<32x100xi32, #tpu.memory_space<vmem>> -> memref<1x100xi32, #tpu.memory_space<vmem>>
      %dma_start3A_310 = tpu.memref_squeeze %dma_start3A_309 : memref<1x100xi32, #tpu.memory_space<vmem>> -> memref<100xi32, #tpu.memory_space<vmem>>
      %dma_start3A_311 = arith.constant 0 : i32
      %dma_start3A_312 = arith.constant 0 : i32
      %dma_start3A_313 = tpu.memref_slice %arg3[%dma_start3A_311, %dma_start3A_312] : memref<100001x16xf32, #tpu.memory_space<hbm>> -> memref<100001x16xf32, #tpu.memory_space<hbm>>
      tpu.enqueue_indirect_dma source(%dma_start3A_313 : memref<100001x16xf32, #tpu.memory_space<hbm>>) target(%dma_start3A_307 : memref<100x16xf32, #tpu.memory_space<vmem>>) offsets(%dma_start3A_310 : memref<100xi32, #tpu.memory_space<vmem>>) semaphore(%arg11 : memref<!tpu.dma_semaphore, #tpu.memory_space<semaphore_mem>>)
      %dma_start3A_314 = arith.constant 29 : i32
      %dma_start3A_315 = arith.constant 2900 : i32
      %dma_start3A_316 = arith.constant 0 : i32
      %dma_start3A_317 = tpu.memref_slice %arg7[%dma_start3A_315, %dma_start3A_316] : memref<3200x16xf32, #tpu.memory_space<vmem>> -> memref<100x16xf32, #tpu.memory_space<vmem>>
      %dma_start3A_318 = arith.constant 0 : i32
      %dma_start3A_319 = tpu.memref_slice %arg6[%dma_start3A_314, %dma_start3A_318] : memref<32x100xi32, #tpu.memory_space<vmem>> -> memref<1x100xi32, #tpu.memory_space<vmem>>
      %dma_start3A_320 = tpu.memref_squeeze %dma_start3A_319 : memref<1x100xi32, #tpu.memory_space<vmem>> -> memref<100xi32, #tpu.memory_space<vmem>>
      %dma_start3A_321 = arith.constant 0 : i32
      %dma_start3A_322 = arith.constant 0 : i32
      %dma_start3A_323 = tpu.memref_slice %arg3[%dma_start3A_321, %dma_start3A_322] : memref<100001x16xf32, #tpu.memory_space<hbm>> -> memref<100001x16xf32, #tpu.memory_space<hbm>>
      tpu.enqueue_indirect_dma source(%dma_start3A_323 : memref<100001x16xf32, #tpu.memory_space<hbm>>) target(%dma_start3A_317 : memref<100x16xf32, #tpu.memory_space<vmem>>) offsets(%dma_start3A_320 : memref<100xi32, #tpu.memory_space<vmem>>) semaphore(%arg11 : memref<!tpu.dma_semaphore, #tpu.memory_space<semaphore_mem>>)
      %dma_start3A_324 = arith.constant 30 : i32
      %dma_start3A_325 = arith.constant 3000 : i32
      %dma_start3A_326 = arith.constant 0 : i32
      %dma_start3A_327 = tpu.memref_slice %arg7[%dma_start3A_325, %dma_start3A_326] : memref<3200x16xf32, #tpu.memory_space<vmem>> -> memref<100x16xf32, #tpu.memory_space<vmem>>
      %dma_start3A_328 = arith.constant 0 : i32
      %dma_start3A_329 = tpu.memref_slice %arg6[%dma_start3A_324, %dma_start3A_328] : memref<32x100xi32, #tpu.memory_space<vmem>> -> memref<1x100xi32, #tpu.memory_space<vmem>>
      %dma_start3A_330 = tpu.memref_squeeze %dma_start3A_329 : memref<1x100xi32, #tpu.memory_space<vmem>> -> memref<100xi32, #tpu.memory_space<vmem>>
      %dma_start3A_331 = arith.constant 0 : i32
      %dma_start3A_332 = arith.constant 0 : i32
      %dma_start3A_333 = tpu.memref_slice %arg3[%dma_start3A_331, %dma_start3A_332] : memref<100001x16xf32, #tpu.memory_space<hbm>> -> memref<100001x16xf32, #tpu.memory_space<hbm>>
      tpu.enqueue_indirect_dma source(%dma_start3A_333 : memref<100001x16xf32, #tpu.memory_space<hbm>>) target(%dma_start3A_327 : memref<100x16xf32, #tpu.memory_space<vmem>>) offsets(%dma_start3A_330 : memref<100xi32, #tpu.memory_space<vmem>>) semaphore(%arg11 : memref<!tpu.dma_semaphore, #tpu.memory_space<semaphore_mem>>)
      %dma_start3A_334 = arith.constant 31 : i32
      %dma_start3A_335 = arith.constant 3100 : i32
      %dma_start3A_336 = arith.constant 0 : i32
      %dma_start3A_337 = tpu.memref_slice %arg7[%dma_start3A_335, %dma_start3A_336] : memref<3200x16xf32, #tpu.memory_space<vmem>> -> memref<100x16xf32, #tpu.memory_space<vmem>>
      %dma_start3A_338 = arith.constant 0 : i32
      %dma_start3A_339 = tpu.memref_slice %arg6[%dma_start3A_334, %dma_start3A_338] : memref<32x100xi32, #tpu.memory_space<vmem>> -> memref<1x100xi32, #tpu.memory_space<vmem>>
      %dma_start3A_340 = tpu.memref_squeeze %dma_start3A_339 : memref<1x100xi32, #tpu.memory_space<vmem>> -> memref<100xi32, #tpu.memory_space<vmem>>
      %dma_start3A_341 = arith.constant 0 : i32
      %dma_start3A_342 = arith.constant 0 : i32
      %dma_start3A_343 = tpu.memref_slice %arg3[%dma_start3A_341, %dma_start3A_342] : memref<100001x16xf32, #tpu.memory_space<hbm>> -> memref<100001x16xf32, #tpu.memory_space<hbm>>
      tpu.enqueue_indirect_dma source(%dma_start3A_343 : memref<100001x16xf32, #tpu.memory_space<hbm>>) target(%dma_start3A_337 : memref<100x16xf32, #tpu.memory_space<vmem>>) offsets(%dma_start3A_340 : memref<100xi32, #tpu.memory_space<vmem>>) semaphore(%arg11 : memref<!tpu.dma_semaphore, #tpu.memory_space<semaphore_mem>>)
      %dma_wait3A = arith.constant 0 : i32
      %dma_wait3A_344 = arith.constant 0 : i32
      %dma_wait3A_345 = arith.constant 0 : i32
      %dma_wait3A_346 = tpu.memref_slice %arg7[%dma_wait3A_344, %dma_wait3A_345] : memref<3200x16xf32, #tpu.memory_space<vmem>> -> memref<100x16xf32, #tpu.memory_space<vmem>>
      %dma_wait3A_347 = arith.constant 0 : i32
      %dma_wait3A_348 = tpu.memref_slice %arg6[%dma_wait3A, %dma_wait3A_347] : memref<32x100xi32, #tpu.memory_space<vmem>> -> memref<1x100xi32, #tpu.memory_space<vmem>>
      %dma_wait3A_349 = tpu.memref_squeeze %dma_wait3A_348 : memref<1x100xi32, #tpu.memory_space<vmem>> -> memref<100xi32, #tpu.memory_space<vmem>>
      %dma_wait3A_350 = arith.constant 0 : i32
      %dma_wait3A_351 = arith.constant 0 : i32
      %dma_wait3A_352 = tpu.memref_slice %arg3[%dma_wait3A_350, %dma_wait3A_351] : memref<100001x16xf32, #tpu.memory_space<hbm>> -> memref<100001x16xf32, #tpu.memory_space<hbm>>
      tpu.wait_indirect_dma semaphore(%arg11 : memref<!tpu.dma_semaphore, #tpu.memory_space<semaphore_mem>>) src(%dma_wait3A_352 : memref<100001x16xf32, #tpu.memory_space<hbm>>) dst(%dma_wait3A_346 : memref<100x16xf32, #tpu.memory_space<vmem>>)
      %dma_wait3A_353 = arith.constant 1 : i32
      %dma_wait3A_354 = arith.constant 100 : i32
      %dma_wait3A_355 = arith.constant 0 : i32
      %dma_wait3A_356 = tpu.memref_slice %arg7[%dma_wait3A_354, %dma_wait3A_355] : memref<3200x16xf32, #tpu.memory_space<vmem>> -> memref<100x16xf32, #tpu.memory_space<vmem>>
      %dma_wait3A_357 = arith.constant 0 : i32
      %dma_wait3A_358 = tpu.memref_slice %arg6[%dma_wait3A_353, %dma_wait3A_357] : memref<32x100xi32, #tpu.memory_space<vmem>> -> memref<1x100xi32, #tpu.memory_space<vmem>>
      %dma_wait3A_359 = tpu.memref_squeeze %dma_wait3A_358 : memref<1x100xi32, #tpu.memory_space<vmem>> -> memref<100xi32, #tpu.memory_space<vmem>>
      %dma_wait3A_360 = arith.constant 0 : i32
      %dma_wait3A_361 = arith.constant 0 : i32
      %dma_wait3A_362 = tpu.memref_slice %arg3[%dma_wait3A_360, %dma_wait3A_361] : memref<100001x16xf32, #tpu.memory_space<hbm>> -> memref<100001x16xf32, #tpu.memory_space<hbm>>
      tpu.wait_indirect_dma semaphore(%arg11 : memref<!tpu.dma_semaphore, #tpu.memory_space<semaphore_mem>>) src(%dma_wait3A_362 : memref<100001x16xf32, #tpu.memory_space<hbm>>) dst(%dma_wait3A_356 : memref<100x16xf32, #tpu.memory_space<vmem>>)
      %dma_wait3A_363 = arith.constant 2 : i32
      %dma_wait3A_364 = arith.constant 200 : i32
      %dma_wait3A_365 = arith.constant 0 : i32
      %dma_wait3A_366 = tpu.memref_slice %arg7[%dma_wait3A_364, %dma_wait3A_365] : memref<3200x16xf32, #tpu.memory_space<vmem>> -> memref<100x16xf32, #tpu.memory_space<vmem>>
      %dma_wait3A_367 = arith.constant 0 : i32
      %dma_wait3A_368 = tpu.memref_slice %arg6[%dma_wait3A_363, %dma_wait3A_367] : memref<32x100xi32, #tpu.memory_space<vmem>> -> memref<1x100xi32, #tpu.memory_space<vmem>>
      %dma_wait3A_369 = tpu.memref_squeeze %dma_wait3A_368 : memref<1x100xi32, #tpu.memory_space<vmem>> -> memref<100xi32, #tpu.memory_space<vmem>>
      %dma_wait3A_370 = arith.constant 0 : i32
      %dma_wait3A_371 = arith.constant 0 : i32
      %dma_wait3A_372 = tpu.memref_slice %arg3[%dma_wait3A_370, %dma_wait3A_371] : memref<100001x16xf32, #tpu.memory_space<hbm>> -> memref<100001x16xf32, #tpu.memory_space<hbm>>
      tpu.wait_indirect_dma semaphore(%arg11 : memref<!tpu.dma_semaphore, #tpu.memory_space<semaphore_mem>>) src(%dma_wait3A_372 : memref<100001x16xf32, #tpu.memory_space<hbm>>) dst(%dma_wait3A_366 : memref<100x16xf32, #tpu.memory_space<vmem>>)
      %dma_wait3A_373 = arith.constant 3 : i32
      %dma_wait3A_374 = arith.constant 300 : i32
      %dma_wait3A_375 = arith.constant 0 : i32
      %dma_wait3A_376 = tpu.memref_slice %arg7[%dma_wait3A_374, %dma_wait3A_375] : memref<3200x16xf32, #tpu.memory_space<vmem>> -> memref<100x16xf32, #tpu.memory_space<vmem>>
      %dma_wait3A_377 = arith.constant 0 : i32
      %dma_wait3A_378 = tpu.memref_slice %arg6[%dma_wait3A_373, %dma_wait3A_377] : memref<32x100xi32, #tpu.memory_space<vmem>> -> memref<1x100xi32, #tpu.memory_space<vmem>>
      %dma_wait3A_379 = tpu.memref_squeeze %dma_wait3A_378 : memref<1x100xi32, #tpu.memory_space<vmem>> -> memref<100xi32, #tpu.memory_space<vmem>>
      %dma_wait3A_380 = arith.constant 0 : i32
      %dma_wait3A_381 = arith.constant 0 : i32
      %dma_wait3A_382 = tpu.memref_slice %arg3[%dma_wait3A_380, %dma_wait3A_381] : memref<100001x16xf32, #tpu.memory_space<hbm>> -> memref<100001x16xf32, #tpu.memory_space<hbm>>
      tpu.wait_indirect_dma semaphore(%arg11 : memref<!tpu.dma_semaphore, #tpu.memory_space<semaphore_mem>>) src(%dma_wait3A_382 : memref<100001x16xf32, #tpu.memory_space<hbm>>) dst(%dma_wait3A_376 : memref<100x16xf32, #tpu.memory_space<vmem>>)
      %dma_wait3A_383 = arith.constant 4 : i32
      %dma_wait3A_384 = arith.constant 400 : i32
      %dma_wait3A_385 = arith.constant 0 : i32
      %dma_wait3A_386 = tpu.memref_slice %arg7[%dma_wait3A_384, %dma_wait3A_385] : memref<3200x16xf32, #tpu.memory_space<vmem>> -> memref<100x16xf32, #tpu.memory_space<vmem>>
      %dma_wait3A_387 = arith.constant 0 : i32
      %dma_wait3A_388 = tpu.memref_slice %arg6[%dma_wait3A_383, %dma_wait3A_387] : memref<32x100xi32, #tpu.memory_space<vmem>> -> memref<1x100xi32, #tpu.memory_space<vmem>>
      %dma_wait3A_389 = tpu.memref_squeeze %dma_wait3A_388 : memref<1x100xi32, #tpu.memory_space<vmem>> -> memref<100xi32, #tpu.memory_space<vmem>>
      %dma_wait3A_390 = arith.constant 0 : i32
      %dma_wait3A_391 = arith.constant 0 : i32
      %dma_wait3A_392 = tpu.memref_slice %arg3[%dma_wait3A_390, %dma_wait3A_391] : memref<100001x16xf32, #tpu.memory_space<hbm>> -> memref<100001x16xf32, #tpu.memory_space<hbm>>
      tpu.wait_indirect_dma semaphore(%arg11 : memref<!tpu.dma_semaphore, #tpu.memory_space<semaphore_mem>>) src(%dma_wait3A_392 : memref<100001x16xf32, #tpu.memory_space<hbm>>) dst(%dma_wait3A_386 : memref<100x16xf32, #tpu.memory_space<vmem>>)
      %dma_wait3A_393 = arith.constant 5 : i32
      %dma_wait3A_394 = arith.constant 500 : i32
      %dma_wait3A_395 = arith.constant 0 : i32
      %dma_wait3A_396 = tpu.memref_slice %arg7[%dma_wait3A_394, %dma_wait3A_395] : memref<3200x16xf32, #tpu.memory_space<vmem>> -> memref<100x16xf32, #tpu.memory_space<vmem>>
      %dma_wait3A_397 = arith.constant 0 : i32
      %dma_wait3A_398 = tpu.memref_slice %arg6[%dma_wait3A_393, %dma_wait3A_397] : memref<32x100xi32, #tpu.memory_space<vmem>> -> memref<1x100xi32, #tpu.memory_space<vmem>>
      %dma_wait3A_399 = tpu.memref_squeeze %dma_wait3A_398 : memref<1x100xi32, #tpu.memory_space<vmem>> -> memref<100xi32, #tpu.memory_space<vmem>>
      %dma_wait3A_400 = arith.constant 0 : i32
      %dma_wait3A_401 = arith.constant 0 : i32
      %dma_wait3A_402 = tpu.memref_slice %arg3[%dma_wait3A_400, %dma_wait3A_401] : memref<100001x16xf32, #tpu.memory_space<hbm>> -> memref<100001x16xf32, #tpu.memory_space<hbm>>
      tpu.wait_indirect_dma semaphore(%arg11 : memref<!tpu.dma_semaphore, #tpu.memory_space<semaphore_mem>>) src(%dma_wait3A_402 : memref<100001x16xf32, #tpu.memory_space<hbm>>) dst(%dma_wait3A_396 : memref<100x16xf32, #tpu.memory_space<vmem>>)
      %dma_wait3A_403 = arith.constant 6 : i32
      %dma_wait3A_404 = arith.constant 600 : i32
      %dma_wait3A_405 = arith.constant 0 : i32
      %dma_wait3A_406 = tpu.memref_slice %arg7[%dma_wait3A_404, %dma_wait3A_405] : memref<3200x16xf32, #tpu.memory_space<vmem>> -> memref<100x16xf32, #tpu.memory_space<vmem>>
      %dma_wait3A_407 = arith.constant 0 : i32
      %dma_wait3A_408 = tpu.memref_slice %arg6[%dma_wait3A_403, %dma_wait3A_407] : memref<32x100xi32, #tpu.memory_space<vmem>> -> memref<1x100xi32, #tpu.memory_space<vmem>>
      %dma_wait3A_409 = tpu.memref_squeeze %dma_wait3A_408 : memref<1x100xi32, #tpu.memory_space<vmem>> -> memref<100xi32, #tpu.memory_space<vmem>>
      %dma_wait3A_410 = arith.constant 0 : i32
      %dma_wait3A_411 = arith.constant 0 : i32
      %dma_wait3A_412 = tpu.memref_slice %arg3[%dma_wait3A_410, %dma_wait3A_411] : memref<100001x16xf32, #tpu.memory_space<hbm>> -> memref<100001x16xf32, #tpu.memory_space<hbm>>
      tpu.wait_indirect_dma semaphore(%arg11 : memref<!tpu.dma_semaphore, #tpu.memory_space<semaphore_mem>>) src(%dma_wait3A_412 : memref<100001x16xf32, #tpu.memory_space<hbm>>) dst(%dma_wait3A_406 : memref<100x16xf32, #tpu.memory_space<vmem>>)
      %dma_wait3A_413 = arith.constant 7 : i32
      %dma_wait3A_414 = arith.constant 700 : i32
      %dma_wait3A_415 = arith.constant 0 : i32
      %dma_wait3A_416 = tpu.memref_slice %arg7[%dma_wait3A_414, %dma_wait3A_415] : memref<3200x16xf32, #tpu.memory_space<vmem>> -> memref<100x16xf32, #tpu.memory_space<vmem>>
      %dma_wait3A_417 = arith.constant 0 : i32
      %dma_wait3A_418 = tpu.memref_slice %arg6[%dma_wait3A_413, %dma_wait3A_417] : memref<32x100xi32, #tpu.memory_space<vmem>> -> memref<1x100xi32, #tpu.memory_space<vmem>>
      %dma_wait3A_419 = tpu.memref_squeeze %dma_wait3A_418 : memref<1x100xi32, #tpu.memory_space<vmem>> -> memref<100xi32, #tpu.memory_space<vmem>>
      %dma_wait3A_420 = arith.constant 0 : i32
      %dma_wait3A_421 = arith.constant 0 : i32
      %dma_wait3A_422 = tpu.memref_slice %arg3[%dma_wait3A_420, %dma_wait3A_421] : memref<100001x16xf32, #tpu.memory_space<hbm>> -> memref<100001x16xf32, #tpu.memory_space<hbm>>
      tpu.wait_indirect_dma semaphore(%arg11 : memref<!tpu.dma_semaphore, #tpu.memory_space<semaphore_mem>>) src(%dma_wait3A_422 : memref<100001x16xf32, #tpu.memory_space<hbm>>) dst(%dma_wait3A_416 : memref<100x16xf32, #tpu.memory_space<vmem>>)
      %dma_wait3A_423 = arith.constant 8 : i32
      %dma_wait3A_424 = arith.constant 800 : i32
      %dma_wait3A_425 = arith.constant 0 : i32
      %dma_wait3A_426 = tpu.memref_slice %arg7[%dma_wait3A_424, %dma_wait3A_425] : memref<3200x16xf32, #tpu.memory_space<vmem>> -> memref<100x16xf32, #tpu.memory_space<vmem>>
      %dma_wait3A_427 = arith.constant 0 : i32
      %dma_wait3A_428 = tpu.memref_slice %arg6[%dma_wait3A_423, %dma_wait3A_427] : memref<32x100xi32, #tpu.memory_space<vmem>> -> memref<1x100xi32, #tpu.memory_space<vmem>>
      %dma_wait3A_429 = tpu.memref_squeeze %dma_wait3A_428 : memref<1x100xi32, #tpu.memory_space<vmem>> -> memref<100xi32, #tpu.memory_space<vmem>>
      %dma_wait3A_430 = arith.constant 0 : i32
      %dma_wait3A_431 = arith.constant 0 : i32
      %dma_wait3A_432 = tpu.memref_slice %arg3[%dma_wait3A_430, %dma_wait3A_431] : memref<100001x16xf32, #tpu.memory_space<hbm>> -> memref<100001x16xf32, #tpu.memory_space<hbm>>
      tpu.wait_indirect_dma semaphore(%arg11 : memref<!tpu.dma_semaphore, #tpu.memory_space<semaphore_mem>>) src(%dma_wait3A_432 : memref<100001x16xf32, #tpu.memory_space<hbm>>) dst(%dma_wait3A_426 : memref<100x16xf32, #tpu.memory_space<vmem>>)
      %dma_wait3A_433 = arith.constant 9 : i32
      %dma_wait3A_434 = arith.constant 900 : i32
      %dma_wait3A_435 = arith.constant 0 : i32
      %dma_wait3A_436 = tpu.memref_slice %arg7[%dma_wait3A_434, %dma_wait3A_435] : memref<3200x16xf32, #tpu.memory_space<vmem>> -> memref<100x16xf32, #tpu.memory_space<vmem>>
      %dma_wait3A_437 = arith.constant 0 : i32
      %dma_wait3A_438 = tpu.memref_slice %arg6[%dma_wait3A_433, %dma_wait3A_437] : memref<32x100xi32, #tpu.memory_space<vmem>> -> memref<1x100xi32, #tpu.memory_space<vmem>>
      %dma_wait3A_439 = tpu.memref_squeeze %dma_wait3A_438 : memref<1x100xi32, #tpu.memory_space<vmem>> -> memref<100xi32, #tpu.memory_space<vmem>>
      %dma_wait3A_440 = arith.constant 0 : i32
      %dma_wait3A_441 = arith.constant 0 : i32
      %dma_wait3A_442 = tpu.memref_slice %arg3[%dma_wait3A_440, %dma_wait3A_441] : memref<100001x16xf32, #tpu.memory_space<hbm>> -> memref<100001x16xf32, #tpu.memory_space<hbm>>
      tpu.wait_indirect_dma semaphore(%arg11 : memref<!tpu.dma_semaphore, #tpu.memory_space<semaphore_mem>>) src(%dma_wait3A_442 : memref<100001x16xf32, #tpu.memory_space<hbm>>) dst(%dma_wait3A_436 : memref<100x16xf32, #tpu.memory_space<vmem>>)
      %dma_wait3A_443 = arith.constant 10 : i32
      %dma_wait3A_444 = arith.constant 1000 : i32
      %dma_wait3A_445 = arith.constant 0 : i32
      %dma_wait3A_446 = tpu.memref_slice %arg7[%dma_wait3A_444, %dma_wait3A_445] : memref<3200x16xf32, #tpu.memory_space<vmem>> -> memref<100x16xf32, #tpu.memory_space<vmem>>
      %dma_wait3A_447 = arith.constant 0 : i32
      %dma_wait3A_448 = tpu.memref_slice %arg6[%dma_wait3A_443, %dma_wait3A_447] : memref<32x100xi32, #tpu.memory_space<vmem>> -> memref<1x100xi32, #tpu.memory_space<vmem>>
      %dma_wait3A_449 = tpu.memref_squeeze %dma_wait3A_448 : memref<1x100xi32, #tpu.memory_space<vmem>> -> memref<100xi32, #tpu.memory_space<vmem>>
      %dma_wait3A_450 = arith.constant 0 : i32
      %dma_wait3A_451 = arith.constant 0 : i32
      %dma_wait3A_452 = tpu.memref_slice %arg3[%dma_wait3A_450, %dma_wait3A_451] : memref<100001x16xf32, #tpu.memory_space<hbm>> -> memref<100001x16xf32, #tpu.memory_space<hbm>>
      tpu.wait_indirect_dma semaphore(%arg11 : memref<!tpu.dma_semaphore, #tpu.memory_space<semaphore_mem>>) src(%dma_wait3A_452 : memref<100001x16xf32, #tpu.memory_space<hbm>>) dst(%dma_wait3A_446 : memref<100x16xf32, #tpu.memory_space<vmem>>)
      %dma_wait3A_453 = arith.constant 11 : i32
      %dma_wait3A_454 = arith.constant 1100 : i32
      %dma_wait3A_455 = arith.constant 0 : i32
      %dma_wait3A_456 = tpu.memref_slice %arg7[%dma_wait3A_454, %dma_wait3A_455] : memref<3200x16xf32, #tpu.memory_space<vmem>> -> memref<100x16xf32, #tpu.memory_space<vmem>>
      %dma_wait3A_457 = arith.constant 0 : i32
      %dma_wait3A_458 = tpu.memref_slice %arg6[%dma_wait3A_453, %dma_wait3A_457] : memref<32x100xi32, #tpu.memory_space<vmem>> -> memref<1x100xi32, #tpu.memory_space<vmem>>
      %dma_wait3A_459 = tpu.memref_squeeze %dma_wait3A_458 : memref<1x100xi32, #tpu.memory_space<vmem>> -> memref<100xi32, #tpu.memory_space<vmem>>
      %dma_wait3A_460 = arith.constant 0 : i32
      %dma_wait3A_461 = arith.constant 0 : i32
      %dma_wait3A_462 = tpu.memref_slice %arg3[%dma_wait3A_460, %dma_wait3A_461] : memref<100001x16xf32, #tpu.memory_space<hbm>> -> memref<100001x16xf32, #tpu.memory_space<hbm>>
      tpu.wait_indirect_dma semaphore(%arg11 : memref<!tpu.dma_semaphore, #tpu.memory_space<semaphore_mem>>) src(%dma_wait3A_462 : memref<100001x16xf32, #tpu.memory_space<hbm>>) dst(%dma_wait3A_456 : memref<100x16xf32, #tpu.memory_space<vmem>>)
      %dma_wait3A_463 = arith.constant 12 : i32
      %dma_wait3A_464 = arith.constant 1200 : i32
      %dma_wait3A_465 = arith.constant 0 : i32
      %dma_wait3A_466 = tpu.memref_slice %arg7[%dma_wait3A_464, %dma_wait3A_465] : memref<3200x16xf32, #tpu.memory_space<vmem>> -> memref<100x16xf32, #tpu.memory_space<vmem>>
      %dma_wait3A_467 = arith.constant 0 : i32
      %dma_wait3A_468 = tpu.memref_slice %arg6[%dma_wait3A_463, %dma_wait3A_467] : memref<32x100xi32, #tpu.memory_space<vmem>> -> memref<1x100xi32, #tpu.memory_space<vmem>>
      %dma_wait3A_469 = tpu.memref_squeeze %dma_wait3A_468 : memref<1x100xi32, #tpu.memory_space<vmem>> -> memref<100xi32, #tpu.memory_space<vmem>>
      %dma_wait3A_470 = arith.constant 0 : i32
      %dma_wait3A_471 = arith.constant 0 : i32
      %dma_wait3A_472 = tpu.memref_slice %arg3[%dma_wait3A_470, %dma_wait3A_471] : memref<100001x16xf32, #tpu.memory_space<hbm>> -> memref<100001x16xf32, #tpu.memory_space<hbm>>
      tpu.wait_indirect_dma semaphore(%arg11 : memref<!tpu.dma_semaphore, #tpu.memory_space<semaphore_mem>>) src(%dma_wait3A_472 : memref<100001x16xf32, #tpu.memory_space<hbm>>) dst(%dma_wait3A_466 : memref<100x16xf32, #tpu.memory_space<vmem>>)
      %dma_wait3A_473 = arith.constant 13 : i32
      %dma_wait3A_474 = arith.constant 1300 : i32
      %dma_wait3A_475 = arith.constant 0 : i32
      %dma_wait3A_476 = tpu.memref_slice %arg7[%dma_wait3A_474, %dma_wait3A_475] : memref<3200x16xf32, #tpu.memory_space<vmem>> -> memref<100x16xf32, #tpu.memory_space<vmem>>
      %dma_wait3A_477 = arith.constant 0 : i32
      %dma_wait3A_478 = tpu.memref_slice %arg6[%dma_wait3A_473, %dma_wait3A_477] : memref<32x100xi32, #tpu.memory_space<vmem>> -> memref<1x100xi32, #tpu.memory_space<vmem>>
      %dma_wait3A_479 = tpu.memref_squeeze %dma_wait3A_478 : memref<1x100xi32, #tpu.memory_space<vmem>> -> memref<100xi32, #tpu.memory_space<vmem>>
      %dma_wait3A_480 = arith.constant 0 : i32
      %dma_wait3A_481 = arith.constant 0 : i32
      %dma_wait3A_482 = tpu.memref_slice %arg3[%dma_wait3A_480, %dma_wait3A_481] : memref<100001x16xf32, #tpu.memory_space<hbm>> -> memref<100001x16xf32, #tpu.memory_space<hbm>>
      tpu.wait_indirect_dma semaphore(%arg11 : memref<!tpu.dma_semaphore, #tpu.memory_space<semaphore_mem>>) src(%dma_wait3A_482 : memref<100001x16xf32, #tpu.memory_space<hbm>>) dst(%dma_wait3A_476 : memref<100x16xf32, #tpu.memory_space<vmem>>)
      %dma_wait3A_483 = arith.constant 14 : i32
      %dma_wait3A_484 = arith.constant 1400 : i32
      %dma_wait3A_485 = arith.constant 0 : i32
      %dma_wait3A_486 = tpu.memref_slice %arg7[%dma_wait3A_484, %dma_wait3A_485] : memref<3200x16xf32, #tpu.memory_space<vmem>> -> memref<100x16xf32, #tpu.memory_space<vmem>>
      %dma_wait3A_487 = arith.constant 0 : i32
      %dma_wait3A_488 = tpu.memref_slice %arg6[%dma_wait3A_483, %dma_wait3A_487] : memref<32x100xi32, #tpu.memory_space<vmem>> -> memref<1x100xi32, #tpu.memory_space<vmem>>
      %dma_wait3A_489 = tpu.memref_squeeze %dma_wait3A_488 : memref<1x100xi32, #tpu.memory_space<vmem>> -> memref<100xi32, #tpu.memory_space<vmem>>
      %dma_wait3A_490 = arith.constant 0 : i32
      %dma_wait3A_491 = arith.constant 0 : i32
      %dma_wait3A_492 = tpu.memref_slice %arg3[%dma_wait3A_490, %dma_wait3A_491] : memref<100001x16xf32, #tpu.memory_space<hbm>> -> memref<100001x16xf32, #tpu.memory_space<hbm>>
      tpu.wait_indirect_dma semaphore(%arg11 : memref<!tpu.dma_semaphore, #tpu.memory_space<semaphore_mem>>) src(%dma_wait3A_492 : memref<100001x16xf32, #tpu.memory_space<hbm>>) dst(%dma_wait3A_486 : memref<100x16xf32, #tpu.memory_space<vmem>>)
      %dma_wait3A_493 = arith.constant 15 : i32
      %dma_wait3A_494 = arith.constant 1500 : i32
      %dma_wait3A_495 = arith.constant 0 : i32
      %dma_wait3A_496 = tpu.memref_slice %arg7[%dma_wait3A_494, %dma_wait3A_495] : memref<3200x16xf32, #tpu.memory_space<vmem>> -> memref<100x16xf32, #tpu.memory_space<vmem>>
      %dma_wait3A_497 = arith.constant 0 : i32
      %dma_wait3A_498 = tpu.memref_slice %arg6[%dma_wait3A_493, %dma_wait3A_497] : memref<32x100xi32, #tpu.memory_space<vmem>> -> memref<1x100xi32, #tpu.memory_space<vmem>>
      %dma_wait3A_499 = tpu.memref_squeeze %dma_wait3A_498 : memref<1x100xi32, #tpu.memory_space<vmem>> -> memref<100xi32, #tpu.memory_space<vmem>>
      %dma_wait3A_500 = arith.constant 0 : i32
      %dma_wait3A_501 = arith.constant 0 : i32
      %dma_wait3A_502 = tpu.memref_slice %arg3[%dma_wait3A_500, %dma_wait3A_501] : memref<100001x16xf32, #tpu.memory_space<hbm>> -> memref<100001x16xf32, #tpu.memory_space<hbm>>
      tpu.wait_indirect_dma semaphore(%arg11 : memref<!tpu.dma_semaphore, #tpu.memory_space<semaphore_mem>>) src(%dma_wait3A_502 : memref<100001x16xf32, #tpu.memory_space<hbm>>) dst(%dma_wait3A_496 : memref<100x16xf32, #tpu.memory_space<vmem>>)
      %dma_wait3A_503 = arith.constant 16 : i32
      %dma_wait3A_504 = arith.constant 1600 : i32
      %dma_wait3A_505 = arith.constant 0 : i32
      %dma_wait3A_506 = tpu.memref_slice %arg7[%dma_wait3A_504, %dma_wait3A_505] : memref<3200x16xf32, #tpu.memory_space<vmem>> -> memref<100x16xf32, #tpu.memory_space<vmem>>
      %dma_wait3A_507 = arith.constant 0 : i32
      %dma_wait3A_508 = tpu.memref_slice %arg6[%dma_wait3A_503, %dma_wait3A_507] : memref<32x100xi32, #tpu.memory_space<vmem>> -> memref<1x100xi32, #tpu.memory_space<vmem>>
      %dma_wait3A_509 = tpu.memref_squeeze %dma_wait3A_508 : memref<1x100xi32, #tpu.memory_space<vmem>> -> memref<100xi32, #tpu.memory_space<vmem>>
      %dma_wait3A_510 = arith.constant 0 : i32
      %dma_wait3A_511 = arith.constant 0 : i32
      %dma_wait3A_512 = tpu.memref_slice %arg3[%dma_wait3A_510, %dma_wait3A_511] : memref<100001x16xf32, #tpu.memory_space<hbm>> -> memref<100001x16xf32, #tpu.memory_space<hbm>>
      tpu.wait_indirect_dma semaphore(%arg11 : memref<!tpu.dma_semaphore, #tpu.memory_space<semaphore_mem>>) src(%dma_wait3A_512 : memref<100001x16xf32, #tpu.memory_space<hbm>>) dst(%dma_wait3A_506 : memref<100x16xf32, #tpu.memory_space<vmem>>)
      %dma_wait3A_513 = arith.constant 17 : i32
      %dma_wait3A_514 = arith.constant 1700 : i32
      %dma_wait3A_515 = arith.constant 0 : i32
      %dma_wait3A_516 = tpu.memref_slice %arg7[%dma_wait3A_514, %dma_wait3A_515] : memref<3200x16xf32, #tpu.memory_space<vmem>> -> memref<100x16xf32, #tpu.memory_space<vmem>>
      %dma_wait3A_517 = arith.constant 0 : i32
      %dma_wait3A_518 = tpu.memref_slice %arg6[%dma_wait3A_513, %dma_wait3A_517] : memref<32x100xi32, #tpu.memory_space<vmem>> -> memref<1x100xi32, #tpu.memory_space<vmem>>
      %dma_wait3A_519 = tpu.memref_squeeze %dma_wait3A_518 : memref<1x100xi32, #tpu.memory_space<vmem>> -> memref<100xi32, #tpu.memory_space<vmem>>
      %dma_wait3A_520 = arith.constant 0 : i32
      %dma_wait3A_521 = arith.constant 0 : i32
      %dma_wait3A_522 = tpu.memref_slice %arg3[%dma_wait3A_520, %dma_wait3A_521] : memref<100001x16xf32, #tpu.memory_space<hbm>> -> memref<100001x16xf32, #tpu.memory_space<hbm>>
      tpu.wait_indirect_dma semaphore(%arg11 : memref<!tpu.dma_semaphore, #tpu.memory_space<semaphore_mem>>) src(%dma_wait3A_522 : memref<100001x16xf32, #tpu.memory_space<hbm>>) dst(%dma_wait3A_516 : memref<100x16xf32, #tpu.memory_space<vmem>>)
      %dma_wait3A_523 = arith.constant 18 : i32
      %dma_wait3A_524 = arith.constant 1800 : i32
      %dma_wait3A_525 = arith.constant 0 : i32
      %dma_wait3A_526 = tpu.memref_slice %arg7[%dma_wait3A_524, %dma_wait3A_525] : memref<3200x16xf32, #tpu.memory_space<vmem>> -> memref<100x16xf32, #tpu.memory_space<vmem>>
      %dma_wait3A_527 = arith.constant 0 : i32
      %dma_wait3A_528 = tpu.memref_slice %arg6[%dma_wait3A_523, %dma_wait3A_527] : memref<32x100xi32, #tpu.memory_space<vmem>> -> memref<1x100xi32, #tpu.memory_space<vmem>>
      %dma_wait3A_529 = tpu.memref_squeeze %dma_wait3A_528 : memref<1x100xi32, #tpu.memory_space<vmem>> -> memref<100xi32, #tpu.memory_space<vmem>>
      %dma_wait3A_530 = arith.constant 0 : i32
      %dma_wait3A_531 = arith.constant 0 : i32
      %dma_wait3A_532 = tpu.memref_slice %arg3[%dma_wait3A_530, %dma_wait3A_531] : memref<100001x16xf32, #tpu.memory_space<hbm>> -> memref<100001x16xf32, #tpu.memory_space<hbm>>
      tpu.wait_indirect_dma semaphore(%arg11 : memref<!tpu.dma_semaphore, #tpu.memory_space<semaphore_mem>>) src(%dma_wait3A_532 : memref<100001x16xf32, #tpu.memory_space<hbm>>) dst(%dma_wait3A_526 : memref<100x16xf32, #tpu.memory_space<vmem>>)
      %dma_wait3A_533 = arith.constant 19 : i32
      %dma_wait3A_534 = arith.constant 1900 : i32
      %dma_wait3A_535 = arith.constant 0 : i32
      %dma_wait3A_536 = tpu.memref_slice %arg7[%dma_wait3A_534, %dma_wait3A_535] : memref<3200x16xf32, #tpu.memory_space<vmem>> -> memref<100x16xf32, #tpu.memory_space<vmem>>
      %dma_wait3A_537 = arith.constant 0 : i32
      %dma_wait3A_538 = tpu.memref_slice %arg6[%dma_wait3A_533, %dma_wait3A_537] : memref<32x100xi32, #tpu.memory_space<vmem>> -> memref<1x100xi32, #tpu.memory_space<vmem>>
      %dma_wait3A_539 = tpu.memref_squeeze %dma_wait3A_538 : memref<1x100xi32, #tpu.memory_space<vmem>> -> memref<100xi32, #tpu.memory_space<vmem>>
      %dma_wait3A_540 = arith.constant 0 : i32
      %dma_wait3A_541 = arith.constant 0 : i32
      %dma_wait3A_542 = tpu.memref_slice %arg3[%dma_wait3A_540, %dma_wait3A_541] : memref<100001x16xf32, #tpu.memory_space<hbm>> -> memref<100001x16xf32, #tpu.memory_space<hbm>>
      tpu.wait_indirect_dma semaphore(%arg11 : memref<!tpu.dma_semaphore, #tpu.memory_space<semaphore_mem>>) src(%dma_wait3A_542 : memref<100001x16xf32, #tpu.memory_space<hbm>>) dst(%dma_wait3A_536 : memref<100x16xf32, #tpu.memory_space<vmem>>)
      %dma_wait3A_543 = arith.constant 20 : i32
      %dma_wait3A_544 = arith.constant 2000 : i32
      %dma_wait3A_545 = arith.constant 0 : i32
      %dma_wait3A_546 = tpu.memref_slice %arg7[%dma_wait3A_544, %dma_wait3A_545] : memref<3200x16xf32, #tpu.memory_space<vmem>> -> memref<100x16xf32, #tpu.memory_space<vmem>>
      %dma_wait3A_547 = arith.constant 0 : i32
      %dma_wait3A_548 = tpu.memref_slice %arg6[%dma_wait3A_543, %dma_wait3A_547] : memref<32x100xi32, #tpu.memory_space<vmem>> -> memref<1x100xi32, #tpu.memory_space<vmem>>
      %dma_wait3A_549 = tpu.memref_squeeze %dma_wait3A_548 : memref<1x100xi32, #tpu.memory_space<vmem>> -> memref<100xi32, #tpu.memory_space<vmem>>
      %dma_wait3A_550 = arith.constant 0 : i32
      %dma_wait3A_551 = arith.constant 0 : i32
      %dma_wait3A_552 = tpu.memref_slice %arg3[%dma_wait3A_550, %dma_wait3A_551] : memref<100001x16xf32, #tpu.memory_space<hbm>> -> memref<100001x16xf32, #tpu.memory_space<hbm>>
      tpu.wait_indirect_dma semaphore(%arg11 : memref<!tpu.dma_semaphore, #tpu.memory_space<semaphore_mem>>) src(%dma_wait3A_552 : memref<100001x16xf32, #tpu.memory_space<hbm>>) dst(%dma_wait3A_546 : memref<100x16xf32, #tpu.memory_space<vmem>>)
      %dma_wait3A_553 = arith.constant 21 : i32
      %dma_wait3A_554 = arith.constant 2100 : i32
      %dma_wait3A_555 = arith.constant 0 : i32
      %dma_wait3A_556 = tpu.memref_slice %arg7[%dma_wait3A_554, %dma_wait3A_555] : memref<3200x16xf32, #tpu.memory_space<vmem>> -> memref<100x16xf32, #tpu.memory_space<vmem>>
      %dma_wait3A_557 = arith.constant 0 : i32
      %dma_wait3A_558 = tpu.memref_slice %arg6[%dma_wait3A_553, %dma_wait3A_557] : memref<32x100xi32, #tpu.memory_space<vmem>> -> memref<1x100xi32, #tpu.memory_space<vmem>>
      %dma_wait3A_559 = tpu.memref_squeeze %dma_wait3A_558 : memref<1x100xi32, #tpu.memory_space<vmem>> -> memref<100xi32, #tpu.memory_space<vmem>>
      %dma_wait3A_560 = arith.constant 0 : i32
      %dma_wait3A_561 = arith.constant 0 : i32
      %dma_wait3A_562 = tpu.memref_slice %arg3[%dma_wait3A_560, %dma_wait3A_561] : memref<100001x16xf32, #tpu.memory_space<hbm>> -> memref<100001x16xf32, #tpu.memory_space<hbm>>
      tpu.wait_indirect_dma semaphore(%arg11 : memref<!tpu.dma_semaphore, #tpu.memory_space<semaphore_mem>>) src(%dma_wait3A_562 : memref<100001x16xf32, #tpu.memory_space<hbm>>) dst(%dma_wait3A_556 : memref<100x16xf32, #tpu.memory_space<vmem>>)
      %dma_wait3A_563 = arith.constant 22 : i32
      %dma_wait3A_564 = arith.constant 2200 : i32
      %dma_wait3A_565 = arith.constant 0 : i32
      %dma_wait3A_566 = tpu.memref_slice %arg7[%dma_wait3A_564, %dma_wait3A_565] : memref<3200x16xf32, #tpu.memory_space<vmem>> -> memref<100x16xf32, #tpu.memory_space<vmem>>
      %dma_wait3A_567 = arith.constant 0 : i32
      %dma_wait3A_568 = tpu.memref_slice %arg6[%dma_wait3A_563, %dma_wait3A_567] : memref<32x100xi32, #tpu.memory_space<vmem>> -> memref<1x100xi32, #tpu.memory_space<vmem>>
      %dma_wait3A_569 = tpu.memref_squeeze %dma_wait3A_568 : memref<1x100xi32, #tpu.memory_space<vmem>> -> memref<100xi32, #tpu.memory_space<vmem>>
      %dma_wait3A_570 = arith.constant 0 : i32
      %dma_wait3A_571 = arith.constant 0 : i32
      %dma_wait3A_572 = tpu.memref_slice %arg3[%dma_wait3A_570, %dma_wait3A_571] : memref<100001x16xf32, #tpu.memory_space<hbm>> -> memref<100001x16xf32, #tpu.memory_space<hbm>>
      tpu.wait_indirect_dma semaphore(%arg11 : memref<!tpu.dma_semaphore, #tpu.memory_space<semaphore_mem>>) src(%dma_wait3A_572 : memref<100001x16xf32, #tpu.memory_space<hbm>>) dst(%dma_wait3A_566 : memref<100x16xf32, #tpu.memory_space<vmem>>)
      %dma_wait3A_573 = arith.constant 23 : i32
      %dma_wait3A_574 = arith.constant 2300 : i32
      %dma_wait3A_575 = arith.constant 0 : i32
      %dma_wait3A_576 = tpu.memref_slice %arg7[%dma_wait3A_574, %dma_wait3A_575] : memref<3200x16xf32, #tpu.memory_space<vmem>> -> memref<100x16xf32, #tpu.memory_space<vmem>>
      %dma_wait3A_577 = arith.constant 0 : i32
      %dma_wait3A_578 = tpu.memref_slice %arg6[%dma_wait3A_573, %dma_wait3A_577] : memref<32x100xi32, #tpu.memory_space<vmem>> -> memref<1x100xi32, #tpu.memory_space<vmem>>
      %dma_wait3A_579 = tpu.memref_squeeze %dma_wait3A_578 : memref<1x100xi32, #tpu.memory_space<vmem>> -> memref<100xi32, #tpu.memory_space<vmem>>
      %dma_wait3A_580 = arith.constant 0 : i32
      %dma_wait3A_581 = arith.constant 0 : i32
      %dma_wait3A_582 = tpu.memref_slice %arg3[%dma_wait3A_580, %dma_wait3A_581] : memref<100001x16xf32, #tpu.memory_space<hbm>> -> memref<100001x16xf32, #tpu.memory_space<hbm>>
      tpu.wait_indirect_dma semaphore(%arg11 : memref<!tpu.dma_semaphore, #tpu.memory_space<semaphore_mem>>) src(%dma_wait3A_582 : memref<100001x16xf32, #tpu.memory_space<hbm>>) dst(%dma_wait3A_576 : memref<100x16xf32, #tpu.memory_space<vmem>>)
      %dma_wait3A_583 = arith.constant 24 : i32
      %dma_wait3A_584 = arith.constant 2400 : i32
      %dma_wait3A_585 = arith.constant 0 : i32
      %dma_wait3A_586 = tpu.memref_slice %arg7[%dma_wait3A_584, %dma_wait3A_585] : memref<3200x16xf32, #tpu.memory_space<vmem>> -> memref<100x16xf32, #tpu.memory_space<vmem>>
      %dma_wait3A_587 = arith.constant 0 : i32
      %dma_wait3A_588 = tpu.memref_slice %arg6[%dma_wait3A_583, %dma_wait3A_587] : memref<32x100xi32, #tpu.memory_space<vmem>> -> memref<1x100xi32, #tpu.memory_space<vmem>>
      %dma_wait3A_589 = tpu.memref_squeeze %dma_wait3A_588 : memref<1x100xi32, #tpu.memory_space<vmem>> -> memref<100xi32, #tpu.memory_space<vmem>>
      %dma_wait3A_590 = arith.constant 0 : i32
      %dma_wait3A_591 = arith.constant 0 : i32
      %dma_wait3A_592 = tpu.memref_slice %arg3[%dma_wait3A_590, %dma_wait3A_591] : memref<100001x16xf32, #tpu.memory_space<hbm>> -> memref<100001x16xf32, #tpu.memory_space<hbm>>
      tpu.wait_indirect_dma semaphore(%arg11 : memref<!tpu.dma_semaphore, #tpu.memory_space<semaphore_mem>>) src(%dma_wait3A_592 : memref<100001x16xf32, #tpu.memory_space<hbm>>) dst(%dma_wait3A_586 : memref<100x16xf32, #tpu.memory_space<vmem>>)
      %dma_wait3A_593 = arith.constant 25 : i32
      %dma_wait3A_594 = arith.constant 2500 : i32
      %dma_wait3A_595 = arith.constant 0 : i32
      %dma_wait3A_596 = tpu.memref_slice %arg7[%dma_wait3A_594, %dma_wait3A_595] : memref<3200x16xf32, #tpu.memory_space<vmem>> -> memref<100x16xf32, #tpu.memory_space<vmem>>
      %dma_wait3A_597 = arith.constant 0 : i32
      %dma_wait3A_598 = tpu.memref_slice %arg6[%dma_wait3A_593, %dma_wait3A_597] : memref<32x100xi32, #tpu.memory_space<vmem>> -> memref<1x100xi32, #tpu.memory_space<vmem>>
      %dma_wait3A_599 = tpu.memref_squeeze %dma_wait3A_598 : memref<1x100xi32, #tpu.memory_space<vmem>> -> memref<100xi32, #tpu.memory_space<vmem>>
      %dma_wait3A_600 = arith.constant 0 : i32
      %dma_wait3A_601 = arith.constant 0 : i32
      %dma_wait3A_602 = tpu.memref_slice %arg3[%dma_wait3A_600, %dma_wait3A_601] : memref<100001x16xf32, #tpu.memory_space<hbm>> -> memref<100001x16xf32, #tpu.memory_space<hbm>>
      tpu.wait_indirect_dma semaphore(%arg11 : memref<!tpu.dma_semaphore, #tpu.memory_space<semaphore_mem>>) src(%dma_wait3A_602 : memref<100001x16xf32, #tpu.memory_space<hbm>>) dst(%dma_wait3A_596 : memref<100x16xf32, #tpu.memory_space<vmem>>)
      %dma_wait3A_603 = arith.constant 26 : i32
      %dma_wait3A_604 = arith.constant 2600 : i32
      %dma_wait3A_605 = arith.constant 0 : i32
      %dma_wait3A_606 = tpu.memref_slice %arg7[%dma_wait3A_604, %dma_wait3A_605] : memref<3200x16xf32, #tpu.memory_space<vmem>> -> memref<100x16xf32, #tpu.memory_space<vmem>>
      %dma_wait3A_607 = arith.constant 0 : i32
      %dma_wait3A_608 = tpu.memref_slice %arg6[%dma_wait3A_603, %dma_wait3A_607] : memref<32x100xi32, #tpu.memory_space<vmem>> -> memref<1x100xi32, #tpu.memory_space<vmem>>
      %dma_wait3A_609 = tpu.memref_squeeze %dma_wait3A_608 : memref<1x100xi32, #tpu.memory_space<vmem>> -> memref<100xi32, #tpu.memory_space<vmem>>
      %dma_wait3A_610 = arith.constant 0 : i32
      %dma_wait3A_611 = arith.constant 0 : i32
      %dma_wait3A_612 = tpu.memref_slice %arg3[%dma_wait3A_610, %dma_wait3A_611] : memref<100001x16xf32, #tpu.memory_space<hbm>> -> memref<100001x16xf32, #tpu.memory_space<hbm>>
      tpu.wait_indirect_dma semaphore(%arg11 : memref<!tpu.dma_semaphore, #tpu.memory_space<semaphore_mem>>) src(%dma_wait3A_612 : memref<100001x16xf32, #tpu.memory_space<hbm>>) dst(%dma_wait3A_606 : memref<100x16xf32, #tpu.memory_space<vmem>>)
      %dma_wait3A_613 = arith.constant 27 : i32
      %dma_wait3A_614 = arith.constant 2700 : i32
      %dma_wait3A_615 = arith.constant 0 : i32
      %dma_wait3A_616 = tpu.memref_slice %arg7[%dma_wait3A_614, %dma_wait3A_615] : memref<3200x16xf32, #tpu.memory_space<vmem>> -> memref<100x16xf32, #tpu.memory_space<vmem>>
      %dma_wait3A_617 = arith.constant 0 : i32
      %dma_wait3A_618 = tpu.memref_slice %arg6[%dma_wait3A_613, %dma_wait3A_617] : memref<32x100xi32, #tpu.memory_space<vmem>> -> memref<1x100xi32, #tpu.memory_space<vmem>>
      %dma_wait3A_619 = tpu.memref_squeeze %dma_wait3A_618 : memref<1x100xi32, #tpu.memory_space<vmem>> -> memref<100xi32, #tpu.memory_space<vmem>>
      %dma_wait3A_620 = arith.constant 0 : i32
      %dma_wait3A_621 = arith.constant 0 : i32
      %dma_wait3A_622 = tpu.memref_slice %arg3[%dma_wait3A_620, %dma_wait3A_621] : memref<100001x16xf32, #tpu.memory_space<hbm>> -> memref<100001x16xf32, #tpu.memory_space<hbm>>
      tpu.wait_indirect_dma semaphore(%arg11 : memref<!tpu.dma_semaphore, #tpu.memory_space<semaphore_mem>>) src(%dma_wait3A_622 : memref<100001x16xf32, #tpu.memory_space<hbm>>) dst(%dma_wait3A_616 : memref<100x16xf32, #tpu.memory_space<vmem>>)
      %dma_wait3A_623 = arith.constant 28 : i32
      %dma_wait3A_624 = arith.constant 2800 : i32
      %dma_wait3A_625 = arith.constant 0 : i32
      %dma_wait3A_626 = tpu.memref_slice %arg7[%dma_wait3A_624, %dma_wait3A_625] : memref<3200x16xf32, #tpu.memory_space<vmem>> -> memref<100x16xf32, #tpu.memory_space<vmem>>
      %dma_wait3A_627 = arith.constant 0 : i32
      %dma_wait3A_628 = tpu.memref_slice %arg6[%dma_wait3A_623, %dma_wait3A_627] : memref<32x100xi32, #tpu.memory_space<vmem>> -> memref<1x100xi32, #tpu.memory_space<vmem>>
      %dma_wait3A_629 = tpu.memref_squeeze %dma_wait3A_628 : memref<1x100xi32, #tpu.memory_space<vmem>> -> memref<100xi32, #tpu.memory_space<vmem>>
      %dma_wait3A_630 = arith.constant 0 : i32
      %dma_wait3A_631 = arith.constant 0 : i32
      %dma_wait3A_632 = tpu.memref_slice %arg3[%dma_wait3A_630, %dma_wait3A_631] : memref<100001x16xf32, #tpu.memory_space<hbm>> -> memref<100001x16xf32, #tpu.memory_space<hbm>>
      tpu.wait_indirect_dma semaphore(%arg11 : memref<!tpu.dma_semaphore, #tpu.memory_space<semaphore_mem>>) src(%dma_wait3A_632 : memref<100001x16xf32, #tpu.memory_space<hbm>>) dst(%dma_wait3A_626 : memref<100x16xf32, #tpu.memory_space<vmem>>)
      %dma_wait3A_633 = arith.constant 29 : i32
      %dma_wait3A_634 = arith.constant 2900 : i32
      %dma_wait3A_635 = arith.constant 0 : i32
      %dma_wait3A_636 = tpu.memref_slice %arg7[%dma_wait3A_634, %dma_wait3A_635] : memref<3200x16xf32, #tpu.memory_space<vmem>> -> memref<100x16xf32, #tpu.memory_space<vmem>>
      %dma_wait3A_637 = arith.constant 0 : i32
      %dma_wait3A_638 = tpu.memref_slice %arg6[%dma_wait3A_633, %dma_wait3A_637] : memref<32x100xi32, #tpu.memory_space<vmem>> -> memref<1x100xi32, #tpu.memory_space<vmem>>
      %dma_wait3A_639 = tpu.memref_squeeze %dma_wait3A_638 : memref<1x100xi32, #tpu.memory_space<vmem>> -> memref<100xi32, #tpu.memory_space<vmem>>
      %dma_wait3A_640 = arith.constant 0 : i32
      %dma_wait3A_641 = arith.constant 0 : i32
      %dma_wait3A_642 = tpu.memref_slice %arg3[%dma_wait3A_640, %dma_wait3A_641] : memref<100001x16xf32, #tpu.memory_space<hbm>> -> memref<100001x16xf32, #tpu.memory_space<hbm>>
      tpu.wait_indirect_dma semaphore(%arg11 : memref<!tpu.dma_semaphore, #tpu.memory_space<semaphore_mem>>) src(%dma_wait3A_642 : memref<100001x16xf32, #tpu.memory_space<hbm>>) dst(%dma_wait3A_636 : memref<100x16xf32, #tpu.memory_space<vmem>>)
      %dma_wait3A_643 = arith.constant 30 : i32
      %dma_wait3A_644 = arith.constant 3000 : i32
      %dma_wait3A_645 = arith.constant 0 : i32
      %dma_wait3A_646 = tpu.memref_slice %arg7[%dma_wait3A_644, %dma_wait3A_645] : memref<3200x16xf32, #tpu.memory_space<vmem>> -> memref<100x16xf32, #tpu.memory_space<vmem>>
      %dma_wait3A_647 = arith.constant 0 : i32
      %dma_wait3A_648 = tpu.memref_slice %arg6[%dma_wait3A_643, %dma_wait3A_647] : memref<32x100xi32, #tpu.memory_space<vmem>> -> memref<1x100xi32, #tpu.memory_space<vmem>>
      %dma_wait3A_649 = tpu.memref_squeeze %dma_wait3A_648 : memref<1x100xi32, #tpu.memory_space<vmem>> -> memref<100xi32, #tpu.memory_space<vmem>>
      %dma_wait3A_650 = arith.constant 0 : i32
      %dma_wait3A_651 = arith.constant 0 : i32
      %dma_wait3A_652 = tpu.memref_slice %arg3[%dma_wait3A_650, %dma_wait3A_651] : memref<100001x16xf32, #tpu.memory_space<hbm>> -> memref<100001x16xf32, #tpu.memory_space<hbm>>
      tpu.wait_indirect_dma semaphore(%arg11 : memref<!tpu.dma_semaphore, #tpu.memory_space<semaphore_mem>>) src(%dma_wait3A_652 : memref<100001x16xf32, #tpu.memory_space<hbm>>) dst(%dma_wait3A_646 : memref<100x16xf32, #tpu.memory_space<vmem>>)
      %dma_wait3A_653 = arith.constant 31 : i32
      %dma_wait3A_654 = arith.constant 3100 : i32
      %dma_wait3A_655 = arith.constant 0 : i32
      %dma_wait3A_656 = tpu.memref_slice %arg7[%dma_wait3A_654, %dma_wait3A_655] : memref<3200x16xf32, #tpu.memory_space<vmem>> -> memref<100x16xf32, #tpu.memory_space<vmem>>
      %dma_wait3A_657 = arith.constant 0 : i32
      %dma_wait3A_658 = tpu.memref_slice %arg6[%dma_wait3A_653, %dma_wait3A_657] : memref<32x100xi32, #tpu.memory_space<vmem>> -> memref<1x100xi32, #tpu.memory_space<vmem>>
      %dma_wait3A_659 = tpu.memref_squeeze %dma_wait3A_658 : memref<1x100xi32, #tpu.memory_space<vmem>> -> memref<100xi32, #tpu.memory_space<vmem>>
      %dma_wait3A_660 = arith.constant 0 : i32
      %dma_wait3A_661 = arith.constant 0 : i32
      %dma_wait3A_662 = tpu.memref_slice %arg3[%dma_wait3A_660, %dma_wait3A_661] : memref<100001x16xf32, #tpu.memory_space<hbm>> -> memref<100001x16xf32, #tpu.memory_space<hbm>>
      tpu.wait_indirect_dma semaphore(%arg11 : memref<!tpu.dma_semaphore, #tpu.memory_space<semaphore_mem>>) src(%dma_wait3A_662 : memref<100001x16xf32, #tpu.memory_space<hbm>>) dst(%dma_wait3A_656 : memref<100x16xf32, #tpu.memory_space<vmem>>)
      %iota3A = tpu.iota {dimensions = array<i32: 0>} : vector<16xi32>
      %broadcast_in_dim3A = arith.constant 0.000000e+00 : f32
      %broadcast_in_dim3A_663 = vector.broadcast %broadcast_in_dim3A : f32 to vector<16xf32>
      %scan3A_664 = arith.constant 0 : i32
      %scan3A_665 = arith.constant 200 : i32
      %scan3A_666 = arith.addi %scan3A_664, %scan3A_665 : i32
      %scan3A_667 = arith.constant 8 : i32
      %scan3A_668 = scf.for %scan3A_1121 = %scan3A_664 to %scan3A_666 step %scan3A_667 iter_args(%scan3A_1122 = %broadcast_in_dim3A_663) -> (vector<16xf32>)  : i32 {
        %add3A_1123 = arith.constant 0 : i32
        %add3A_1124 = arith.addi %add3A_1123, %scan3A_1121 : i32
        %get3A_1125 = arith.index_cast %add3A_1124 : i32 to index
        %get3A_1126 = arith.constant 0 : index
        %get3A_1127 = tpu.vector_load %arg7[%get3A_1125, %get3A_1126] {strides = array<i32>} : memref<3200x16xf32, #tpu.memory_space<vmem>>, vector<16xf32>,
        %add3A_1128 = arith.addf %scan3A_1122, %get3A_1127 : vector<16xf32>
        %scan3A_1129 = arith.constant 1 : i32
        %scan3A_1130 = arith.addi %scan3A_1121, %scan3A_1129 : i32
        %add3A_1131 = arith.constant 0 : i32
        %add3A_1132 = arith.addi %add3A_1131, %scan3A_1130 : i32
        %get3A_1133 = arith.index_cast %add3A_1132 : i32 to index
        %get3A_1134 = arith.constant 0 : index
        %get3A_1135 = tpu.vector_load %arg7[%get3A_1133, %get3A_1134] {strides = array<i32>} : memref<3200x16xf32, #tpu.memory_space<vmem>>, vector<16xf32>,
        %add3A_1136 = arith.addf %add3A_1128, %get3A_1135 : vector<16xf32>
        %scan3A_1137 = arith.constant 2 : i32
        %scan3A_1138 = arith.addi %scan3A_1121, %scan3A_1137 : i32
        %add3A_1139 = arith.constant 0 : i32
        %add3A_1140 = arith.addi %add3A_1139, %scan3A_1138 : i32
        %get3A_1141 = arith.index_cast %add3A_1140 : i32 to index
        %get3A_1142 = arith.constant 0 : index
        %get3A_1143 = tpu.vector_load %arg7[%get3A_1141, %get3A_1142] {strides = array<i32>} : memref<3200x16xf32, #tpu.memory_space<vmem>>, vector<16xf32>,
        %add3A_1144 = arith.addf %add3A_1136, %get3A_1143 : vector<16xf32>
        %scan3A_1145 = arith.constant 3 : i32
        %scan3A_1146 = arith.addi %scan3A_1121, %scan3A_1145 : i32
        %add3A_1147 = arith.constant 0 : i32
        %add3A_1148 = arith.addi %add3A_1147, %scan3A_1146 : i32
        %get3A_1149 = arith.index_cast %add3A_1148 : i32 to index
        %get3A_1150 = arith.constant 0 : index
        %get3A_1151 = tpu.vector_load %arg7[%get3A_1149, %get3A_1150] {strides = array<i32>} : memref<3200x16xf32, #tpu.memory_space<vmem>>, vector<16xf32>,
        %add3A_1152 = arith.addf %add3A_1144, %get3A_1151 : vector<16xf32>
        %scan3A_1153 = arith.constant 4 : i32
        %scan3A_1154 = arith.addi %scan3A_1121, %scan3A_1153 : i32
        %add3A_1155 = arith.constant 0 : i32
        %add3A_1156 = arith.addi %add3A_1155, %scan3A_1154 : i32
        %get3A_1157 = arith.index_cast %add3A_1156 : i32 to index
        %get3A_1158 = arith.constant 0 : index
        %get3A_1159 = tpu.vector_load %arg7[%get3A_1157, %get3A_1158] {strides = array<i32>} : memref<3200x16xf32, #tpu.memory_space<vmem>>, vector<16xf32>,
        %add3A_1160 = arith.addf %add3A_1152, %get3A_1159 : vector<16xf32>
        %scan3A_1161 = arith.constant 5 : i32
        %scan3A_1162 = arith.addi %scan3A_1121, %scan3A_1161 : i32
        %add3A_1163 = arith.constant 0 : i32
        %add3A_1164 = arith.addi %add3A_1163, %scan3A_1162 : i32
        %get3A_1165 = arith.index_cast %add3A_1164 : i32 to index
        %get3A_1166 = arith.constant 0 : index
        %get3A_1167 = tpu.vector_load %arg7[%get3A_1165, %get3A_1166] {strides = array<i32>} : memref<3200x16xf32, #tpu.memory_space<vmem>>, vector<16xf32>,
        %add3A_1168 = arith.addf %add3A_1160, %get3A_1167 : vector<16xf32>
        %scan3A_1169 = arith.constant 6 : i32
        %scan3A_1170 = arith.addi %scan3A_1121, %scan3A_1169 : i32
        %add3A_1171 = arith.constant 0 : i32
        %add3A_1172 = arith.addi %add3A_1171, %scan3A_1170 : i32
        %get3A_1173 = arith.index_cast %add3A_1172 : i32 to index
        %get3A_1174 = arith.constant 0 : index
        %get3A_1175 = tpu.vector_load %arg7[%get3A_1173, %get3A_1174] {strides = array<i32>} : memref<3200x16xf32, #tpu.memory_space<vmem>>, vector<16xf32>,
        %add3A_1176 = arith.addf %add3A_1168, %get3A_1175 : vector<16xf32>
        %scan3A_1177 = arith.constant 7 : i32
        %scan3A_1178 = arith.addi %scan3A_1121, %scan3A_1177 : i32
        %add3A_1179 = arith.constant 0 : i32
        %add3A_1180 = arith.addi %add3A_1179, %scan3A_1178 : i32
        %get3A_1181 = arith.index_cast %add3A_1180 : i32 to index
        %get3A_1182 = arith.constant 0 : index
        %get3A_1183 = tpu.vector_load %arg7[%get3A_1181, %get3A_1182] {strides = array<i32>} : memref<3200x16xf32, #tpu.memory_space<vmem>>, vector<16xf32>,
        %add3A_1184 = arith.addf %add3A_1176, %get3A_1183 : vector<16xf32>
        scf.yield %add3A_1184 : vector<16xf32>
      }
      %scan3A_669 = arith.constant 200 : i32
      %mul3A_670 = arith.constant 16 : i32
      %mul3A_671 = vector.broadcast %mul3A_670 : i32 to vector<16xi32>
      %mul3A_672 = arith.muli %iota3A, %mul3A_671 : vector<16xi32>
      %add3A_673 = arith.constant 0 : i32
      %add3A_674 = vector.broadcast %add3A_673 : i32 to vector<16xi32>
      %add3A_675 = arith.addi %mul3A_672, %add3A_674 : vector<16xi32>
      tpu.vector_store_idx %arg8[%add3A_675], %scan3A_668 : memref<256xf32, #tpu.memory_space<vmem>>[vector<16xi32>], vector<16xf32>,
      %broadcast_in_dim3A_676 = arith.constant 0.000000e+00 : f32
      %broadcast_in_dim3A_677 = vector.broadcast %broadcast_in_dim3A_676 : f32 to vector<16xf32>
      %scan3A_678 = arith.constant 0 : i32
      %scan3A_679 = arith.constant 200 : i32
      %scan3A_680 = arith.addi %scan3A_678, %scan3A_679 : i32
      %scan3A_681 = arith.constant 8 : i32
      %scan3A_682 = scf.for %scan3A_1121 = %scan3A_678 to %scan3A_680 step %scan3A_681 iter_args(%scan3A_1122 = %broadcast_in_dim3A_677) -> (vector<16xf32>)  : i32 {
        %add3A_1123 = arith.constant 200 : i32
        %add3A_1124 = arith.addi %add3A_1123, %scan3A_1121 : i32
        %get3A_1125 = arith.index_cast %add3A_1124 : i32 to index
        %get3A_1126 = arith.constant 0 : index
        %get3A_1127 = tpu.vector_load %arg7[%get3A_1125, %get3A_1126] {strides = array<i32>} : memref<3200x16xf32, #tpu.memory_space<vmem>>, vector<16xf32>,
        %add3A_1128 = arith.addf %scan3A_1122, %get3A_1127 : vector<16xf32>
        %scan3A_1129 = arith.constant 1 : i32
        %scan3A_1130 = arith.addi %scan3A_1121, %scan3A_1129 : i32
        %add3A_1131 = arith.constant 200 : i32
        %add3A_1132 = arith.addi %add3A_1131, %scan3A_1130 : i32
        %get3A_1133 = arith.index_cast %add3A_1132 : i32 to index
        %get3A_1134 = arith.constant 0 : index
        %get3A_1135 = tpu.vector_load %arg7[%get3A_1133, %get3A_1134] {strides = array<i32>} : memref<3200x16xf32, #tpu.memory_space<vmem>>, vector<16xf32>,
        %add3A_1136 = arith.addf %add3A_1128, %get3A_1135 : vector<16xf32>
        %scan3A_1137 = arith.constant 2 : i32
        %scan3A_1138 = arith.addi %scan3A_1121, %scan3A_1137 : i32
        %add3A_1139 = arith.constant 200 : i32
        %add3A_1140 = arith.addi %add3A_1139, %scan3A_1138 : i32
        %get3A_1141 = arith.index_cast %add3A_1140 : i32 to index
        %get3A_1142 = arith.constant 0 : index
        %get3A_1143 = tpu.vector_load %arg7[%get3A_1141, %get3A_1142] {strides = array<i32>} : memref<3200x16xf32, #tpu.memory_space<vmem>>, vector<16xf32>,
        %add3A_1144 = arith.addf %add3A_1136, %get3A_1143 : vector<16xf32>
        %scan3A_1145 = arith.constant 3 : i32
        %scan3A_1146 = arith.addi %scan3A_1121, %scan3A_1145 : i32
        %add3A_1147 = arith.constant 200 : i32
        %add3A_1148 = arith.addi %add3A_1147, %scan3A_1146 : i32
        %get3A_1149 = arith.index_cast %add3A_1148 : i32 to index
        %get3A_1150 = arith.constant 0 : index
        %get3A_1151 = tpu.vector_load %arg7[%get3A_1149, %get3A_1150] {strides = array<i32>} : memref<3200x16xf32, #tpu.memory_space<vmem>>, vector<16xf32>,
        %add3A_1152 = arith.addf %add3A_1144, %get3A_1151 : vector<16xf32>
        %scan3A_1153 = arith.constant 4 : i32
        %scan3A_1154 = arith.addi %scan3A_1121, %scan3A_1153 : i32
        %add3A_1155 = arith.constant 200 : i32
        %add3A_1156 = arith.addi %add3A_1155, %scan3A_1154 : i32
        %get3A_1157 = arith.index_cast %add3A_1156 : i32 to index
        %get3A_1158 = arith.constant 0 : index
        %get3A_1159 = tpu.vector_load %arg7[%get3A_1157, %get3A_1158] {strides = array<i32>} : memref<3200x16xf32, #tpu.memory_space<vmem>>, vector<16xf32>,
        %add3A_1160 = arith.addf %add3A_1152, %get3A_1159 : vector<16xf32>
        %scan3A_1161 = arith.constant 5 : i32
        %scan3A_1162 = arith.addi %scan3A_1121, %scan3A_1161 : i32
        %add3A_1163 = arith.constant 200 : i32
        %add3A_1164 = arith.addi %add3A_1163, %scan3A_1162 : i32
        %get3A_1165 = arith.index_cast %add3A_1164 : i32 to index
        %get3A_1166 = arith.constant 0 : index
        %get3A_1167 = tpu.vector_load %arg7[%get3A_1165, %get3A_1166] {strides = array<i32>} : memref<3200x16xf32, #tpu.memory_space<vmem>>, vector<16xf32>,
        %add3A_1168 = arith.addf %add3A_1160, %get3A_1167 : vector<16xf32>
        %scan3A_1169 = arith.constant 6 : i32
        %scan3A_1170 = arith.addi %scan3A_1121, %scan3A_1169 : i32
        %add3A_1171 = arith.constant 200 : i32
        %add3A_1172 = arith.addi %add3A_1171, %scan3A_1170 : i32
        %get3A_1173 = arith.index_cast %add3A_1172 : i32 to index
        %get3A_1174 = arith.constant 0 : index
        %get3A_1175 = tpu.vector_load %arg7[%get3A_1173, %get3A_1174] {strides = array<i32>} : memref<3200x16xf32, #tpu.memory_space<vmem>>, vector<16xf32>,
        %add3A_1176 = arith.addf %add3A_1168, %get3A_1175 : vector<16xf32>
        %scan3A_1177 = arith.constant 7 : i32
        %scan3A_1178 = arith.addi %scan3A_1121, %scan3A_1177 : i32
        %add3A_1179 = arith.constant 200 : i32
        %add3A_1180 = arith.addi %add3A_1179, %scan3A_1178 : i32
        %get3A_1181 = arith.index_cast %add3A_1180 : i32 to index
        %get3A_1182 = arith.constant 0 : index
        %get3A_1183 = tpu.vector_load %arg7[%get3A_1181, %get3A_1182] {strides = array<i32>} : memref<3200x16xf32, #tpu.memory_space<vmem>>, vector<16xf32>,
        %add3A_1184 = arith.addf %add3A_1176, %get3A_1183 : vector<16xf32>
        scf.yield %add3A_1184 : vector<16xf32>
      }
      %scan3A_683 = arith.constant 200 : i32
      %mul3A_684 = arith.constant 16 : i32
      %mul3A_685 = vector.broadcast %mul3A_684 : i32 to vector<16xi32>
      %mul3A_686 = arith.muli %iota3A, %mul3A_685 : vector<16xi32>
      %add3A_687 = arith.constant 1 : i32
      %add3A_688 = vector.broadcast %add3A_687 : i32 to vector<16xi32>
      %add3A_689 = arith.addi %mul3A_686, %add3A_688 : vector<16xi32>
      tpu.vector_store_idx %arg8[%add3A_689], %scan3A_682 : memref<256xf32, #tpu.memory_space<vmem>>[vector<16xi32>], vector<16xf32>,
      %broadcast_in_dim3A_690 = arith.constant 0.000000e+00 : f32
      %broadcast_in_dim3A_691 = vector.broadcast %broadcast_in_dim3A_690 : f32 to vector<16xf32>
      %scan3A_692 = arith.constant 0 : i32
      %scan3A_693 = arith.constant 200 : i32
      %scan3A_694 = arith.addi %scan3A_692, %scan3A_693 : i32
      %scan3A_695 = arith.constant 8 : i32
      %scan3A_696 = scf.for %scan3A_1121 = %scan3A_692 to %scan3A_694 step %scan3A_695 iter_args(%scan3A_1122 = %broadcast_in_dim3A_691) -> (vector<16xf32>)  : i32 {
        %add3A_1123 = arith.constant 400 : i32
        %add3A_1124 = arith.addi %add3A_1123, %scan3A_1121 : i32
        %get3A_1125 = arith.index_cast %add3A_1124 : i32 to index
        %get3A_1126 = arith.constant 0 : index
        %get3A_1127 = tpu.vector_load %arg7[%get3A_1125, %get3A_1126] {strides = array<i32>} : memref<3200x16xf32, #tpu.memory_space<vmem>>, vector<16xf32>,
        %add3A_1128 = arith.addf %scan3A_1122, %get3A_1127 : vector<16xf32>
        %scan3A_1129 = arith.constant 1 : i32
        %scan3A_1130 = arith.addi %scan3A_1121, %scan3A_1129 : i32
        %add3A_1131 = arith.constant 400 : i32
        %add3A_1132 = arith.addi %add3A_1131, %scan3A_1130 : i32
        %get3A_1133 = arith.index_cast %add3A_1132 : i32 to index
        %get3A_1134 = arith.constant 0 : index
        %get3A_1135 = tpu.vector_load %arg7[%get3A_1133, %get3A_1134] {strides = array<i32>} : memref<3200x16xf32, #tpu.memory_space<vmem>>, vector<16xf32>,
        %add3A_1136 = arith.addf %add3A_1128, %get3A_1135 : vector<16xf32>
        %scan3A_1137 = arith.constant 2 : i32
        %scan3A_1138 = arith.addi %scan3A_1121, %scan3A_1137 : i32
        %add3A_1139 = arith.constant 400 : i32
        %add3A_1140 = arith.addi %add3A_1139, %scan3A_1138 : i32
        %get3A_1141 = arith.index_cast %add3A_1140 : i32 to index
        %get3A_1142 = arith.constant 0 : index
        %get3A_1143 = tpu.vector_load %arg7[%get3A_1141, %get3A_1142] {strides = array<i32>} : memref<3200x16xf32, #tpu.memory_space<vmem>>, vector<16xf32>,
        %add3A_1144 = arith.addf %add3A_1136, %get3A_1143 : vector<16xf32>
        %scan3A_1145 = arith.constant 3 : i32
        %scan3A_1146 = arith.addi %scan3A_1121, %scan3A_1145 : i32
        %add3A_1147 = arith.constant 400 : i32
        %add3A_1148 = arith.addi %add3A_1147, %scan3A_1146 : i32
        %get3A_1149 = arith.index_cast %add3A_1148 : i32 to index
        %get3A_1150 = arith.constant 0 : index
        %get3A_1151 = tpu.vector_load %arg7[%get3A_1149, %get3A_1150] {strides = array<i32>} : memref<3200x16xf32, #tpu.memory_space<vmem>>, vector<16xf32>,
        %add3A_1152 = arith.addf %add3A_1144, %get3A_1151 : vector<16xf32>
        %scan3A_1153 = arith.constant 4 : i32
        %scan3A_1154 = arith.addi %scan3A_1121, %scan3A_1153 : i32
        %add3A_1155 = arith.constant 400 : i32
        %add3A_1156 = arith.addi %add3A_1155, %scan3A_1154 : i32
        %get3A_1157 = arith.index_cast %add3A_1156 : i32 to index
        %get3A_1158 = arith.constant 0 : index
        %get3A_1159 = tpu.vector_load %arg7[%get3A_1157, %get3A_1158] {strides = array<i32>} : memref<3200x16xf32, #tpu.memory_space<vmem>>, vector<16xf32>,
        %add3A_1160 = arith.addf %add3A_1152, %get3A_1159 : vector<16xf32>
        %scan3A_1161 = arith.constant 5 : i32
        %scan3A_1162 = arith.addi %scan3A_1121, %scan3A_1161 : i32
        %add3A_1163 = arith.constant 400 : i32
        %add3A_1164 = arith.addi %add3A_1163, %scan3A_1162 : i32
        %get3A_1165 = arith.index_cast %add3A_1164 : i32 to index
        %get3A_1166 = arith.constant 0 : index
        %get3A_1167 = tpu.vector_load %arg7[%get3A_1165, %get3A_1166] {strides = array<i32>} : memref<3200x16xf32, #tpu.memory_space<vmem>>, vector<16xf32>,
        %add3A_1168 = arith.addf %add3A_1160, %get3A_1167 : vector<16xf32>
        %scan3A_1169 = arith.constant 6 : i32
        %scan3A_1170 = arith.addi %scan3A_1121, %scan3A_1169 : i32
        %add3A_1171 = arith.constant 400 : i32
        %add3A_1172 = arith.addi %add3A_1171, %scan3A_1170 : i32
        %get3A_1173 = arith.index_cast %add3A_1172 : i32 to index
        %get3A_1174 = arith.constant 0 : index
        %get3A_1175 = tpu.vector_load %arg7[%get3A_1173, %get3A_1174] {strides = array<i32>} : memref<3200x16xf32, #tpu.memory_space<vmem>>, vector<16xf32>,
        %add3A_1176 = arith.addf %add3A_1168, %get3A_1175 : vector<16xf32>
        %scan3A_1177 = arith.constant 7 : i32
        %scan3A_1178 = arith.addi %scan3A_1121, %scan3A_1177 : i32
        %add3A_1179 = arith.constant 400 : i32
        %add3A_1180 = arith.addi %add3A_1179, %scan3A_1178 : i32
        %get3A_1181 = arith.index_cast %add3A_1180 : i32 to index
        %get3A_1182 = arith.constant 0 : index
        %get3A_1183 = tpu.vector_load %arg7[%get3A_1181, %get3A_1182] {strides = array<i32>} : memref<3200x16xf32, #tpu.memory_space<vmem>>, vector<16xf32>,
        %add3A_1184 = arith.addf %add3A_1176, %get3A_1183 : vector<16xf32>
        scf.yield %add3A_1184 : vector<16xf32>
      }
      %scan3A_697 = arith.constant 200 : i32
      %mul3A_698 = arith.constant 16 : i32
      %mul3A_699 = vector.broadcast %mul3A_698 : i32 to vector<16xi32>
      %mul3A_700 = arith.muli %iota3A, %mul3A_699 : vector<16xi32>
      %add3A_701 = arith.constant 2 : i32
      %add3A_702 = vector.broadcast %add3A_701 : i32 to vector<16xi32>
      %add3A_703 = arith.addi %mul3A_700, %add3A_702 : vector<16xi32>
      tpu.vector_store_idx %arg8[%add3A_703], %scan3A_696 : memref<256xf32, #tpu.memory_space<vmem>>[vector<16xi32>], vector<16xf32>,
      %broadcast_in_dim3A_704 = arith.constant 0.000000e+00 : f32
      %broadcast_in_dim3A_705 = vector.broadcast %broadcast_in_dim3A_704 : f32 to vector<16xf32>
      %scan3A_706 = arith.constant 0 : i32
      %scan3A_707 = arith.constant 200 : i32
      %scan3A_708 = arith.addi %scan3A_706, %scan3A_707 : i32
      %scan3A_709 = arith.constant 8 : i32
      %scan3A_710 = scf.for %scan3A_1121 = %scan3A_706 to %scan3A_708 step %scan3A_709 iter_args(%scan3A_1122 = %broadcast_in_dim3A_705) -> (vector<16xf32>)  : i32 {
        %add3A_1123 = arith.constant 600 : i32
        %add3A_1124 = arith.addi %add3A_1123, %scan3A_1121 : i32
        %get3A_1125 = arith.index_cast %add3A_1124 : i32 to index
        %get3A_1126 = arith.constant 0 : index
        %get3A_1127 = tpu.vector_load %arg7[%get3A_1125, %get3A_1126] {strides = array<i32>} : memref<3200x16xf32, #tpu.memory_space<vmem>>, vector<16xf32>,
        %add3A_1128 = arith.addf %scan3A_1122, %get3A_1127 : vector<16xf32>
        %scan3A_1129 = arith.constant 1 : i32
        %scan3A_1130 = arith.addi %scan3A_1121, %scan3A_1129 : i32
        %add3A_1131 = arith.constant 600 : i32
        %add3A_1132 = arith.addi %add3A_1131, %scan3A_1130 : i32
        %get3A_1133 = arith.index_cast %add3A_1132 : i32 to index
        %get3A_1134 = arith.constant 0 : index
        %get3A_1135 = tpu.vector_load %arg7[%get3A_1133, %get3A_1134] {strides = array<i32>} : memref<3200x16xf32, #tpu.memory_space<vmem>>, vector<16xf32>,
        %add3A_1136 = arith.addf %add3A_1128, %get3A_1135 : vector<16xf32>
        %scan3A_1137 = arith.constant 2 : i32
        %scan3A_1138 = arith.addi %scan3A_1121, %scan3A_1137 : i32
        %add3A_1139 = arith.constant 600 : i32
        %add3A_1140 = arith.addi %add3A_1139, %scan3A_1138 : i32
        %get3A_1141 = arith.index_cast %add3A_1140 : i32 to index
        %get3A_1142 = arith.constant 0 : index
        %get3A_1143 = tpu.vector_load %arg7[%get3A_1141, %get3A_1142] {strides = array<i32>} : memref<3200x16xf32, #tpu.memory_space<vmem>>, vector<16xf32>,
        %add3A_1144 = arith.addf %add3A_1136, %get3A_1143 : vector<16xf32>
        %scan3A_1145 = arith.constant 3 : i32
        %scan3A_1146 = arith.addi %scan3A_1121, %scan3A_1145 : i32
        %add3A_1147 = arith.constant 600 : i32
        %add3A_1148 = arith.addi %add3A_1147, %scan3A_1146 : i32
        %get3A_1149 = arith.index_cast %add3A_1148 : i32 to index
        %get3A_1150 = arith.constant 0 : index
        %get3A_1151 = tpu.vector_load %arg7[%get3A_1149, %get3A_1150] {strides = array<i32>} : memref<3200x16xf32, #tpu.memory_space<vmem>>, vector<16xf32>,
        %add3A_1152 = arith.addf %add3A_1144, %get3A_1151 : vector<16xf32>
        %scan3A_1153 = arith.constant 4 : i32
        %scan3A_1154 = arith.addi %scan3A_1121, %scan3A_1153 : i32
        %add3A_1155 = arith.constant 600 : i32
        %add3A_1156 = arith.addi %add3A_1155, %scan3A_1154 : i32
        %get3A_1157 = arith.index_cast %add3A_1156 : i32 to index
        %get3A_1158 = arith.constant 0 : index
        %get3A_1159 = tpu.vector_load %arg7[%get3A_1157, %get3A_1158] {strides = array<i32>} : memref<3200x16xf32, #tpu.memory_space<vmem>>, vector<16xf32>,
        %add3A_1160 = arith.addf %add3A_1152, %get3A_1159 : vector<16xf32>
        %scan3A_1161 = arith.constant 5 : i32
        %scan3A_1162 = arith.addi %scan3A_1121, %scan3A_1161 : i32
        %add3A_1163 = arith.constant 600 : i32
        %add3A_1164 = arith.addi %add3A_1163, %scan3A_1162 : i32
        %get3A_1165 = arith.index_cast %add3A_1164 : i32 to index
        %get3A_1166 = arith.constant 0 : index
        %get3A_1167 = tpu.vector_load %arg7[%get3A_1165, %get3A_1166] {strides = array<i32>} : memref<3200x16xf32, #tpu.memory_space<vmem>>, vector<16xf32>,
        %add3A_1168 = arith.addf %add3A_1160, %get3A_1167 : vector<16xf32>
        %scan3A_1169 = arith.constant 6 : i32
        %scan3A_1170 = arith.addi %scan3A_1121, %scan3A_1169 : i32
        %add3A_1171 = arith.constant 600 : i32
        %add3A_1172 = arith.addi %add3A_1171, %scan3A_1170 : i32
        %get3A_1173 = arith.index_cast %add3A_1172 : i32 to index
        %get3A_1174 = arith.constant 0 : index
        %get3A_1175 = tpu.vector_load %arg7[%get3A_1173, %get3A_1174] {strides = array<i32>} : memref<3200x16xf32, #tpu.memory_space<vmem>>, vector<16xf32>,
        %add3A_1176 = arith.addf %add3A_1168, %get3A_1175 : vector<16xf32>
        %scan3A_1177 = arith.constant 7 : i32
        %scan3A_1178 = arith.addi %scan3A_1121, %scan3A_1177 : i32
        %add3A_1179 = arith.constant 600 : i32
        %add3A_1180 = arith.addi %add3A_1179, %scan3A_1178 : i32
        %get3A_1181 = arith.index_cast %add3A_1180 : i32 to index
        %get3A_1182 = arith.constant 0 : index
        %get3A_1183 = tpu.vector_load %arg7[%get3A_1181, %get3A_1182] {strides = array<i32>} : memref<3200x16xf32, #tpu.memory_space<vmem>>, vector<16xf32>,
        %add3A_1184 = arith.addf %add3A_1176, %get3A_1183 : vector<16xf32>
        scf.yield %add3A_1184 : vector<16xf32>
      }
      %scan3A_711 = arith.constant 200 : i32
      %mul3A_712 = arith.constant 16 : i32
      %mul3A_713 = vector.broadcast %mul3A_712 : i32 to vector<16xi32>
      %mul3A_714 = arith.muli %iota3A, %mul3A_713 : vector<16xi32>
      %add3A_715 = arith.constant 3 : i32
      %add3A_716 = vector.broadcast %add3A_715 : i32 to vector<16xi32>
      %add3A_717 = arith.addi %mul3A_714, %add3A_716 : vector<16xi32>
      tpu.vector_store_idx %arg8[%add3A_717], %scan3A_710 : memref<256xf32, #tpu.memory_space<vmem>>[vector<16xi32>], vector<16xf32>,
      %broadcast_in_dim3A_718 = arith.constant 0.000000e+00 : f32
      %broadcast_in_dim3A_719 = vector.broadcast %broadcast_in_dim3A_718 : f32 to vector<16xf32>
      %scan3A_720 = arith.constant 0 : i32
      %scan3A_721 = arith.constant 200 : i32
      %scan3A_722 = arith.addi %scan3A_720, %scan3A_721 : i32
      %scan3A_723 = arith.constant 8 : i32
      %scan3A_724 = scf.for %scan3A_1121 = %scan3A_720 to %scan3A_722 step %scan3A_723 iter_args(%scan3A_1122 = %broadcast_in_dim3A_719) -> (vector<16xf32>)  : i32 {
        %add3A_1123 = arith.constant 800 : i32
        %add3A_1124 = arith.addi %add3A_1123, %scan3A_1121 : i32
        %get3A_1125 = arith.index_cast %add3A_1124 : i32 to index
        %get3A_1126 = arith.constant 0 : index
        %get3A_1127 = tpu.vector_load %arg7[%get3A_1125, %get3A_1126] {strides = array<i32>} : memref<3200x16xf32, #tpu.memory_space<vmem>>, vector<16xf32>,
        %add3A_1128 = arith.addf %scan3A_1122, %get3A_1127 : vector<16xf32>
        %scan3A_1129 = arith.constant 1 : i32
        %scan3A_1130 = arith.addi %scan3A_1121, %scan3A_1129 : i32
        %add3A_1131 = arith.constant 800 : i32
        %add3A_1132 = arith.addi %add3A_1131, %scan3A_1130 : i32
        %get3A_1133 = arith.index_cast %add3A_1132 : i32 to index
        %get3A_1134 = arith.constant 0 : index
        %get3A_1135 = tpu.vector_load %arg7[%get3A_1133, %get3A_1134] {strides = array<i32>} : memref<3200x16xf32, #tpu.memory_space<vmem>>, vector<16xf32>,
        %add3A_1136 = arith.addf %add3A_1128, %get3A_1135 : vector<16xf32>
        %scan3A_1137 = arith.constant 2 : i32
        %scan3A_1138 = arith.addi %scan3A_1121, %scan3A_1137 : i32
        %add3A_1139 = arith.constant 800 : i32
        %add3A_1140 = arith.addi %add3A_1139, %scan3A_1138 : i32
        %get3A_1141 = arith.index_cast %add3A_1140 : i32 to index
        %get3A_1142 = arith.constant 0 : index
        %get3A_1143 = tpu.vector_load %arg7[%get3A_1141, %get3A_1142] {strides = array<i32>} : memref<3200x16xf32, #tpu.memory_space<vmem>>, vector<16xf32>,
        %add3A_1144 = arith.addf %add3A_1136, %get3A_1143 : vector<16xf32>
        %scan3A_1145 = arith.constant 3 : i32
        %scan3A_1146 = arith.addi %scan3A_1121, %scan3A_1145 : i32
        %add3A_1147 = arith.constant 800 : i32
        %add3A_1148 = arith.addi %add3A_1147, %scan3A_1146 : i32
        %get3A_1149 = arith.index_cast %add3A_1148 : i32 to index
        %get3A_1150 = arith.constant 0 : index
        %get3A_1151 = tpu.vector_load %arg7[%get3A_1149, %get3A_1150] {strides = array<i32>} : memref<3200x16xf32, #tpu.memory_space<vmem>>, vector<16xf32>,
        %add3A_1152 = arith.addf %add3A_1144, %get3A_1151 : vector<16xf32>
        %scan3A_1153 = arith.constant 4 : i32
        %scan3A_1154 = arith.addi %scan3A_1121, %scan3A_1153 : i32
        %add3A_1155 = arith.constant 800 : i32
        %add3A_1156 = arith.addi %add3A_1155, %scan3A_1154 : i32
        %get3A_1157 = arith.index_cast %add3A_1156 : i32 to index
        %get3A_1158 = arith.constant 0 : index
        %get3A_1159 = tpu.vector_load %arg7[%get3A_1157, %get3A_1158] {strides = array<i32>} : memref<3200x16xf32, #tpu.memory_space<vmem>>, vector<16xf32>,
        %add3A_1160 = arith.addf %add3A_1152, %get3A_1159 : vector<16xf32>
        %scan3A_1161 = arith.constant 5 : i32
        %scan3A_1162 = arith.addi %scan3A_1121, %scan3A_1161 : i32
        %add3A_1163 = arith.constant 800 : i32
        %add3A_1164 = arith.addi %add3A_1163, %scan3A_1162 : i32
        %get3A_1165 = arith.index_cast %add3A_1164 : i32 to index
        %get3A_1166 = arith.constant 0 : index
        %get3A_1167 = tpu.vector_load %arg7[%get3A_1165, %get3A_1166] {strides = array<i32>} : memref<3200x16xf32, #tpu.memory_space<vmem>>, vector<16xf32>,
        %add3A_1168 = arith.addf %add3A_1160, %get3A_1167 : vector<16xf32>
        %scan3A_1169 = arith.constant 6 : i32
        %scan3A_1170 = arith.addi %scan3A_1121, %scan3A_1169 : i32
        %add3A_1171 = arith.constant 800 : i32
        %add3A_1172 = arith.addi %add3A_1171, %scan3A_1170 : i32
        %get3A_1173 = arith.index_cast %add3A_1172 : i32 to index
        %get3A_1174 = arith.constant 0 : index
        %get3A_1175 = tpu.vector_load %arg7[%get3A_1173, %get3A_1174] {strides = array<i32>} : memref<3200x16xf32, #tpu.memory_space<vmem>>, vector<16xf32>,
        %add3A_1176 = arith.addf %add3A_1168, %get3A_1175 : vector<16xf32>
        %scan3A_1177 = arith.constant 7 : i32
        %scan3A_1178 = arith.addi %scan3A_1121, %scan3A_1177 : i32
        %add3A_1179 = arith.constant 800 : i32
        %add3A_1180 = arith.addi %add3A_1179, %scan3A_1178 : i32
        %get3A_1181 = arith.index_cast %add3A_1180 : i32 to index
        %get3A_1182 = arith.constant 0 : index
        %get3A_1183 = tpu.vector_load %arg7[%get3A_1181, %get3A_1182] {strides = array<i32>} : memref<3200x16xf32, #tpu.memory_space<vmem>>, vector<16xf32>,
        %add3A_1184 = arith.addf %add3A_1176, %get3A_1183 : vector<16xf32>
        scf.yield %add3A_1184 : vector<16xf32>
      }
      %scan3A_725 = arith.constant 200 : i32
      %mul3A_726 = arith.constant 16 : i32
      %mul3A_727 = vector.broadcast %mul3A_726 : i32 to vector<16xi32>
      %mul3A_728 = arith.muli %iota3A, %mul3A_727 : vector<16xi32>
      %add3A_729 = arith.constant 4 : i32
      %add3A_730 = vector.broadcast %add3A_729 : i32 to vector<16xi32>
      %add3A_731 = arith.addi %mul3A_728, %add3A_730 : vector<16xi32>
      tpu.vector_store_idx %arg8[%add3A_731], %scan3A_724 : memref<256xf32, #tpu.memory_space<vmem>>[vector<16xi32>], vector<16xf32>,
      %broadcast_in_dim3A_732 = arith.constant 0.000000e+00 : f32
      %broadcast_in_dim3A_733 = vector.broadcast %broadcast_in_dim3A_732 : f32 to vector<16xf32>
      %scan3A_734 = arith.constant 0 : i32
      %scan3A_735 = arith.constant 200 : i32
      %scan3A_736 = arith.addi %scan3A_734, %scan3A_735 : i32
      %scan3A_737 = arith.constant 8 : i32
      %scan3A_738 = scf.for %scan3A_1121 = %scan3A_734 to %scan3A_736 step %scan3A_737 iter_args(%scan3A_1122 = %broadcast_in_dim3A_733) -> (vector<16xf32>)  : i32 {
        %add3A_1123 = arith.constant 1000 : i32
        %add3A_1124 = arith.addi %add3A_1123, %scan3A_1121 : i32
        %get3A_1125 = arith.index_cast %add3A_1124 : i32 to index
        %get3A_1126 = arith.constant 0 : index
        %get3A_1127 = tpu.vector_load %arg7[%get3A_1125, %get3A_1126] {strides = array<i32>} : memref<3200x16xf32, #tpu.memory_space<vmem>>, vector<16xf32>,
        %add3A_1128 = arith.addf %scan3A_1122, %get3A_1127 : vector<16xf32>
        %scan3A_1129 = arith.constant 1 : i32
        %scan3A_1130 = arith.addi %scan3A_1121, %scan3A_1129 : i32
        %add3A_1131 = arith.constant 1000 : i32
        %add3A_1132 = arith.addi %add3A_1131, %scan3A_1130 : i32
        %get3A_1133 = arith.index_cast %add3A_1132 : i32 to index
        %get3A_1134 = arith.constant 0 : index
        %get3A_1135 = tpu.vector_load %arg7[%get3A_1133, %get3A_1134] {strides = array<i32>} : memref<3200x16xf32, #tpu.memory_space<vmem>>, vector<16xf32>,
        %add3A_1136 = arith.addf %add3A_1128, %get3A_1135 : vector<16xf32>
        %scan3A_1137 = arith.constant 2 : i32
        %scan3A_1138 = arith.addi %scan3A_1121, %scan3A_1137 : i32
        %add3A_1139 = arith.constant 1000 : i32
        %add3A_1140 = arith.addi %add3A_1139, %scan3A_1138 : i32
        %get3A_1141 = arith.index_cast %add3A_1140 : i32 to index
        %get3A_1142 = arith.constant 0 : index
        %get3A_1143 = tpu.vector_load %arg7[%get3A_1141, %get3A_1142] {strides = array<i32>} : memref<3200x16xf32, #tpu.memory_space<vmem>>, vector<16xf32>,
        %add3A_1144 = arith.addf %add3A_1136, %get3A_1143 : vector<16xf32>
        %scan3A_1145 = arith.constant 3 : i32
        %scan3A_1146 = arith.addi %scan3A_1121, %scan3A_1145 : i32
        %add3A_1147 = arith.constant 1000 : i32
        %add3A_1148 = arith.addi %add3A_1147, %scan3A_1146 : i32
        %get3A_1149 = arith.index_cast %add3A_1148 : i32 to index
        %get3A_1150 = arith.constant 0 : index
        %get3A_1151 = tpu.vector_load %arg7[%get3A_1149, %get3A_1150] {strides = array<i32>} : memref<3200x16xf32, #tpu.memory_space<vmem>>, vector<16xf32>,
        %add3A_1152 = arith.addf %add3A_1144, %get3A_1151 : vector<16xf32>
        %scan3A_1153 = arith.constant 4 : i32
        %scan3A_1154 = arith.addi %scan3A_1121, %scan3A_1153 : i32
        %add3A_1155 = arith.constant 1000 : i32
        %add3A_1156 = arith.addi %add3A_1155, %scan3A_1154 : i32
        %get3A_1157 = arith.index_cast %add3A_1156 : i32 to index
        %get3A_1158 = arith.constant 0 : index
        %get3A_1159 = tpu.vector_load %arg7[%get3A_1157, %get3A_1158] {strides = array<i32>} : memref<3200x16xf32, #tpu.memory_space<vmem>>, vector<16xf32>,
        %add3A_1160 = arith.addf %add3A_1152, %get3A_1159 : vector<16xf32>
        %scan3A_1161 = arith.constant 5 : i32
        %scan3A_1162 = arith.addi %scan3A_1121, %scan3A_1161 : i32
        %add3A_1163 = arith.constant 1000 : i32
        %add3A_1164 = arith.addi %add3A_1163, %scan3A_1162 : i32
        %get3A_1165 = arith.index_cast %add3A_1164 : i32 to index
        %get3A_1166 = arith.constant 0 : index
        %get3A_1167 = tpu.vector_load %arg7[%get3A_1165, %get3A_1166] {strides = array<i32>} : memref<3200x16xf32, #tpu.memory_space<vmem>>, vector<16xf32>,
        %add3A_1168 = arith.addf %add3A_1160, %get3A_1167 : vector<16xf32>
        %scan3A_1169 = arith.constant 6 : i32
        %scan3A_1170 = arith.addi %scan3A_1121, %scan3A_1169 : i32
        %add3A_1171 = arith.constant 1000 : i32
        %add3A_1172 = arith.addi %add3A_1171, %scan3A_1170 : i32
        %get3A_1173 = arith.index_cast %add3A_1172 : i32 to index
        %get3A_1174 = arith.constant 0 : index
        %get3A_1175 = tpu.vector_load %arg7[%get3A_1173, %get3A_1174] {strides = array<i32>} : memref<3200x16xf32, #tpu.memory_space<vmem>>, vector<16xf32>,
        %add3A_1176 = arith.addf %add3A_1168, %get3A_1175 : vector<16xf32>
        %scan3A_1177 = arith.constant 7 : i32
        %scan3A_1178 = arith.addi %scan3A_1121, %scan3A_1177 : i32
        %add3A_1179 = arith.constant 1000 : i32
        %add3A_1180 = arith.addi %add3A_1179, %scan3A_1178 : i32
        %get3A_1181 = arith.index_cast %add3A_1180 : i32 to index
        %get3A_1182 = arith.constant 0 : index
        %get3A_1183 = tpu.vector_load %arg7[%get3A_1181, %get3A_1182] {strides = array<i32>} : memref<3200x16xf32, #tpu.memory_space<vmem>>, vector<16xf32>,
        %add3A_1184 = arith.addf %add3A_1176, %get3A_1183 : vector<16xf32>
        scf.yield %add3A_1184 : vector<16xf32>
      }
      %scan3A_739 = arith.constant 200 : i32
      %mul3A_740 = arith.constant 16 : i32
      %mul3A_741 = vector.broadcast %mul3A_740 : i32 to vector<16xi32>
      %mul3A_742 = arith.muli %iota3A, %mul3A_741 : vector<16xi32>
      %add3A_743 = arith.constant 5 : i32
      %add3A_744 = vector.broadcast %add3A_743 : i32 to vector<16xi32>
      %add3A_745 = arith.addi %mul3A_742, %add3A_744 : vector<16xi32>
      tpu.vector_store_idx %arg8[%add3A_745], %scan3A_738 : memref<256xf32, #tpu.memory_space<vmem>>[vector<16xi32>], vector<16xf32>,
      %broadcast_in_dim3A_746 = arith.constant 0.000000e+00 : f32
      %broadcast_in_dim3A_747 = vector.broadcast %broadcast_in_dim3A_746 : f32 to vector<16xf32>
      %scan3A_748 = arith.constant 0 : i32
      %scan3A_749 = arith.constant 200 : i32
      %scan3A_750 = arith.addi %scan3A_748, %scan3A_749 : i32
      %scan3A_751 = arith.constant 8 : i32
      %scan3A_752 = scf.for %scan3A_1121 = %scan3A_748 to %scan3A_750 step %scan3A_751 iter_args(%scan3A_1122 = %broadcast_in_dim3A_747) -> (vector<16xf32>)  : i32 {
        %add3A_1123 = arith.constant 1200 : i32
        %add3A_1124 = arith.addi %add3A_1123, %scan3A_1121 : i32
        %get3A_1125 = arith.index_cast %add3A_1124 : i32 to index
        %get3A_1126 = arith.constant 0 : index
        %get3A_1127 = tpu.vector_load %arg7[%get3A_1125, %get3A_1126] {strides = array<i32>} : memref<3200x16xf32, #tpu.memory_space<vmem>>, vector<16xf32>,
        %add3A_1128 = arith.addf %scan3A_1122, %get3A_1127 : vector<16xf32>
        %scan3A_1129 = arith.constant 1 : i32
        %scan3A_1130 = arith.addi %scan3A_1121, %scan3A_1129 : i32
        %add3A_1131 = arith.constant 1200 : i32
        %add3A_1132 = arith.addi %add3A_1131, %scan3A_1130 : i32
        %get3A_1133 = arith.index_cast %add3A_1132 : i32 to index
        %get3A_1134 = arith.constant 0 : index
        %get3A_1135 = tpu.vector_load %arg7[%get3A_1133, %get3A_1134] {strides = array<i32>} : memref<3200x16xf32, #tpu.memory_space<vmem>>, vector<16xf32>,
        %add3A_1136 = arith.addf %add3A_1128, %get3A_1135 : vector<16xf32>
        %scan3A_1137 = arith.constant 2 : i32
        %scan3A_1138 = arith.addi %scan3A_1121, %scan3A_1137 : i32
        %add3A_1139 = arith.constant 1200 : i32
        %add3A_1140 = arith.addi %add3A_1139, %scan3A_1138 : i32
        %get3A_1141 = arith.index_cast %add3A_1140 : i32 to index
        %get3A_1142 = arith.constant 0 : index
        %get3A_1143 = tpu.vector_load %arg7[%get3A_1141, %get3A_1142] {strides = array<i32>} : memref<3200x16xf32, #tpu.memory_space<vmem>>, vector<16xf32>,
        %add3A_1144 = arith.addf %add3A_1136, %get3A_1143 : vector<16xf32>
        %scan3A_1145 = arith.constant 3 : i32
        %scan3A_1146 = arith.addi %scan3A_1121, %scan3A_1145 : i32
        %add3A_1147 = arith.constant 1200 : i32
        %add3A_1148 = arith.addi %add3A_1147, %scan3A_1146 : i32
        %get3A_1149 = arith.index_cast %add3A_1148 : i32 to index
        %get3A_1150 = arith.constant 0 : index
        %get3A_1151 = tpu.vector_load %arg7[%get3A_1149, %get3A_1150] {strides = array<i32>} : memref<3200x16xf32, #tpu.memory_space<vmem>>, vector<16xf32>,
        %add3A_1152 = arith.addf %add3A_1144, %get3A_1151 : vector<16xf32>
        %scan3A_1153 = arith.constant 4 : i32
        %scan3A_1154 = arith.addi %scan3A_1121, %scan3A_1153 : i32
        %add3A_1155 = arith.constant 1200 : i32
        %add3A_1156 = arith.addi %add3A_1155, %scan3A_1154 : i32
        %get3A_1157 = arith.index_cast %add3A_1156 : i32 to index
        %get3A_1158 = arith.constant 0 : index
        %get3A_1159 = tpu.vector_load %arg7[%get3A_1157, %get3A_1158] {strides = array<i32>} : memref<3200x16xf32, #tpu.memory_space<vmem>>, vector<16xf32>,
        %add3A_1160 = arith.addf %add3A_1152, %get3A_1159 : vector<16xf32>
        %scan3A_1161 = arith.constant 5 : i32
        %scan3A_1162 = arith.addi %scan3A_1121, %scan3A_1161 : i32
        %add3A_1163 = arith.constant 1200 : i32
        %add3A_1164 = arith.addi %add3A_1163, %scan3A_1162 : i32
        %get3A_1165 = arith.index_cast %add3A_1164 : i32 to index
        %get3A_1166 = arith.constant 0 : index
        %get3A_1167 = tpu.vector_load %arg7[%get3A_1165, %get3A_1166] {strides = array<i32>} : memref<3200x16xf32, #tpu.memory_space<vmem>>, vector<16xf32>,
        %add3A_1168 = arith.addf %add3A_1160, %get3A_1167 : vector<16xf32>
        %scan3A_1169 = arith.constant 6 : i32
        %scan3A_1170 = arith.addi %scan3A_1121, %scan3A_1169 : i32
        %add3A_1171 = arith.constant 1200 : i32
        %add3A_1172 = arith.addi %add3A_1171, %scan3A_1170 : i32
        %get3A_1173 = arith.index_cast %add3A_1172 : i32 to index
        %get3A_1174 = arith.constant 0 : index
        %get3A_1175 = tpu.vector_load %arg7[%get3A_1173, %get3A_1174] {strides = array<i32>} : memref<3200x16xf32, #tpu.memory_space<vmem>>, vector<16xf32>,
        %add3A_1176 = arith.addf %add3A_1168, %get3A_1175 : vector<16xf32>
        %scan3A_1177 = arith.constant 7 : i32
        %scan3A_1178 = arith.addi %scan3A_1121, %scan3A_1177 : i32
        %add3A_1179 = arith.constant 1200 : i32
        %add3A_1180 = arith.addi %add3A_1179, %scan3A_1178 : i32
        %get3A_1181 = arith.index_cast %add3A_1180 : i32 to index
        %get3A_1182 = arith.constant 0 : index
        %get3A_1183 = tpu.vector_load %arg7[%get3A_1181, %get3A_1182] {strides = array<i32>} : memref<3200x16xf32, #tpu.memory_space<vmem>>, vector<16xf32>,
        %add3A_1184 = arith.addf %add3A_1176, %get3A_1183 : vector<16xf32>
        scf.yield %add3A_1184 : vector<16xf32>
      }
      %scan3A_753 = arith.constant 200 : i32
      %mul3A_754 = arith.constant 16 : i32
      %mul3A_755 = vector.broadcast %mul3A_754 : i32 to vector<16xi32>
      %mul3A_756 = arith.muli %iota3A, %mul3A_755 : vector<16xi32>
      %add3A_757 = arith.constant 6 : i32
      %add3A_758 = vector.broadcast %add3A_757 : i32 to vector<16xi32>
      %add3A_759 = arith.addi %mul3A_756, %add3A_758 : vector<16xi32>
      tpu.vector_store_idx %arg8[%add3A_759], %scan3A_752 : memref<256xf32, #tpu.memory_space<vmem>>[vector<16xi32>], vector<16xf32>,
      %broadcast_in_dim3A_760 = arith.constant 0.000000e+00 : f32
      %broadcast_in_dim3A_761 = vector.broadcast %broadcast_in_dim3A_760 : f32 to vector<16xf32>
      %scan3A_762 = arith.constant 0 : i32
      %scan3A_763 = arith.constant 200 : i32
      %scan3A_764 = arith.addi %scan3A_762, %scan3A_763 : i32
      %scan3A_765 = arith.constant 8 : i32
      %scan3A_766 = scf.for %scan3A_1121 = %scan3A_762 to %scan3A_764 step %scan3A_765 iter_args(%scan3A_1122 = %broadcast_in_dim3A_761) -> (vector<16xf32>)  : i32 {
        %add3A_1123 = arith.constant 1400 : i32
        %add3A_1124 = arith.addi %add3A_1123, %scan3A_1121 : i32
        %get3A_1125 = arith.index_cast %add3A_1124 : i32 to index
        %get3A_1126 = arith.constant 0 : index
        %get3A_1127 = tpu.vector_load %arg7[%get3A_1125, %get3A_1126] {strides = array<i32>} : memref<3200x16xf32, #tpu.memory_space<vmem>>, vector<16xf32>,
        %add3A_1128 = arith.addf %scan3A_1122, %get3A_1127 : vector<16xf32>
        %scan3A_1129 = arith.constant 1 : i32
        %scan3A_1130 = arith.addi %scan3A_1121, %scan3A_1129 : i32
        %add3A_1131 = arith.constant 1400 : i32
        %add3A_1132 = arith.addi %add3A_1131, %scan3A_1130 : i32
        %get3A_1133 = arith.index_cast %add3A_1132 : i32 to index
        %get3A_1134 = arith.constant 0 : index
        %get3A_1135 = tpu.vector_load %arg7[%get3A_1133, %get3A_1134] {strides = array<i32>} : memref<3200x16xf32, #tpu.memory_space<vmem>>, vector<16xf32>,
        %add3A_1136 = arith.addf %add3A_1128, %get3A_1135 : vector<16xf32>
        %scan3A_1137 = arith.constant 2 : i32
        %scan3A_1138 = arith.addi %scan3A_1121, %scan3A_1137 : i32
        %add3A_1139 = arith.constant 1400 : i32
        %add3A_1140 = arith.addi %add3A_1139, %scan3A_1138 : i32
        %get3A_1141 = arith.index_cast %add3A_1140 : i32 to index
        %get3A_1142 = arith.constant 0 : index
        %get3A_1143 = tpu.vector_load %arg7[%get3A_1141, %get3A_1142] {strides = array<i32>} : memref<3200x16xf32, #tpu.memory_space<vmem>>, vector<16xf32>,
        %add3A_1144 = arith.addf %add3A_1136, %get3A_1143 : vector<16xf32>
        %scan3A_1145 = arith.constant 3 : i32
        %scan3A_1146 = arith.addi %scan3A_1121, %scan3A_1145 : i32
        %add3A_1147 = arith.constant 1400 : i32
        %add3A_1148 = arith.addi %add3A_1147, %scan3A_1146 : i32
        %get3A_1149 = arith.index_cast %add3A_1148 : i32 to index
        %get3A_1150 = arith.constant 0 : index
        %get3A_1151 = tpu.vector_load %arg7[%get3A_1149, %get3A_1150] {strides = array<i32>} : memref<3200x16xf32, #tpu.memory_space<vmem>>, vector<16xf32>,
        %add3A_1152 = arith.addf %add3A_1144, %get3A_1151 : vector<16xf32>
        %scan3A_1153 = arith.constant 4 : i32
        %scan3A_1154 = arith.addi %scan3A_1121, %scan3A_1153 : i32
        %add3A_1155 = arith.constant 1400 : i32
        %add3A_1156 = arith.addi %add3A_1155, %scan3A_1154 : i32
        %get3A_1157 = arith.index_cast %add3A_1156 : i32 to index
        %get3A_1158 = arith.constant 0 : index
        %get3A_1159 = tpu.vector_load %arg7[%get3A_1157, %get3A_1158] {strides = array<i32>} : memref<3200x16xf32, #tpu.memory_space<vmem>>, vector<16xf32>,
        %add3A_1160 = arith.addf %add3A_1152, %get3A_1159 : vector<16xf32>
        %scan3A_1161 = arith.constant 5 : i32
        %scan3A_1162 = arith.addi %scan3A_1121, %scan3A_1161 : i32
        %add3A_1163 = arith.constant 1400 : i32
        %add3A_1164 = arith.addi %add3A_1163, %scan3A_1162 : i32
        %get3A_1165 = arith.index_cast %add3A_1164 : i32 to index
        %get3A_1166 = arith.constant 0 : index
        %get3A_1167 = tpu.vector_load %arg7[%get3A_1165, %get3A_1166] {strides = array<i32>} : memref<3200x16xf32, #tpu.memory_space<vmem>>, vector<16xf32>,
        %add3A_1168 = arith.addf %add3A_1160, %get3A_1167 : vector<16xf32>
        %scan3A_1169 = arith.constant 6 : i32
        %scan3A_1170 = arith.addi %scan3A_1121, %scan3A_1169 : i32
        %add3A_1171 = arith.constant 1400 : i32
        %add3A_1172 = arith.addi %add3A_1171, %scan3A_1170 : i32
        %get3A_1173 = arith.index_cast %add3A_1172 : i32 to index
        %get3A_1174 = arith.constant 0 : index
        %get3A_1175 = tpu.vector_load %arg7[%get3A_1173, %get3A_1174] {strides = array<i32>} : memref<3200x16xf32, #tpu.memory_space<vmem>>, vector<16xf32>,
        %add3A_1176 = arith.addf %add3A_1168, %get3A_1175 : vector<16xf32>
        %scan3A_1177 = arith.constant 7 : i32
        %scan3A_1178 = arith.addi %scan3A_1121, %scan3A_1177 : i32
        %add3A_1179 = arith.constant 1400 : i32
        %add3A_1180 = arith.addi %add3A_1179, %scan3A_1178 : i32
        %get3A_1181 = arith.index_cast %add3A_1180 : i32 to index
        %get3A_1182 = arith.constant 0 : index
        %get3A_1183 = tpu.vector_load %arg7[%get3A_1181, %get3A_1182] {strides = array<i32>} : memref<3200x16xf32, #tpu.memory_space<vmem>>, vector<16xf32>,
        %add3A_1184 = arith.addf %add3A_1176, %get3A_1183 : vector<16xf32>
        scf.yield %add3A_1184 : vector<16xf32>
      }
      %scan3A_767 = arith.constant 200 : i32
      %mul3A_768 = arith.constant 16 : i32
      %mul3A_769 = vector.broadcast %mul3A_768 : i32 to vector<16xi32>
      %mul3A_770 = arith.muli %iota3A, %mul3A_769 : vector<16xi32>
      %add3A_771 = arith.constant 7 : i32
      %add3A_772 = vector.broadcast %add3A_771 : i32 to vector<16xi32>
      %add3A_773 = arith.addi %mul3A_770, %add3A_772 : vector<16xi32>
      tpu.vector_store_idx %arg8[%add3A_773], %scan3A_766 : memref<256xf32, #tpu.memory_space<vmem>>[vector<16xi32>], vector<16xf32>,
      %broadcast_in_dim3A_774 = arith.constant 0.000000e+00 : f32
      %broadcast_in_dim3A_775 = vector.broadcast %broadcast_in_dim3A_774 : f32 to vector<16xf32>
      %scan3A_776 = arith.constant 0 : i32
      %scan3A_777 = arith.constant 200 : i32
      %scan3A_778 = arith.addi %scan3A_776, %scan3A_777 : i32
      %scan3A_779 = arith.constant 8 : i32
      %scan3A_780 = scf.for %scan3A_1121 = %scan3A_776 to %scan3A_778 step %scan3A_779 iter_args(%scan3A_1122 = %broadcast_in_dim3A_775) -> (vector<16xf32>)  : i32 {
        %add3A_1123 = arith.constant 1600 : i32
        %add3A_1124 = arith.addi %add3A_1123, %scan3A_1121 : i32
        %get3A_1125 = arith.index_cast %add3A_1124 : i32 to index
        %get3A_1126 = arith.constant 0 : index
        %get3A_1127 = tpu.vector_load %arg7[%get3A_1125, %get3A_1126] {strides = array<i32>} : memref<3200x16xf32, #tpu.memory_space<vmem>>, vector<16xf32>,
        %add3A_1128 = arith.addf %scan3A_1122, %get3A_1127 : vector<16xf32>
        %scan3A_1129 = arith.constant 1 : i32
        %scan3A_1130 = arith.addi %scan3A_1121, %scan3A_1129 : i32
        %add3A_1131 = arith.constant 1600 : i32
        %add3A_1132 = arith.addi %add3A_1131, %scan3A_1130 : i32
        %get3A_1133 = arith.index_cast %add3A_1132 : i32 to index
        %get3A_1134 = arith.constant 0 : index
        %get3A_1135 = tpu.vector_load %arg7[%get3A_1133, %get3A_1134] {strides = array<i32>} : memref<3200x16xf32, #tpu.memory_space<vmem>>, vector<16xf32>,
        %add3A_1136 = arith.addf %add3A_1128, %get3A_1135 : vector<16xf32>
        %scan3A_1137 = arith.constant 2 : i32
        %scan3A_1138 = arith.addi %scan3A_1121, %scan3A_1137 : i32
        %add3A_1139 = arith.constant 1600 : i32
        %add3A_1140 = arith.addi %add3A_1139, %scan3A_1138 : i32
        %get3A_1141 = arith.index_cast %add3A_1140 : i32 to index
        %get3A_1142 = arith.constant 0 : index
        %get3A_1143 = tpu.vector_load %arg7[%get3A_1141, %get3A_1142] {strides = array<i32>} : memref<3200x16xf32, #tpu.memory_space<vmem>>, vector<16xf32>,
        %add3A_1144 = arith.addf %add3A_1136, %get3A_1143 : vector<16xf32>
        %scan3A_1145 = arith.constant 3 : i32
        %scan3A_1146 = arith.addi %scan3A_1121, %scan3A_1145 : i32
        %add3A_1147 = arith.constant 1600 : i32
        %add3A_1148 = arith.addi %add3A_1147, %scan3A_1146 : i32
        %get3A_1149 = arith.index_cast %add3A_1148 : i32 to index
        %get3A_1150 = arith.constant 0 : index
        %get3A_1151 = tpu.vector_load %arg7[%get3A_1149, %get3A_1150] {strides = array<i32>} : memref<3200x16xf32, #tpu.memory_space<vmem>>, vector<16xf32>,
        %add3A_1152 = arith.addf %add3A_1144, %get3A_1151 : vector<16xf32>
        %scan3A_1153 = arith.constant 4 : i32
        %scan3A_1154 = arith.addi %scan3A_1121, %scan3A_1153 : i32
        %add3A_1155 = arith.constant 1600 : i32
        %add3A_1156 = arith.addi %add3A_1155, %scan3A_1154 : i32
        %get3A_1157 = arith.index_cast %add3A_1156 : i32 to index
        %get3A_1158 = arith.constant 0 : index
        %get3A_1159 = tpu.vector_load %arg7[%get3A_1157, %get3A_1158] {strides = array<i32>} : memref<3200x16xf32, #tpu.memory_space<vmem>>, vector<16xf32>,
        %add3A_1160 = arith.addf %add3A_1152, %get3A_1159 : vector<16xf32>
        %scan3A_1161 = arith.constant 5 : i32
        %scan3A_1162 = arith.addi %scan3A_1121, %scan3A_1161 : i32
        %add3A_1163 = arith.constant 1600 : i32
        %add3A_1164 = arith.addi %add3A_1163, %scan3A_1162 : i32
        %get3A_1165 = arith.index_cast %add3A_1164 : i32 to index
        %get3A_1166 = arith.constant 0 : index
        %get3A_1167 = tpu.vector_load %arg7[%get3A_1165, %get3A_1166] {strides = array<i32>} : memref<3200x16xf32, #tpu.memory_space<vmem>>, vector<16xf32>,
        %add3A_1168 = arith.addf %add3A_1160, %get3A_1167 : vector<16xf32>
        %scan3A_1169 = arith.constant 6 : i32
        %scan3A_1170 = arith.addi %scan3A_1121, %scan3A_1169 : i32
        %add3A_1171 = arith.constant 1600 : i32
        %add3A_1172 = arith.addi %add3A_1171, %scan3A_1170 : i32
        %get3A_1173 = arith.index_cast %add3A_1172 : i32 to index
        %get3A_1174 = arith.constant 0 : index
        %get3A_1175 = tpu.vector_load %arg7[%get3A_1173, %get3A_1174] {strides = array<i32>} : memref<3200x16xf32, #tpu.memory_space<vmem>>, vector<16xf32>,
        %add3A_1176 = arith.addf %add3A_1168, %get3A_1175 : vector<16xf32>
        %scan3A_1177 = arith.constant 7 : i32
        %scan3A_1178 = arith.addi %scan3A_1121, %scan3A_1177 : i32
        %add3A_1179 = arith.constant 1600 : i32
        %add3A_1180 = arith.addi %add3A_1179, %scan3A_1178 : i32
        %get3A_1181 = arith.index_cast %add3A_1180 : i32 to index
        %get3A_1182 = arith.constant 0 : index
        %get3A_1183 = tpu.vector_load %arg7[%get3A_1181, %get3A_1182] {strides = array<i32>} : memref<3200x16xf32, #tpu.memory_space<vmem>>, vector<16xf32>,
        %add3A_1184 = arith.addf %add3A_1176, %get3A_1183 : vector<16xf32>
        scf.yield %add3A_1184 : vector<16xf32>
      }
      %scan3A_781 = arith.constant 200 : i32
      %mul3A_782 = arith.constant 16 : i32
      %mul3A_783 = vector.broadcast %mul3A_782 : i32 to vector<16xi32>
      %mul3A_784 = arith.muli %iota3A, %mul3A_783 : vector<16xi32>
      %add3A_785 = arith.constant 8 : i32
      %add3A_786 = vector.broadcast %add3A_785 : i32 to vector<16xi32>
      %add3A_787 = arith.addi %mul3A_784, %add3A_786 : vector<16xi32>
      tpu.vector_store_idx %arg8[%add3A_787], %scan3A_780 : memref<256xf32, #tpu.memory_space<vmem>>[vector<16xi32>], vector<16xf32>,
      %broadcast_in_dim3A_788 = arith.constant 0.000000e+00 : f32
      %broadcast_in_dim3A_789 = vector.broadcast %broadcast_in_dim3A_788 : f32 to vector<16xf32>
      %scan3A_790 = arith.constant 0 : i32
      %scan3A_791 = arith.constant 200 : i32
      %scan3A_792 = arith.addi %scan3A_790, %scan3A_791 : i32
      %scan3A_793 = arith.constant 8 : i32
      %scan3A_794 = scf.for %scan3A_1121 = %scan3A_790 to %scan3A_792 step %scan3A_793 iter_args(%scan3A_1122 = %broadcast_in_dim3A_789) -> (vector<16xf32>)  : i32 {
        %add3A_1123 = arith.constant 1800 : i32
        %add3A_1124 = arith.addi %add3A_1123, %scan3A_1121 : i32
        %get3A_1125 = arith.index_cast %add3A_1124 : i32 to index
        %get3A_1126 = arith.constant 0 : index
        %get3A_1127 = tpu.vector_load %arg7[%get3A_1125, %get3A_1126] {strides = array<i32>} : memref<3200x16xf32, #tpu.memory_space<vmem>>, vector<16xf32>,
        %add3A_1128 = arith.addf %scan3A_1122, %get3A_1127 : vector<16xf32>
        %scan3A_1129 = arith.constant 1 : i32
        %scan3A_1130 = arith.addi %scan3A_1121, %scan3A_1129 : i32
        %add3A_1131 = arith.constant 1800 : i32
        %add3A_1132 = arith.addi %add3A_1131, %scan3A_1130 : i32
        %get3A_1133 = arith.index_cast %add3A_1132 : i32 to index
        %get3A_1134 = arith.constant 0 : index
        %get3A_1135 = tpu.vector_load %arg7[%get3A_1133, %get3A_1134] {strides = array<i32>} : memref<3200x16xf32, #tpu.memory_space<vmem>>, vector<16xf32>,
        %add3A_1136 = arith.addf %add3A_1128, %get3A_1135 : vector<16xf32>
        %scan3A_1137 = arith.constant 2 : i32
        %scan3A_1138 = arith.addi %scan3A_1121, %scan3A_1137 : i32
        %add3A_1139 = arith.constant 1800 : i32
        %add3A_1140 = arith.addi %add3A_1139, %scan3A_1138 : i32
        %get3A_1141 = arith.index_cast %add3A_1140 : i32 to index
        %get3A_1142 = arith.constant 0 : index
        %get3A_1143 = tpu.vector_load %arg7[%get3A_1141, %get3A_1142] {strides = array<i32>} : memref<3200x16xf32, #tpu.memory_space<vmem>>, vector<16xf32>,
        %add3A_1144 = arith.addf %add3A_1136, %get3A_1143 : vector<16xf32>
        %scan3A_1145 = arith.constant 3 : i32
        %scan3A_1146 = arith.addi %scan3A_1121, %scan3A_1145 : i32
        %add3A_1147 = arith.constant 1800 : i32
        %add3A_1148 = arith.addi %add3A_1147, %scan3A_1146 : i32
        %get3A_1149 = arith.index_cast %add3A_1148 : i32 to index
        %get3A_1150 = arith.constant 0 : index
        %get3A_1151 = tpu.vector_load %arg7[%get3A_1149, %get3A_1150] {strides = array<i32>} : memref<3200x16xf32, #tpu.memory_space<vmem>>, vector<16xf32>,
        %add3A_1152 = arith.addf %add3A_1144, %get3A_1151 : vector<16xf32>
        %scan3A_1153 = arith.constant 4 : i32
        %scan3A_1154 = arith.addi %scan3A_1121, %scan3A_1153 : i32
        %add3A_1155 = arith.constant 1800 : i32
        %add3A_1156 = arith.addi %add3A_1155, %scan3A_1154 : i32
        %get3A_1157 = arith.index_cast %add3A_1156 : i32 to index
        %get3A_1158 = arith.constant 0 : index
        %get3A_1159 = tpu.vector_load %arg7[%get3A_1157, %get3A_1158] {strides = array<i32>} : memref<3200x16xf32, #tpu.memory_space<vmem>>, vector<16xf32>,
        %add3A_1160 = arith.addf %add3A_1152, %get3A_1159 : vector<16xf32>
        %scan3A_1161 = arith.constant 5 : i32
        %scan3A_1162 = arith.addi %scan3A_1121, %scan3A_1161 : i32
        %add3A_1163 = arith.constant 1800 : i32
        %add3A_1164 = arith.addi %add3A_1163, %scan3A_1162 : i32
        %get3A_1165 = arith.index_cast %add3A_1164 : i32 to index
        %get3A_1166 = arith.constant 0 : index
        %get3A_1167 = tpu.vector_load %arg7[%get3A_1165, %get3A_1166] {strides = array<i32>} : memref<3200x16xf32, #tpu.memory_space<vmem>>, vector<16xf32>,
        %add3A_1168 = arith.addf %add3A_1160, %get3A_1167 : vector<16xf32>
        %scan3A_1169 = arith.constant 6 : i32
        %scan3A_1170 = arith.addi %scan3A_1121, %scan3A_1169 : i32
        %add3A_1171 = arith.constant 1800 : i32
        %add3A_1172 = arith.addi %add3A_1171, %scan3A_1170 : i32
        %get3A_1173 = arith.index_cast %add3A_1172 : i32 to index
        %get3A_1174 = arith.constant 0 : index
        %get3A_1175 = tpu.vector_load %arg7[%get3A_1173, %get3A_1174] {strides = array<i32>} : memref<3200x16xf32, #tpu.memory_space<vmem>>, vector<16xf32>,
        %add3A_1176 = arith.addf %add3A_1168, %get3A_1175 : vector<16xf32>
        %scan3A_1177 = arith.constant 7 : i32
        %scan3A_1178 = arith.addi %scan3A_1121, %scan3A_1177 : i32
        %add3A_1179 = arith.constant 1800 : i32
        %add3A_1180 = arith.addi %add3A_1179, %scan3A_1178 : i32
        %get3A_1181 = arith.index_cast %add3A_1180 : i32 to index
        %get3A_1182 = arith.constant 0 : index
        %get3A_1183 = tpu.vector_load %arg7[%get3A_1181, %get3A_1182] {strides = array<i32>} : memref<3200x16xf32, #tpu.memory_space<vmem>>, vector<16xf32>,
        %add3A_1184 = arith.addf %add3A_1176, %get3A_1183 : vector<16xf32>
        scf.yield %add3A_1184 : vector<16xf32>
      }
      %scan3A_795 = arith.constant 200 : i32
      %mul3A_796 = arith.constant 16 : i32
      %mul3A_797 = vector.broadcast %mul3A_796 : i32 to vector<16xi32>
      %mul3A_798 = arith.muli %iota3A, %mul3A_797 : vector<16xi32>
      %add3A_799 = arith.constant 9 : i32
      %add3A_800 = vector.broadcast %add3A_799 : i32 to vector<16xi32>
      %add3A_801 = arith.addi %mul3A_798, %add3A_800 : vector<16xi32>
      tpu.vector_store_idx %arg8[%add3A_801], %scan3A_794 : memref<256xf32, #tpu.memory_space<vmem>>[vector<16xi32>], vector<16xf32>,
      %broadcast_in_dim3A_802 = arith.constant 0.000000e+00 : f32
      %broadcast_in_dim3A_803 = vector.broadcast %broadcast_in_dim3A_802 : f32 to vector<16xf32>
      %scan3A_804 = arith.constant 0 : i32
      %scan3A_805 = arith.constant 200 : i32
      %scan3A_806 = arith.addi %scan3A_804, %scan3A_805 : i32
      %scan3A_807 = arith.constant 8 : i32
      %scan3A_808 = scf.for %scan3A_1121 = %scan3A_804 to %scan3A_806 step %scan3A_807 iter_args(%scan3A_1122 = %broadcast_in_dim3A_803) -> (vector<16xf32>)  : i32 {
        %add3A_1123 = arith.constant 2000 : i32
        %add3A_1124 = arith.addi %add3A_1123, %scan3A_1121 : i32
        %get3A_1125 = arith.index_cast %add3A_1124 : i32 to index
        %get3A_1126 = arith.constant 0 : index
        %get3A_1127 = tpu.vector_load %arg7[%get3A_1125, %get3A_1126] {strides = array<i32>} : memref<3200x16xf32, #tpu.memory_space<vmem>>, vector<16xf32>,
        %add3A_1128 = arith.addf %scan3A_1122, %get3A_1127 : vector<16xf32>
        %scan3A_1129 = arith.constant 1 : i32
        %scan3A_1130 = arith.addi %scan3A_1121, %scan3A_1129 : i32
        %add3A_1131 = arith.constant 2000 : i32
        %add3A_1132 = arith.addi %add3A_1131, %scan3A_1130 : i32
        %get3A_1133 = arith.index_cast %add3A_1132 : i32 to index
        %get3A_1134 = arith.constant 0 : index
        %get3A_1135 = tpu.vector_load %arg7[%get3A_1133, %get3A_1134] {strides = array<i32>} : memref<3200x16xf32, #tpu.memory_space<vmem>>, vector<16xf32>,
        %add3A_1136 = arith.addf %add3A_1128, %get3A_1135 : vector<16xf32>
        %scan3A_1137 = arith.constant 2 : i32
        %scan3A_1138 = arith.addi %scan3A_1121, %scan3A_1137 : i32
        %add3A_1139 = arith.constant 2000 : i32
        %add3A_1140 = arith.addi %add3A_1139, %scan3A_1138 : i32
        %get3A_1141 = arith.index_cast %add3A_1140 : i32 to index
        %get3A_1142 = arith.constant 0 : index
        %get3A_1143 = tpu.vector_load %arg7[%get3A_1141, %get3A_1142] {strides = array<i32>} : memref<3200x16xf32, #tpu.memory_space<vmem>>, vector<16xf32>,
        %add3A_1144 = arith.addf %add3A_1136, %get3A_1143 : vector<16xf32>
        %scan3A_1145 = arith.constant 3 : i32
        %scan3A_1146 = arith.addi %scan3A_1121, %scan3A_1145 : i32
        %add3A_1147 = arith.constant 2000 : i32
        %add3A_1148 = arith.addi %add3A_1147, %scan3A_1146 : i32
        %get3A_1149 = arith.index_cast %add3A_1148 : i32 to index
        %get3A_1150 = arith.constant 0 : index
        %get3A_1151 = tpu.vector_load %arg7[%get3A_1149, %get3A_1150] {strides = array<i32>} : memref<3200x16xf32, #tpu.memory_space<vmem>>, vector<16xf32>,
        %add3A_1152 = arith.addf %add3A_1144, %get3A_1151 : vector<16xf32>
        %scan3A_1153 = arith.constant 4 : i32
        %scan3A_1154 = arith.addi %scan3A_1121, %scan3A_1153 : i32
        %add3A_1155 = arith.constant 2000 : i32
        %add3A_1156 = arith.addi %add3A_1155, %scan3A_1154 : i32
        %get3A_1157 = arith.index_cast %add3A_1156 : i32 to index
        %get3A_1158 = arith.constant 0 : index
        %get3A_1159 = tpu.vector_load %arg7[%get3A_1157, %get3A_1158] {strides = array<i32>} : memref<3200x16xf32, #tpu.memory_space<vmem>>, vector<16xf32>,
        %add3A_1160 = arith.addf %add3A_1152, %get3A_1159 : vector<16xf32>
        %scan3A_1161 = arith.constant 5 : i32
        %scan3A_1162 = arith.addi %scan3A_1121, %scan3A_1161 : i32
        %add3A_1163 = arith.constant 2000 : i32
        %add3A_1164 = arith.addi %add3A_1163, %scan3A_1162 : i32
        %get3A_1165 = arith.index_cast %add3A_1164 : i32 to index
        %get3A_1166 = arith.constant 0 : index
        %get3A_1167 = tpu.vector_load %arg7[%get3A_1165, %get3A_1166] {strides = array<i32>} : memref<3200x16xf32, #tpu.memory_space<vmem>>, vector<16xf32>,
        %add3A_1168 = arith.addf %add3A_1160, %get3A_1167 : vector<16xf32>
        %scan3A_1169 = arith.constant 6 : i32
        %scan3A_1170 = arith.addi %scan3A_1121, %scan3A_1169 : i32
        %add3A_1171 = arith.constant 2000 : i32
        %add3A_1172 = arith.addi %add3A_1171, %scan3A_1170 : i32
        %get3A_1173 = arith.index_cast %add3A_1172 : i32 to index
        %get3A_1174 = arith.constant 0 : index
        %get3A_1175 = tpu.vector_load %arg7[%get3A_1173, %get3A_1174] {strides = array<i32>} : memref<3200x16xf32, #tpu.memory_space<vmem>>, vector<16xf32>,
        %add3A_1176 = arith.addf %add3A_1168, %get3A_1175 : vector<16xf32>
        %scan3A_1177 = arith.constant 7 : i32
        %scan3A_1178 = arith.addi %scan3A_1121, %scan3A_1177 : i32
        %add3A_1179 = arith.constant 2000 : i32
        %add3A_1180 = arith.addi %add3A_1179, %scan3A_1178 : i32
        %get3A_1181 = arith.index_cast %add3A_1180 : i32 to index
        %get3A_1182 = arith.constant 0 : index
        %get3A_1183 = tpu.vector_load %arg7[%get3A_1181, %get3A_1182] {strides = array<i32>} : memref<3200x16xf32, #tpu.memory_space<vmem>>, vector<16xf32>,
        %add3A_1184 = arith.addf %add3A_1176, %get3A_1183 : vector<16xf32>
        scf.yield %add3A_1184 : vector<16xf32>
      }
      %scan3A_809 = arith.constant 200 : i32
      %mul3A_810 = arith.constant 16 : i32
      %mul3A_811 = vector.broadcast %mul3A_810 : i32 to vector<16xi32>
      %mul3A_812 = arith.muli %iota3A, %mul3A_811 : vector<16xi32>
      %add3A_813 = arith.constant 10 : i32
      %add3A_814 = vector.broadcast %add3A_813 : i32 to vector<16xi32>
      %add3A_815 = arith.addi %mul3A_812, %add3A_814 : vector<16xi32>
      tpu.vector_store_idx %arg8[%add3A_815], %scan3A_808 : memref<256xf32, #tpu.memory_space<vmem>>[vector<16xi32>], vector<16xf32>,
      %broadcast_in_dim3A_816 = arith.constant 0.000000e+00 : f32
      %broadcast_in_dim3A_817 = vector.broadcast %broadcast_in_dim3A_816 : f32 to vector<16xf32>
      %scan3A_818 = arith.constant 0 : i32
      %scan3A_819 = arith.constant 200 : i32
      %scan3A_820 = arith.addi %scan3A_818, %scan3A_819 : i32
      %scan3A_821 = arith.constant 8 : i32
      %scan3A_822 = scf.for %scan3A_1121 = %scan3A_818 to %scan3A_820 step %scan3A_821 iter_args(%scan3A_1122 = %broadcast_in_dim3A_817) -> (vector<16xf32>)  : i32 {
        %add3A_1123 = arith.constant 2200 : i32
        %add3A_1124 = arith.addi %add3A_1123, %scan3A_1121 : i32
        %get3A_1125 = arith.index_cast %add3A_1124 : i32 to index
        %get3A_1126 = arith.constant 0 : index
        %get3A_1127 = tpu.vector_load %arg7[%get3A_1125, %get3A_1126] {strides = array<i32>} : memref<3200x16xf32, #tpu.memory_space<vmem>>, vector<16xf32>,
        %add3A_1128 = arith.addf %scan3A_1122, %get3A_1127 : vector<16xf32>
        %scan3A_1129 = arith.constant 1 : i32
        %scan3A_1130 = arith.addi %scan3A_1121, %scan3A_1129 : i32
        %add3A_1131 = arith.constant 2200 : i32
        %add3A_1132 = arith.addi %add3A_1131, %scan3A_1130 : i32
        %get3A_1133 = arith.index_cast %add3A_1132 : i32 to index
        %get3A_1134 = arith.constant 0 : index
        %get3A_1135 = tpu.vector_load %arg7[%get3A_1133, %get3A_1134] {strides = array<i32>} : memref<3200x16xf32, #tpu.memory_space<vmem>>, vector<16xf32>,
        %add3A_1136 = arith.addf %add3A_1128, %get3A_1135 : vector<16xf32>
        %scan3A_1137 = arith.constant 2 : i32
        %scan3A_1138 = arith.addi %scan3A_1121, %scan3A_1137 : i32
        %add3A_1139 = arith.constant 2200 : i32
        %add3A_1140 = arith.addi %add3A_1139, %scan3A_1138 : i32
        %get3A_1141 = arith.index_cast %add3A_1140 : i32 to index
        %get3A_1142 = arith.constant 0 : index
        %get3A_1143 = tpu.vector_load %arg7[%get3A_1141, %get3A_1142] {strides = array<i32>} : memref<3200x16xf32, #tpu.memory_space<vmem>>, vector<16xf32>,
        %add3A_1144 = arith.addf %add3A_1136, %get3A_1143 : vector<16xf32>
        %scan3A_1145 = arith.constant 3 : i32
        %scan3A_1146 = arith.addi %scan3A_1121, %scan3A_1145 : i32
        %add3A_1147 = arith.constant 2200 : i32
        %add3A_1148 = arith.addi %add3A_1147, %scan3A_1146 : i32
        %get3A_1149 = arith.index_cast %add3A_1148 : i32 to index
        %get3A_1150 = arith.constant 0 : index
        %get3A_1151 = tpu.vector_load %arg7[%get3A_1149, %get3A_1150] {strides = array<i32>} : memref<3200x16xf32, #tpu.memory_space<vmem>>, vector<16xf32>,
        %add3A_1152 = arith.addf %add3A_1144, %get3A_1151 : vector<16xf32>
        %scan3A_1153 = arith.constant 4 : i32
        %scan3A_1154 = arith.addi %scan3A_1121, %scan3A_1153 : i32
        %add3A_1155 = arith.constant 2200 : i32
        %add3A_1156 = arith.addi %add3A_1155, %scan3A_1154 : i32
        %get3A_1157 = arith.index_cast %add3A_1156 : i32 to index
        %get3A_1158 = arith.constant 0 : index
        %get3A_1159 = tpu.vector_load %arg7[%get3A_1157, %get3A_1158] {strides = array<i32>} : memref<3200x16xf32, #tpu.memory_space<vmem>>, vector<16xf32>,
        %add3A_1160 = arith.addf %add3A_1152, %get3A_1159 : vector<16xf32>
        %scan3A_1161 = arith.constant 5 : i32
        %scan3A_1162 = arith.addi %scan3A_1121, %scan3A_1161 : i32
        %add3A_1163 = arith.constant 2200 : i32
        %add3A_1164 = arith.addi %add3A_1163, %scan3A_1162 : i32
        %get3A_1165 = arith.index_cast %add3A_1164 : i32 to index
        %get3A_1166 = arith.constant 0 : index
        %get3A_1167 = tpu.vector_load %arg7[%get3A_1165, %get3A_1166] {strides = array<i32>} : memref<3200x16xf32, #tpu.memory_space<vmem>>, vector<16xf32>,
        %add3A_1168 = arith.addf %add3A_1160, %get3A_1167 : vector<16xf32>
        %scan3A_1169 = arith.constant 6 : i32
        %scan3A_1170 = arith.addi %scan3A_1121, %scan3A_1169 : i32
        %add3A_1171 = arith.constant 2200 : i32
        %add3A_1172 = arith.addi %add3A_1171, %scan3A_1170 : i32
        %get3A_1173 = arith.index_cast %add3A_1172 : i32 to index
        %get3A_1174 = arith.constant 0 : index
        %get3A_1175 = tpu.vector_load %arg7[%get3A_1173, %get3A_1174] {strides = array<i32>} : memref<3200x16xf32, #tpu.memory_space<vmem>>, vector<16xf32>,
        %add3A_1176 = arith.addf %add3A_1168, %get3A_1175 : vector<16xf32>
        %scan3A_1177 = arith.constant 7 : i32
        %scan3A_1178 = arith.addi %scan3A_1121, %scan3A_1177 : i32
        %add3A_1179 = arith.constant 2200 : i32
        %add3A_1180 = arith.addi %add3A_1179, %scan3A_1178 : i32
        %get3A_1181 = arith.index_cast %add3A_1180 : i32 to index
        %get3A_1182 = arith.constant 0 : index
        %get3A_1183 = tpu.vector_load %arg7[%get3A_1181, %get3A_1182] {strides = array<i32>} : memref<3200x16xf32, #tpu.memory_space<vmem>>, vector<16xf32>,
        %add3A_1184 = arith.addf %add3A_1176, %get3A_1183 : vector<16xf32>
        scf.yield %add3A_1184 : vector<16xf32>
      }
      %scan3A_823 = arith.constant 200 : i32
      %mul3A_824 = arith.constant 16 : i32
      %mul3A_825 = vector.broadcast %mul3A_824 : i32 to vector<16xi32>
      %mul3A_826 = arith.muli %iota3A, %mul3A_825 : vector<16xi32>
      %add3A_827 = arith.constant 11 : i32
      %add3A_828 = vector.broadcast %add3A_827 : i32 to vector<16xi32>
      %add3A_829 = arith.addi %mul3A_826, %add3A_828 : vector<16xi32>
      tpu.vector_store_idx %arg8[%add3A_829], %scan3A_822 : memref<256xf32, #tpu.memory_space<vmem>>[vector<16xi32>], vector<16xf32>,
      %broadcast_in_dim3A_830 = arith.constant 0.000000e+00 : f32
      %broadcast_in_dim3A_831 = vector.broadcast %broadcast_in_dim3A_830 : f32 to vector<16xf32>
      %scan3A_832 = arith.constant 0 : i32
      %scan3A_833 = arith.constant 200 : i32
      %scan3A_834 = arith.addi %scan3A_832, %scan3A_833 : i32
      %scan3A_835 = arith.constant 8 : i32
      %scan3A_836 = scf.for %scan3A_1121 = %scan3A_832 to %scan3A_834 step %scan3A_835 iter_args(%scan3A_1122 = %broadcast_in_dim3A_831) -> (vector<16xf32>)  : i32 {
        %add3A_1123 = arith.constant 2400 : i32
        %add3A_1124 = arith.addi %add3A_1123, %scan3A_1121 : i32
        %get3A_1125 = arith.index_cast %add3A_1124 : i32 to index
        %get3A_1126 = arith.constant 0 : index
        %get3A_1127 = tpu.vector_load %arg7[%get3A_1125, %get3A_1126] {strides = array<i32>} : memref<3200x16xf32, #tpu.memory_space<vmem>>, vector<16xf32>,
        %add3A_1128 = arith.addf %scan3A_1122, %get3A_1127 : vector<16xf32>
        %scan3A_1129 = arith.constant 1 : i32
        %scan3A_1130 = arith.addi %scan3A_1121, %scan3A_1129 : i32
        %add3A_1131 = arith.constant 2400 : i32
        %add3A_1132 = arith.addi %add3A_1131, %scan3A_1130 : i32
        %get3A_1133 = arith.index_cast %add3A_1132 : i32 to index
        %get3A_1134 = arith.constant 0 : index
        %get3A_1135 = tpu.vector_load %arg7[%get3A_1133, %get3A_1134] {strides = array<i32>} : memref<3200x16xf32, #tpu.memory_space<vmem>>, vector<16xf32>,
        %add3A_1136 = arith.addf %add3A_1128, %get3A_1135 : vector<16xf32>
        %scan3A_1137 = arith.constant 2 : i32
        %scan3A_1138 = arith.addi %scan3A_1121, %scan3A_1137 : i32
        %add3A_1139 = arith.constant 2400 : i32
        %add3A_1140 = arith.addi %add3A_1139, %scan3A_1138 : i32
        %get3A_1141 = arith.index_cast %add3A_1140 : i32 to index
        %get3A_1142 = arith.constant 0 : index
        %get3A_1143 = tpu.vector_load %arg7[%get3A_1141, %get3A_1142] {strides = array<i32>} : memref<3200x16xf32, #tpu.memory_space<vmem>>, vector<16xf32>,
        %add3A_1144 = arith.addf %add3A_1136, %get3A_1143 : vector<16xf32>
        %scan3A_1145 = arith.constant 3 : i32
        %scan3A_1146 = arith.addi %scan3A_1121, %scan3A_1145 : i32
        %add3A_1147 = arith.constant 2400 : i32
        %add3A_1148 = arith.addi %add3A_1147, %scan3A_1146 : i32
        %get3A_1149 = arith.index_cast %add3A_1148 : i32 to index
        %get3A_1150 = arith.constant 0 : index
        %get3A_1151 = tpu.vector_load %arg7[%get3A_1149, %get3A_1150] {strides = array<i32>} : memref<3200x16xf32, #tpu.memory_space<vmem>>, vector<16xf32>,
        %add3A_1152 = arith.addf %add3A_1144, %get3A_1151 : vector<16xf32>
        %scan3A_1153 = arith.constant 4 : i32
        %scan3A_1154 = arith.addi %scan3A_1121, %scan3A_1153 : i32
        %add3A_1155 = arith.constant 2400 : i32
        %add3A_1156 = arith.addi %add3A_1155, %scan3A_1154 : i32
        %get3A_1157 = arith.index_cast %add3A_1156 : i32 to index
        %get3A_1158 = arith.constant 0 : index
        %get3A_1159 = tpu.vector_load %arg7[%get3A_1157, %get3A_1158] {strides = array<i32>} : memref<3200x16xf32, #tpu.memory_space<vmem>>, vector<16xf32>,
        %add3A_1160 = arith.addf %add3A_1152, %get3A_1159 : vector<16xf32>
        %scan3A_1161 = arith.constant 5 : i32
        %scan3A_1162 = arith.addi %scan3A_1121, %scan3A_1161 : i32
        %add3A_1163 = arith.constant 2400 : i32
        %add3A_1164 = arith.addi %add3A_1163, %scan3A_1162 : i32
        %get3A_1165 = arith.index_cast %add3A_1164 : i32 to index
        %get3A_1166 = arith.constant 0 : index
        %get3A_1167 = tpu.vector_load %arg7[%get3A_1165, %get3A_1166] {strides = array<i32>} : memref<3200x16xf32, #tpu.memory_space<vmem>>, vector<16xf32>,
        %add3A_1168 = arith.addf %add3A_1160, %get3A_1167 : vector<16xf32>
        %scan3A_1169 = arith.constant 6 : i32
        %scan3A_1170 = arith.addi %scan3A_1121, %scan3A_1169 : i32
        %add3A_1171 = arith.constant 2400 : i32
        %add3A_1172 = arith.addi %add3A_1171, %scan3A_1170 : i32
        %get3A_1173 = arith.index_cast %add3A_1172 : i32 to index
        %get3A_1174 = arith.constant 0 : index
        %get3A_1175 = tpu.vector_load %arg7[%get3A_1173, %get3A_1174] {strides = array<i32>} : memref<3200x16xf32, #tpu.memory_space<vmem>>, vector<16xf32>,
        %add3A_1176 = arith.addf %add3A_1168, %get3A_1175 : vector<16xf32>
        %scan3A_1177 = arith.constant 7 : i32
        %scan3A_1178 = arith.addi %scan3A_1121, %scan3A_1177 : i32
        %add3A_1179 = arith.constant 2400 : i32
        %add3A_1180 = arith.addi %add3A_1179, %scan3A_1178 : i32
        %get3A_1181 = arith.index_cast %add3A_1180 : i32 to index
        %get3A_1182 = arith.constant 0 : index
        %get3A_1183 = tpu.vector_load %arg7[%get3A_1181, %get3A_1182] {strides = array<i32>} : memref<3200x16xf32, #tpu.memory_space<vmem>>, vector<16xf32>,
        %add3A_1184 = arith.addf %add3A_1176, %get3A_1183 : vector<16xf32>
        scf.yield %add3A_1184 : vector<16xf32>
      }
      %scan3A_837 = arith.constant 200 : i32
      %mul3A_838 = arith.constant 16 : i32
      %mul3A_839 = vector.broadcast %mul3A_838 : i32 to vector<16xi32>
      %mul3A_840 = arith.muli %iota3A, %mul3A_839 : vector<16xi32>
      %add3A_841 = arith.constant 12 : i32
      %add3A_842 = vector.broadcast %add3A_841 : i32 to vector<16xi32>
      %add3A_843 = arith.addi %mul3A_840, %add3A_842 : vector<16xi32>
      tpu.vector_store_idx %arg8[%add3A_843], %scan3A_836 : memref<256xf32, #tpu.memory_space<vmem>>[vector<16xi32>], vector<16xf32>,
      %broadcast_in_dim3A_844 = arith.constant 0.000000e+00 : f32
      %broadcast_in_dim3A_845 = vector.broadcast %broadcast_in_dim3A_844 : f32 to vector<16xf32>
      %scan3A_846 = arith.constant 0 : i32
      %scan3A_847 = arith.constant 200 : i32
      %scan3A_848 = arith.addi %scan3A_846, %scan3A_847 : i32
      %scan3A_849 = arith.constant 8 : i32
      %scan3A_850 = scf.for %scan3A_1121 = %scan3A_846 to %scan3A_848 step %scan3A_849 iter_args(%scan3A_1122 = %broadcast_in_dim3A_845) -> (vector<16xf32>)  : i32 {
        %add3A_1123 = arith.constant 2600 : i32
        %add3A_1124 = arith.addi %add3A_1123, %scan3A_1121 : i32
        %get3A_1125 = arith.index_cast %add3A_1124 : i32 to index
        %get3A_1126 = arith.constant 0 : index
        %get3A_1127 = tpu.vector_load %arg7[%get3A_1125, %get3A_1126] {strides = array<i32>} : memref<3200x16xf32, #tpu.memory_space<vmem>>, vector<16xf32>,
        %add3A_1128 = arith.addf %scan3A_1122, %get3A_1127 : vector<16xf32>
        %scan3A_1129 = arith.constant 1 : i32
        %scan3A_1130 = arith.addi %scan3A_1121, %scan3A_1129 : i32
        %add3A_1131 = arith.constant 2600 : i32
        %add3A_1132 = arith.addi %add3A_1131, %scan3A_1130 : i32
        %get3A_1133 = arith.index_cast %add3A_1132 : i32 to index
        %get3A_1134 = arith.constant 0 : index
        %get3A_1135 = tpu.vector_load %arg7[%get3A_1133, %get3A_1134] {strides = array<i32>} : memref<3200x16xf32, #tpu.memory_space<vmem>>, vector<16xf32>,
        %add3A_1136 = arith.addf %add3A_1128, %get3A_1135 : vector<16xf32>
        %scan3A_1137 = arith.constant 2 : i32
        %scan3A_1138 = arith.addi %scan3A_1121, %scan3A_1137 : i32
        %add3A_1139 = arith.constant 2600 : i32
        %add3A_1140 = arith.addi %add3A_1139, %scan3A_1138 : i32
        %get3A_1141 = arith.index_cast %add3A_1140 : i32 to index
        %get3A_1142 = arith.constant 0 : index
        %get3A_1143 = tpu.vector_load %arg7[%get3A_1141, %get3A_1142] {strides = array<i32>} : memref<3200x16xf32, #tpu.memory_space<vmem>>, vector<16xf32>,
        %add3A_1144 = arith.addf %add3A_1136, %get3A_1143 : vector<16xf32>
        %scan3A_1145 = arith.constant 3 : i32
        %scan3A_1146 = arith.addi %scan3A_1121, %scan3A_1145 : i32
        %add3A_1147 = arith.constant 2600 : i32
        %add3A_1148 = arith.addi %add3A_1147, %scan3A_1146 : i32
        %get3A_1149 = arith.index_cast %add3A_1148 : i32 to index
        %get3A_1150 = arith.constant 0 : index
        %get3A_1151 = tpu.vector_load %arg7[%get3A_1149, %get3A_1150] {strides = array<i32>} : memref<3200x16xf32, #tpu.memory_space<vmem>>, vector<16xf32>,
        %add3A_1152 = arith.addf %add3A_1144, %get3A_1151 : vector<16xf32>
        %scan3A_1153 = arith.constant 4 : i32
        %scan3A_1154 = arith.addi %scan3A_1121, %scan3A_1153 : i32
        %add3A_1155 = arith.constant 2600 : i32
        %add3A_1156 = arith.addi %add3A_1155, %scan3A_1154 : i32
        %get3A_1157 = arith.index_cast %add3A_1156 : i32 to index
        %get3A_1158 = arith.constant 0 : index
        %get3A_1159 = tpu.vector_load %arg7[%get3A_1157, %get3A_1158] {strides = array<i32>} : memref<3200x16xf32, #tpu.memory_space<vmem>>, vector<16xf32>,
        %add3A_1160 = arith.addf %add3A_1152, %get3A_1159 : vector<16xf32>
        %scan3A_1161 = arith.constant 5 : i32
        %scan3A_1162 = arith.addi %scan3A_1121, %scan3A_1161 : i32
        %add3A_1163 = arith.constant 2600 : i32
        %add3A_1164 = arith.addi %add3A_1163, %scan3A_1162 : i32
        %get3A_1165 = arith.index_cast %add3A_1164 : i32 to index
        %get3A_1166 = arith.constant 0 : index
        %get3A_1167 = tpu.vector_load %arg7[%get3A_1165, %get3A_1166] {strides = array<i32>} : memref<3200x16xf32, #tpu.memory_space<vmem>>, vector<16xf32>,
        %add3A_1168 = arith.addf %add3A_1160, %get3A_1167 : vector<16xf32>
        %scan3A_1169 = arith.constant 6 : i32
        %scan3A_1170 = arith.addi %scan3A_1121, %scan3A_1169 : i32
        %add3A_1171 = arith.constant 2600 : i32
        %add3A_1172 = arith.addi %add3A_1171, %scan3A_1170 : i32
        %get3A_1173 = arith.index_cast %add3A_1172 : i32 to index
        %get3A_1174 = arith.constant 0 : index
        %get3A_1175 = tpu.vector_load %arg7[%get3A_1173, %get3A_1174] {strides = array<i32>} : memref<3200x16xf32, #tpu.memory_space<vmem>>, vector<16xf32>,
        %add3A_1176 = arith.addf %add3A_1168, %get3A_1175 : vector<16xf32>
        %scan3A_1177 = arith.constant 7 : i32
        %scan3A_1178 = arith.addi %scan3A_1121, %scan3A_1177 : i32
        %add3A_1179 = arith.constant 2600 : i32
        %add3A_1180 = arith.addi %add3A_1179, %scan3A_1178 : i32
        %get3A_1181 = arith.index_cast %add3A_1180 : i32 to index
        %get3A_1182 = arith.constant 0 : index
        %get3A_1183 = tpu.vector_load %arg7[%get3A_1181, %get3A_1182] {strides = array<i32>} : memref<3200x16xf32, #tpu.memory_space<vmem>>, vector<16xf32>,
        %add3A_1184 = arith.addf %add3A_1176, %get3A_1183 : vector<16xf32>
        scf.yield %add3A_1184 : vector<16xf32>
      }
      %scan3A_851 = arith.constant 200 : i32
      %mul3A_852 = arith.constant 16 : i32
      %mul3A_853 = vector.broadcast %mul3A_852 : i32 to vector<16xi32>
      %mul3A_854 = arith.muli %iota3A, %mul3A_853 : vector<16xi32>
      %add3A_855 = arith.constant 13 : i32
      %add3A_856 = vector.broadcast %add3A_855 : i32 to vector<16xi32>
      %add3A_857 = arith.addi %mul3A_854, %add3A_856 : vector<16xi32>
      tpu.vector_store_idx %arg8[%add3A_857], %scan3A_850 : memref<256xf32, #tpu.memory_space<vmem>>[vector<16xi32>], vector<16xf32>,
      %broadcast_in_dim3A_858 = arith.constant 0.000000e+00 : f32
      %broadcast_in_dim3A_859 = vector.broadcast %broadcast_in_dim3A_858 : f32 to vector<16xf32>
      %scan3A_860 = arith.constant 0 : i32
      %scan3A_861 = arith.constant 200 : i32
      %scan3A_862 = arith.addi %scan3A_860, %scan3A_861 : i32
      %scan3A_863 = arith.constant 8 : i32
      %scan3A_864 = scf.for %scan3A_1121 = %scan3A_860 to %scan3A_862 step %scan3A_863 iter_args(%scan3A_1122 = %broadcast_in_dim3A_859) -> (vector<16xf32>)  : i32 {
        %add3A_1123 = arith.constant 2800 : i32
        %add3A_1124 = arith.addi %add3A_1123, %scan3A_1121 : i32
        %get3A_1125 = arith.index_cast %add3A_1124 : i32 to index
        %get3A_1126 = arith.constant 0 : index
        %get3A_1127 = tpu.vector_load %arg7[%get3A_1125, %get3A_1126] {strides = array<i32>} : memref<3200x16xf32, #tpu.memory_space<vmem>>, vector<16xf32>,
        %add3A_1128 = arith.addf %scan3A_1122, %get3A_1127 : vector<16xf32>
        %scan3A_1129 = arith.constant 1 : i32
        %scan3A_1130 = arith.addi %scan3A_1121, %scan3A_1129 : i32
        %add3A_1131 = arith.constant 2800 : i32
        %add3A_1132 = arith.addi %add3A_1131, %scan3A_1130 : i32
        %get3A_1133 = arith.index_cast %add3A_1132 : i32 to index
        %get3A_1134 = arith.constant 0 : index
        %get3A_1135 = tpu.vector_load %arg7[%get3A_1133, %get3A_1134] {strides = array<i32>} : memref<3200x16xf32, #tpu.memory_space<vmem>>, vector<16xf32>,
        %add3A_1136 = arith.addf %add3A_1128, %get3A_1135 : vector<16xf32>
        %scan3A_1137 = arith.constant 2 : i32
        %scan3A_1138 = arith.addi %scan3A_1121, %scan3A_1137 : i32
        %add3A_1139 = arith.constant 2800 : i32
        %add3A_1140 = arith.addi %add3A_1139, %scan3A_1138 : i32
        %get3A_1141 = arith.index_cast %add3A_1140 : i32 to index
        %get3A_1142 = arith.constant 0 : index
        %get3A_1143 = tpu.vector_load %arg7[%get3A_1141, %get3A_1142] {strides = array<i32>} : memref<3200x16xf32, #tpu.memory_space<vmem>>, vector<16xf32>,
        %add3A_1144 = arith.addf %add3A_1136, %get3A_1143 : vector<16xf32>
        %scan3A_1145 = arith.constant 3 : i32
        %scan3A_1146 = arith.addi %scan3A_1121, %scan3A_1145 : i32
        %add3A_1147 = arith.constant 2800 : i32
        %add3A_1148 = arith.addi %add3A_1147, %scan3A_1146 : i32
        %get3A_1149 = arith.index_cast %add3A_1148 : i32 to index
        %get3A_1150 = arith.constant 0 : index
        %get3A_1151 = tpu.vector_load %arg7[%get3A_1149, %get3A_1150] {strides = array<i32>} : memref<3200x16xf32, #tpu.memory_space<vmem>>, vector<16xf32>,
        %add3A_1152 = arith.addf %add3A_1144, %get3A_1151 : vector<16xf32>
        %scan3A_1153 = arith.constant 4 : i32
        %scan3A_1154 = arith.addi %scan3A_1121, %scan3A_1153 : i32
        %add3A_1155 = arith.constant 2800 : i32
        %add3A_1156 = arith.addi %add3A_1155, %scan3A_1154 : i32
        %get3A_1157 = arith.index_cast %add3A_1156 : i32 to index
        %get3A_1158 = arith.constant 0 : index
        %get3A_1159 = tpu.vector_load %arg7[%get3A_1157, %get3A_1158] {strides = array<i32>} : memref<3200x16xf32, #tpu.memory_space<vmem>>, vector<16xf32>,
        %add3A_1160 = arith.addf %add3A_1152, %get3A_1159 : vector<16xf32>
        %scan3A_1161 = arith.constant 5 : i32
        %scan3A_1162 = arith.addi %scan3A_1121, %scan3A_1161 : i32
        %add3A_1163 = arith.constant 2800 : i32
        %add3A_1164 = arith.addi %add3A_1163, %scan3A_1162 : i32
        %get3A_1165 = arith.index_cast %add3A_1164 : i32 to index
        %get3A_1166 = arith.constant 0 : index
        %get3A_1167 = tpu.vector_load %arg7[%get3A_1165, %get3A_1166] {strides = array<i32>} : memref<3200x16xf32, #tpu.memory_space<vmem>>, vector<16xf32>,
        %add3A_1168 = arith.addf %add3A_1160, %get3A_1167 : vector<16xf32>
        %scan3A_1169 = arith.constant 6 : i32
        %scan3A_1170 = arith.addi %scan3A_1121, %scan3A_1169 : i32
        %add3A_1171 = arith.constant 2800 : i32
        %add3A_1172 = arith.addi %add3A_1171, %scan3A_1170 : i32
        %get3A_1173 = arith.index_cast %add3A_1172 : i32 to index
        %get3A_1174 = arith.constant 0 : index
        %get3A_1175 = tpu.vector_load %arg7[%get3A_1173, %get3A_1174] {strides = array<i32>} : memref<3200x16xf32, #tpu.memory_space<vmem>>, vector<16xf32>,
        %add3A_1176 = arith.addf %add3A_1168, %get3A_1175 : vector<16xf32>
        %scan3A_1177 = arith.constant 7 : i32
        %scan3A_1178 = arith.addi %scan3A_1121, %scan3A_1177 : i32
        %add3A_1179 = arith.constant 2800 : i32
        %add3A_1180 = arith.addi %add3A_1179, %scan3A_1178 : i32
        %get3A_1181 = arith.index_cast %add3A_1180 : i32 to index
        %get3A_1182 = arith.constant 0 : index
        %get3A_1183 = tpu.vector_load %arg7[%get3A_1181, %get3A_1182] {strides = array<i32>} : memref<3200x16xf32, #tpu.memory_space<vmem>>, vector<16xf32>,
        %add3A_1184 = arith.addf %add3A_1176, %get3A_1183 : vector<16xf32>
        scf.yield %add3A_1184 : vector<16xf32>
      }
      %scan3A_865 = arith.constant 200 : i32
      %mul3A_866 = arith.constant 16 : i32
      %mul3A_867 = vector.broadcast %mul3A_866 : i32 to vector<16xi32>
      %mul3A_868 = arith.muli %iota3A, %mul3A_867 : vector<16xi32>
      %add3A_869 = arith.constant 14 : i32
      %add3A_870 = vector.broadcast %add3A_869 : i32 to vector<16xi32>
      %add3A_871 = arith.addi %mul3A_868, %add3A_870 : vector<16xi32>
      tpu.vector_store_idx %arg8[%add3A_871], %scan3A_864 : memref<256xf32, #tpu.memory_space<vmem>>[vector<16xi32>], vector<16xf32>,
      %broadcast_in_dim3A_872 = arith.constant 0.000000e+00 : f32
      %broadcast_in_dim3A_873 = vector.broadcast %broadcast_in_dim3A_872 : f32 to vector<16xf32>
      %scan3A_874 = arith.constant 0 : i32
      %scan3A_875 = arith.constant 200 : i32
      %scan3A_876 = arith.addi %scan3A_874, %scan3A_875 : i32
      %scan3A_877 = arith.constant 8 : i32
      %scan3A_878 = scf.for %scan3A_1121 = %scan3A_874 to %scan3A_876 step %scan3A_877 iter_args(%scan3A_1122 = %broadcast_in_dim3A_873) -> (vector<16xf32>)  : i32 {
        %add3A_1123 = arith.constant 3000 : i32
        %add3A_1124 = arith.addi %add3A_1123, %scan3A_1121 : i32
        %get3A_1125 = arith.index_cast %add3A_1124 : i32 to index
        %get3A_1126 = arith.constant 0 : index
        %get3A_1127 = tpu.vector_load %arg7[%get3A_1125, %get3A_1126] {strides = array<i32>} : memref<3200x16xf32, #tpu.memory_space<vmem>>, vector<16xf32>,
        %add3A_1128 = arith.addf %scan3A_1122, %get3A_1127 : vector<16xf32>
        %scan3A_1129 = arith.constant 1 : i32
        %scan3A_1130 = arith.addi %scan3A_1121, %scan3A_1129 : i32
        %add3A_1131 = arith.constant 3000 : i32
        %add3A_1132 = arith.addi %add3A_1131, %scan3A_1130 : i32
        %get3A_1133 = arith.index_cast %add3A_1132 : i32 to index
        %get3A_1134 = arith.constant 0 : index
        %get3A_1135 = tpu.vector_load %arg7[%get3A_1133, %get3A_1134] {strides = array<i32>} : memref<3200x16xf32, #tpu.memory_space<vmem>>, vector<16xf32>,
        %add3A_1136 = arith.addf %add3A_1128, %get3A_1135 : vector<16xf32>
        %scan3A_1137 = arith.constant 2 : i32
        %scan3A_1138 = arith.addi %scan3A_1121, %scan3A_1137 : i32
        %add3A_1139 = arith.constant 3000 : i32
        %add3A_1140 = arith.addi %add3A_1139, %scan3A_1138 : i32
        %get3A_1141 = arith.index_cast %add3A_1140 : i32 to index
        %get3A_1142 = arith.constant 0 : index
        %get3A_1143 = tpu.vector_load %arg7[%get3A_1141, %get3A_1142] {strides = array<i32>} : memref<3200x16xf32, #tpu.memory_space<vmem>>, vector<16xf32>,
        %add3A_1144 = arith.addf %add3A_1136, %get3A_1143 : vector<16xf32>
        %scan3A_1145 = arith.constant 3 : i32
        %scan3A_1146 = arith.addi %scan3A_1121, %scan3A_1145 : i32
        %add3A_1147 = arith.constant 3000 : i32
        %add3A_1148 = arith.addi %add3A_1147, %scan3A_1146 : i32
        %get3A_1149 = arith.index_cast %add3A_1148 : i32 to index
        %get3A_1150 = arith.constant 0 : index
        %get3A_1151 = tpu.vector_load %arg7[%get3A_1149, %get3A_1150] {strides = array<i32>} : memref<3200x16xf32, #tpu.memory_space<vmem>>, vector<16xf32>,
        %add3A_1152 = arith.addf %add3A_1144, %get3A_1151 : vector<16xf32>
        %scan3A_1153 = arith.constant 4 : i32
        %scan3A_1154 = arith.addi %scan3A_1121, %scan3A_1153 : i32
        %add3A_1155 = arith.constant 3000 : i32
        %add3A_1156 = arith.addi %add3A_1155, %scan3A_1154 : i32
        %get3A_1157 = arith.index_cast %add3A_1156 : i32 to index
        %get3A_1158 = arith.constant 0 : index
        %get3A_1159 = tpu.vector_load %arg7[%get3A_1157, %get3A_1158] {strides = array<i32>} : memref<3200x16xf32, #tpu.memory_space<vmem>>, vector<16xf32>,
        %add3A_1160 = arith.addf %add3A_1152, %get3A_1159 : vector<16xf32>
        %scan3A_1161 = arith.constant 5 : i32
        %scan3A_1162 = arith.addi %scan3A_1121, %scan3A_1161 : i32
        %add3A_1163 = arith.constant 3000 : i32
        %add3A_1164 = arith.addi %add3A_1163, %scan3A_1162 : i32
        %get3A_1165 = arith.index_cast %add3A_1164 : i32 to index
        %get3A_1166 = arith.constant 0 : index
        %get3A_1167 = tpu.vector_load %arg7[%get3A_1165, %get3A_1166] {strides = array<i32>} : memref<3200x16xf32, #tpu.memory_space<vmem>>, vector<16xf32>,
        %add3A_1168 = arith.addf %add3A_1160, %get3A_1167 : vector<16xf32>
        %scan3A_1169 = arith.constant 6 : i32
        %scan3A_1170 = arith.addi %scan3A_1121, %scan3A_1169 : i32
        %add3A_1171 = arith.constant 3000 : i32
        %add3A_1172 = arith.addi %add3A_1171, %scan3A_1170 : i32
        %get3A_1173 = arith.index_cast %add3A_1172 : i32 to index
        %get3A_1174 = arith.constant 0 : index
        %get3A_1175 = tpu.vector_load %arg7[%get3A_1173, %get3A_1174] {strides = array<i32>} : memref<3200x16xf32, #tpu.memory_space<vmem>>, vector<16xf32>,
        %add3A_1176 = arith.addf %add3A_1168, %get3A_1175 : vector<16xf32>
        %scan3A_1177 = arith.constant 7 : i32
        %scan3A_1178 = arith.addi %scan3A_1121, %scan3A_1177 : i32
        %add3A_1179 = arith.constant 3000 : i32
        %add3A_1180 = arith.addi %add3A_1179, %scan3A_1178 : i32
        %get3A_1181 = arith.index_cast %add3A_1180 : i32 to index
        %get3A_1182 = arith.constant 0 : index
        %get3A_1183 = tpu.vector_load %arg7[%get3A_1181, %get3A_1182] {strides = array<i32>} : memref<3200x16xf32, #tpu.memory_space<vmem>>, vector<16xf32>,
        %add3A_1184 = arith.addf %add3A_1176, %get3A_1183 : vector<16xf32>
        scf.yield %add3A_1184 : vector<16xf32>
      }
      %scan3A_879 = arith.constant 200 : i32
      %mul3A_880 = arith.constant 16 : i32
      %mul3A_881 = vector.broadcast %mul3A_880 : i32 to vector<16xi32>
      %mul3A_882 = arith.muli %iota3A, %mul3A_881 : vector<16xi32>
      %add3A_883 = arith.constant 15 : i32
      %add3A_884 = vector.broadcast %add3A_883 : i32 to vector<16xi32>
      %add3A_885 = arith.addi %mul3A_882, %add3A_884 : vector<16xi32>
      tpu.vector_store_idx %arg8[%add3A_885], %scan3A_878 : memref<256xf32, #tpu.memory_space<vmem>>[vector<16xi32>], vector<16xf32>,
      %broadcast_in_dim3A_886 = arith.constant 0.000000e+00 : f32
      %broadcast_in_dim3A_887 = vector.broadcast %broadcast_in_dim3A_886 : f32 to vector<16xf32>
      %get3A_888 = arith.constant 0 : index
      %get3A_889 = tpu.vector_load %arg8[%get3A_888] {strides = array<i32>} : memref<256xf32, #tpu.memory_space<vmem>>, vector<16xf32>,
      %slice3A = vector.extract_strided_slice %get3A_5 {offsets = [0], sizes = [1], strides = [1]} : vector<16xf32> to vector<1xf32>
      %squeeze3A = vector.extract %slice3A[0] : f32 from vector<1xf32>
      %add3A_890 = vector.broadcast %squeeze3A : f32 to vector<16xf32>
      %add3A_891 = arith.addf %get3A_889, %add3A_890 : vector<16xf32>
      %max3A = arith.constant 0.000000e+00 : f32
      %max3A_892 = vector.broadcast %max3A : f32 to vector<16xf32>
      %max3A_893 = arith.maximumf %add3A_891, %max3A_892 : vector<16xf32>
      %slice3A_894 = vector.extract_strided_slice %get3A_9 {offsets = [0], sizes = [1], strides = [1]} : vector<16xf32> to vector<1xf32>
      %squeeze3A_895 = vector.extract %slice3A_894[0] : f32 from vector<1xf32>
      %mul3A_896 = vector.broadcast %squeeze3A_895 : f32 to vector<16xf32>
      %mul3A_897 = arith.mulf %max3A_893, %mul3A_896 : vector<16xf32>
      %add3A_898 = arith.addf %broadcast_in_dim3A_887, %mul3A_897 : vector<16xf32>
      %get3A_899 = arith.constant 16 : index
      %get3A_900 = tpu.vector_load %arg8[%get3A_899] {strides = array<i32>} : memref<256xf32, #tpu.memory_space<vmem>>, vector<16xf32>,
      %slice3A_901 = vector.extract_strided_slice %get3A_5 {offsets = [1], sizes = [1], strides = [1]} : vector<16xf32> to vector<1xf32>
      %squeeze3A_902 = vector.extract %slice3A_901[0] : f32 from vector<1xf32>
      %add3A_903 = vector.broadcast %squeeze3A_902 : f32 to vector<16xf32>
      %add3A_904 = arith.addf %get3A_900, %add3A_903 : vector<16xf32>
      %max3A_905 = arith.constant 0.000000e+00 : f32
      %max3A_906 = vector.broadcast %max3A_905 : f32 to vector<16xf32>
      %max3A_907 = arith.maximumf %add3A_904, %max3A_906 : vector<16xf32>
      %slice3A_908 = vector.extract_strided_slice %get3A_9 {offsets = [1], sizes = [1], strides = [1]} : vector<16xf32> to vector<1xf32>
      %squeeze3A_909 = vector.extract %slice3A_908[0] : f32 from vector<1xf32>
      %mul3A_910 = vector.broadcast %squeeze3A_909 : f32 to vector<16xf32>
      %mul3A_911 = arith.mulf %max3A_907, %mul3A_910 : vector<16xf32>
      %add3A_912 = arith.addf %add3A_898, %mul3A_911 : vector<16xf32>
      %get3A_913 = arith.constant 32 : index
      %get3A_914 = tpu.vector_load %arg8[%get3A_913] {strides = array<i32>} : memref<256xf32, #tpu.memory_space<vmem>>, vector<16xf32>,
      %slice3A_915 = vector.extract_strided_slice %get3A_5 {offsets = [2], sizes = [1], strides = [1]} : vector<16xf32> to vector<1xf32>
      %squeeze3A_916 = vector.extract %slice3A_915[0] : f32 from vector<1xf32>
      %add3A_917 = vector.broadcast %squeeze3A_916 : f32 to vector<16xf32>
      %add3A_918 = arith.addf %get3A_914, %add3A_917 : vector<16xf32>
      %max3A_919 = arith.constant 0.000000e+00 : f32
      %max3A_920 = vector.broadcast %max3A_919 : f32 to vector<16xf32>
      %max3A_921 = arith.maximumf %add3A_918, %max3A_920 : vector<16xf32>
      %slice3A_922 = vector.extract_strided_slice %get3A_9 {offsets = [2], sizes = [1], strides = [1]} : vector<16xf32> to vector<1xf32>
      %squeeze3A_923 = vector.extract %slice3A_922[0] : f32 from vector<1xf32>
      %mul3A_924 = vector.broadcast %squeeze3A_923 : f32 to vector<16xf32>
      %mul3A_925 = arith.mulf %max3A_921, %mul3A_924 : vector<16xf32>
      %add3A_926 = arith.addf %add3A_912, %mul3A_925 : vector<16xf32>
      %get3A_927 = arith.constant 48 : index
      %get3A_928 = tpu.vector_load %arg8[%get3A_927] {strides = array<i32>} : memref<256xf32, #tpu.memory_space<vmem>>, vector<16xf32>,
      %slice3A_929 = vector.extract_strided_slice %get3A_5 {offsets = [3], sizes = [1], strides = [1]} : vector<16xf32> to vector<1xf32>
      %squeeze3A_930 = vector.extract %slice3A_929[0] : f32 from vector<1xf32>
      %add3A_931 = vector.broadcast %squeeze3A_930 : f32 to vector<16xf32>
      %add3A_932 = arith.addf %get3A_928, %add3A_931 : vector<16xf32>
      %max3A_933 = arith.constant 0.000000e+00 : f32
      %max3A_934 = vector.broadcast %max3A_933 : f32 to vector<16xf32>
      %max3A_935 = arith.maximumf %add3A_932, %max3A_934 : vector<16xf32>
      %slice3A_936 = vector.extract_strided_slice %get3A_9 {offsets = [3], sizes = [1], strides = [1]} : vector<16xf32> to vector<1xf32>
      %squeeze3A_937 = vector.extract %slice3A_936[0] : f32 from vector<1xf32>
      %mul3A_938 = vector.broadcast %squeeze3A_937 : f32 to vector<16xf32>
      %mul3A_939 = arith.mulf %max3A_935, %mul3A_938 : vector<16xf32>
      %add3A_940 = arith.addf %add3A_926, %mul3A_939 : vector<16xf32>
      %get3A_941 = arith.constant 64 : index
      %get3A_942 = tpu.vector_load %arg8[%get3A_941] {strides = array<i32>} : memref<256xf32, #tpu.memory_space<vmem>>, vector<16xf32>,
      %slice3A_943 = vector.extract_strided_slice %get3A_5 {offsets = [4], sizes = [1], strides = [1]} : vector<16xf32> to vector<1xf32>
      %squeeze3A_944 = vector.extract %slice3A_943[0] : f32 from vector<1xf32>
      %add3A_945 = vector.broadcast %squeeze3A_944 : f32 to vector<16xf32>
      %add3A_946 = arith.addf %get3A_942, %add3A_945 : vector<16xf32>
      %max3A_947 = arith.constant 0.000000e+00 : f32
      %max3A_948 = vector.broadcast %max3A_947 : f32 to vector<16xf32>
      %max3A_949 = arith.maximumf %add3A_946, %max3A_948 : vector<16xf32>
      %slice3A_950 = vector.extract_strided_slice %get3A_9 {offsets = [4], sizes = [1], strides = [1]} : vector<16xf32> to vector<1xf32>
      %squeeze3A_951 = vector.extract %slice3A_950[0] : f32 from vector<1xf32>
      %mul3A_952 = vector.broadcast %squeeze3A_951 : f32 to vector<16xf32>
      %mul3A_953 = arith.mulf %max3A_949, %mul3A_952 : vector<16xf32>
      %add3A_954 = arith.addf %add3A_940, %mul3A_953 : vector<16xf32>
      %get3A_955 = arith.constant 80 : index
      %get3A_956 = tpu.vector_load %arg8[%get3A_955] {strides = array<i32>} : memref<256xf32, #tpu.memory_space<vmem>>, vector<16xf32>,
      %slice3A_957 = vector.extract_strided_slice %get3A_5 {offsets = [5], sizes = [1], strides = [1]} : vector<16xf32> to vector<1xf32>
      %squeeze3A_958 = vector.extract %slice3A_957[0] : f32 from vector<1xf32>
      %add3A_959 = vector.broadcast %squeeze3A_958 : f32 to vector<16xf32>
      %add3A_960 = arith.addf %get3A_956, %add3A_959 : vector<16xf32>
      %max3A_961 = arith.constant 0.000000e+00 : f32
      %max3A_962 = vector.broadcast %max3A_961 : f32 to vector<16xf32>
      %max3A_963 = arith.maximumf %add3A_960, %max3A_962 : vector<16xf32>
      %slice3A_964 = vector.extract_strided_slice %get3A_9 {offsets = [5], sizes = [1], strides = [1]} : vector<16xf32> to vector<1xf32>
      %squeeze3A_965 = vector.extract %slice3A_964[0] : f32 from vector<1xf32>
      %mul3A_966 = vector.broadcast %squeeze3A_965 : f32 to vector<16xf32>
      %mul3A_967 = arith.mulf %max3A_963, %mul3A_966 : vector<16xf32>
      %add3A_968 = arith.addf %add3A_954, %mul3A_967 : vector<16xf32>
      %get3A_969 = arith.constant 96 : index
      %get3A_970 = tpu.vector_load %arg8[%get3A_969] {strides = array<i32>} : memref<256xf32, #tpu.memory_space<vmem>>, vector<16xf32>,
      %slice3A_971 = vector.extract_strided_slice %get3A_5 {offsets = [6], sizes = [1], strides = [1]} : vector<16xf32> to vector<1xf32>
      %squeeze3A_972 = vector.extract %slice3A_971[0] : f32 from vector<1xf32>
      %add3A_973 = vector.broadcast %squeeze3A_972 : f32 to vector<16xf32>
      %add3A_974 = arith.addf %get3A_970, %add3A_973 : vector<16xf32>
      %max3A_975 = arith.constant 0.000000e+00 : f32
      %max3A_976 = vector.broadcast %max3A_975 : f32 to vector<16xf32>
      %max3A_977 = arith.maximumf %add3A_974, %max3A_976 : vector<16xf32>
      %slice3A_978 = vector.extract_strided_slice %get3A_9 {offsets = [6], sizes = [1], strides = [1]} : vector<16xf32> to vector<1xf32>
      %squeeze3A_979 = vector.extract %slice3A_978[0] : f32 from vector<1xf32>
      %mul3A_980 = vector.broadcast %squeeze3A_979 : f32 to vector<16xf32>
      %mul3A_981 = arith.mulf %max3A_977, %mul3A_980 : vector<16xf32>
      %add3A_982 = arith.addf %add3A_968, %mul3A_981 : vector<16xf32>
      %get3A_983 = arith.constant 112 : index
      %get3A_984 = tpu.vector_load %arg8[%get3A_983] {strides = array<i32>} : memref<256xf32, #tpu.memory_space<vmem>>, vector<16xf32>,
      %slice3A_985 = vector.extract_strided_slice %get3A_5 {offsets = [7], sizes = [1], strides = [1]} : vector<16xf32> to vector<1xf32>
      %squeeze3A_986 = vector.extract %slice3A_985[0] : f32 from vector<1xf32>
      %add3A_987 = vector.broadcast %squeeze3A_986 : f32 to vector<16xf32>
      %add3A_988 = arith.addf %get3A_984, %add3A_987 : vector<16xf32>
      %max3A_989 = arith.constant 0.000000e+00 : f32
      %max3A_990 = vector.broadcast %max3A_989 : f32 to vector<16xf32>
      %max3A_991 = arith.maximumf %add3A_988, %max3A_990 : vector<16xf32>
      %slice3A_992 = vector.extract_strided_slice %get3A_9 {offsets = [7], sizes = [1], strides = [1]} : vector<16xf32> to vector<1xf32>
      %squeeze3A_993 = vector.extract %slice3A_992[0] : f32 from vector<1xf32>
      %mul3A_994 = vector.broadcast %squeeze3A_993 : f32 to vector<16xf32>
      %mul3A_995 = arith.mulf %max3A_991, %mul3A_994 : vector<16xf32>
      %add3A_996 = arith.addf %add3A_982, %mul3A_995 : vector<16xf32>
      %get3A_997 = arith.constant 128 : index
      %get3A_998 = tpu.vector_load %arg8[%get3A_997] {strides = array<i32>} : memref<256xf32, #tpu.memory_space<vmem>>, vector<16xf32>,
      %slice3A_999 = vector.extract_strided_slice %get3A_5 {offsets = [8], sizes = [1], strides = [1]} : vector<16xf32> to vector<1xf32>
      %squeeze3A_1000 = vector.extract %slice3A_999[0] : f32 from vector<1xf32>
      %add3A_1001 = vector.broadcast %squeeze3A_1000 : f32 to vector<16xf32>
      %add3A_1002 = arith.addf %get3A_998, %add3A_1001 : vector<16xf32>
      %max3A_1003 = arith.constant 0.000000e+00 : f32
      %max3A_1004 = vector.broadcast %max3A_1003 : f32 to vector<16xf32>
      %max3A_1005 = arith.maximumf %add3A_1002, %max3A_1004 : vector<16xf32>
      %slice3A_1006 = vector.extract_strided_slice %get3A_9 {offsets = [8], sizes = [1], strides = [1]} : vector<16xf32> to vector<1xf32>
      %squeeze3A_1007 = vector.extract %slice3A_1006[0] : f32 from vector<1xf32>
      %mul3A_1008 = vector.broadcast %squeeze3A_1007 : f32 to vector<16xf32>
      %mul3A_1009 = arith.mulf %max3A_1005, %mul3A_1008 : vector<16xf32>
      %add3A_1010 = arith.addf %add3A_996, %mul3A_1009 : vector<16xf32>
      %get3A_1011 = arith.constant 144 : index
      %get3A_1012 = tpu.vector_load %arg8[%get3A_1011] {strides = array<i32>} : memref<256xf32, #tpu.memory_space<vmem>>, vector<16xf32>,
      %slice3A_1013 = vector.extract_strided_slice %get3A_5 {offsets = [9], sizes = [1], strides = [1]} : vector<16xf32> to vector<1xf32>
      %squeeze3A_1014 = vector.extract %slice3A_1013[0] : f32 from vector<1xf32>
      %add3A_1015 = vector.broadcast %squeeze3A_1014 : f32 to vector<16xf32>
      %add3A_1016 = arith.addf %get3A_1012, %add3A_1015 : vector<16xf32>
      %max3A_1017 = arith.constant 0.000000e+00 : f32
      %max3A_1018 = vector.broadcast %max3A_1017 : f32 to vector<16xf32>
      %max3A_1019 = arith.maximumf %add3A_1016, %max3A_1018 : vector<16xf32>
      %slice3A_1020 = vector.extract_strided_slice %get3A_9 {offsets = [9], sizes = [1], strides = [1]} : vector<16xf32> to vector<1xf32>
      %squeeze3A_1021 = vector.extract %slice3A_1020[0] : f32 from vector<1xf32>
      %mul3A_1022 = vector.broadcast %squeeze3A_1021 : f32 to vector<16xf32>
      %mul3A_1023 = arith.mulf %max3A_1019, %mul3A_1022 : vector<16xf32>
      %add3A_1024 = arith.addf %add3A_1010, %mul3A_1023 : vector<16xf32>
      %get3A_1025 = arith.constant 160 : index
      %get3A_1026 = tpu.vector_load %arg8[%get3A_1025] {strides = array<i32>} : memref<256xf32, #tpu.memory_space<vmem>>, vector<16xf32>,
      %slice3A_1027 = vector.extract_strided_slice %get3A_5 {offsets = [10], sizes = [1], strides = [1]} : vector<16xf32> to vector<1xf32>
      %squeeze3A_1028 = vector.extract %slice3A_1027[0] : f32 from vector<1xf32>
      %add3A_1029 = vector.broadcast %squeeze3A_1028 : f32 to vector<16xf32>
      %add3A_1030 = arith.addf %get3A_1026, %add3A_1029 : vector<16xf32>
      %max3A_1031 = arith.constant 0.000000e+00 : f32
      %max3A_1032 = vector.broadcast %max3A_1031 : f32 to vector<16xf32>
      %max3A_1033 = arith.maximumf %add3A_1030, %max3A_1032 : vector<16xf32>
      %slice3A_1034 = vector.extract_strided_slice %get3A_9 {offsets = [10], sizes = [1], strides = [1]} : vector<16xf32> to vector<1xf32>
      %squeeze3A_1035 = vector.extract %slice3A_1034[0] : f32 from vector<1xf32>
      %mul3A_1036 = vector.broadcast %squeeze3A_1035 : f32 to vector<16xf32>
      %mul3A_1037 = arith.mulf %max3A_1033, %mul3A_1036 : vector<16xf32>
      %add3A_1038 = arith.addf %add3A_1024, %mul3A_1037 : vector<16xf32>
      %get3A_1039 = arith.constant 176 : index
      %get3A_1040 = tpu.vector_load %arg8[%get3A_1039] {strides = array<i32>} : memref<256xf32, #tpu.memory_space<vmem>>, vector<16xf32>,
      %slice3A_1041 = vector.extract_strided_slice %get3A_5 {offsets = [11], sizes = [1], strides = [1]} : vector<16xf32> to vector<1xf32>
      %squeeze3A_1042 = vector.extract %slice3A_1041[0] : f32 from vector<1xf32>
      %add3A_1043 = vector.broadcast %squeeze3A_1042 : f32 to vector<16xf32>
      %add3A_1044 = arith.addf %get3A_1040, %add3A_1043 : vector<16xf32>
      %max3A_1045 = arith.constant 0.000000e+00 : f32
      %max3A_1046 = vector.broadcast %max3A_1045 : f32 to vector<16xf32>
      %max3A_1047 = arith.maximumf %add3A_1044, %max3A_1046 : vector<16xf32>
      %slice3A_1048 = vector.extract_strided_slice %get3A_9 {offsets = [11], sizes = [1], strides = [1]} : vector<16xf32> to vector<1xf32>
      %squeeze3A_1049 = vector.extract %slice3A_1048[0] : f32 from vector<1xf32>
      %mul3A_1050 = vector.broadcast %squeeze3A_1049 : f32 to vector<16xf32>
      %mul3A_1051 = arith.mulf %max3A_1047, %mul3A_1050 : vector<16xf32>
      %add3A_1052 = arith.addf %add3A_1038, %mul3A_1051 : vector<16xf32>
      %get3A_1053 = arith.constant 192 : index
      %get3A_1054 = tpu.vector_load %arg8[%get3A_1053] {strides = array<i32>} : memref<256xf32, #tpu.memory_space<vmem>>, vector<16xf32>,
      %slice3A_1055 = vector.extract_strided_slice %get3A_5 {offsets = [12], sizes = [1], strides = [1]} : vector<16xf32> to vector<1xf32>
      %squeeze3A_1056 = vector.extract %slice3A_1055[0] : f32 from vector<1xf32>
      %add3A_1057 = vector.broadcast %squeeze3A_1056 : f32 to vector<16xf32>
      %add3A_1058 = arith.addf %get3A_1054, %add3A_1057 : vector<16xf32>
      %max3A_1059 = arith.constant 0.000000e+00 : f32
      %max3A_1060 = vector.broadcast %max3A_1059 : f32 to vector<16xf32>
      %max3A_1061 = arith.maximumf %add3A_1058, %max3A_1060 : vector<16xf32>
      %slice3A_1062 = vector.extract_strided_slice %get3A_9 {offsets = [12], sizes = [1], strides = [1]} : vector<16xf32> to vector<1xf32>
      %squeeze3A_1063 = vector.extract %slice3A_1062[0] : f32 from vector<1xf32>
      %mul3A_1064 = vector.broadcast %squeeze3A_1063 : f32 to vector<16xf32>
      %mul3A_1065 = arith.mulf %max3A_1061, %mul3A_1064 : vector<16xf32>
      %add3A_1066 = arith.addf %add3A_1052, %mul3A_1065 : vector<16xf32>
      %get3A_1067 = arith.constant 208 : index
      %get3A_1068 = tpu.vector_load %arg8[%get3A_1067] {strides = array<i32>} : memref<256xf32, #tpu.memory_space<vmem>>, vector<16xf32>,
      %slice3A_1069 = vector.extract_strided_slice %get3A_5 {offsets = [13], sizes = [1], strides = [1]} : vector<16xf32> to vector<1xf32>
      %squeeze3A_1070 = vector.extract %slice3A_1069[0] : f32 from vector<1xf32>
      %add3A_1071 = vector.broadcast %squeeze3A_1070 : f32 to vector<16xf32>
      %add3A_1072 = arith.addf %get3A_1068, %add3A_1071 : vector<16xf32>
      %max3A_1073 = arith.constant 0.000000e+00 : f32
      %max3A_1074 = vector.broadcast %max3A_1073 : f32 to vector<16xf32>
      %max3A_1075 = arith.maximumf %add3A_1072, %max3A_1074 : vector<16xf32>
      %slice3A_1076 = vector.extract_strided_slice %get3A_9 {offsets = [13], sizes = [1], strides = [1]} : vector<16xf32> to vector<1xf32>
      %squeeze3A_1077 = vector.extract %slice3A_1076[0] : f32 from vector<1xf32>
      %mul3A_1078 = vector.broadcast %squeeze3A_1077 : f32 to vector<16xf32>
      %mul3A_1079 = arith.mulf %max3A_1075, %mul3A_1078 : vector<16xf32>
      %add3A_1080 = arith.addf %add3A_1066, %mul3A_1079 : vector<16xf32>
      %get3A_1081 = arith.constant 224 : index
      %get3A_1082 = tpu.vector_load %arg8[%get3A_1081] {strides = array<i32>} : memref<256xf32, #tpu.memory_space<vmem>>, vector<16xf32>,
      %slice3A_1083 = vector.extract_strided_slice %get3A_5 {offsets = [14], sizes = [1], strides = [1]} : vector<16xf32> to vector<1xf32>
      %squeeze3A_1084 = vector.extract %slice3A_1083[0] : f32 from vector<1xf32>
      %add3A_1085 = vector.broadcast %squeeze3A_1084 : f32 to vector<16xf32>
      %add3A_1086 = arith.addf %get3A_1082, %add3A_1085 : vector<16xf32>
      %max3A_1087 = arith.constant 0.000000e+00 : f32
      %max3A_1088 = vector.broadcast %max3A_1087 : f32 to vector<16xf32>
      %max3A_1089 = arith.maximumf %add3A_1086, %max3A_1088 : vector<16xf32>
      %slice3A_1090 = vector.extract_strided_slice %get3A_9 {offsets = [14], sizes = [1], strides = [1]} : vector<16xf32> to vector<1xf32>
      %squeeze3A_1091 = vector.extract %slice3A_1090[0] : f32 from vector<1xf32>
      %mul3A_1092 = vector.broadcast %squeeze3A_1091 : f32 to vector<16xf32>
      %mul3A_1093 = arith.mulf %max3A_1089, %mul3A_1092 : vector<16xf32>
      %add3A_1094 = arith.addf %add3A_1080, %mul3A_1093 : vector<16xf32>
      %get3A_1095 = arith.constant 240 : index
      %get3A_1096 = tpu.vector_load %arg8[%get3A_1095] {strides = array<i32>} : memref<256xf32, #tpu.memory_space<vmem>>, vector<16xf32>,
      %slice3A_1097 = vector.extract_strided_slice %get3A_5 {offsets = [15], sizes = [1], strides = [1]} : vector<16xf32> to vector<1xf32>
      %squeeze3A_1098 = vector.extract %slice3A_1097[0] : f32 from vector<1xf32>
      %add3A_1099 = vector.broadcast %squeeze3A_1098 : f32 to vector<16xf32>
      %add3A_1100 = arith.addf %get3A_1096, %add3A_1099 : vector<16xf32>
      %max3A_1101 = arith.constant 0.000000e+00 : f32
      %max3A_1102 = vector.broadcast %max3A_1101 : f32 to vector<16xf32>
      %max3A_1103 = arith.maximumf %add3A_1100, %max3A_1102 : vector<16xf32>
      %slice3A_1104 = vector.extract_strided_slice %get3A_9 {offsets = [15], sizes = [1], strides = [1]} : vector<16xf32> to vector<1xf32>
      %squeeze3A_1105 = vector.extract %slice3A_1104[0] : f32 from vector<1xf32>
      %mul3A_1106 = vector.broadcast %squeeze3A_1105 : f32 to vector<16xf32>
      %mul3A_1107 = arith.mulf %max3A_1103, %mul3A_1106 : vector<16xf32>
      %add3A_1108 = arith.addf %add3A_1094, %mul3A_1107 : vector<16xf32>
      %slice3A_1109 = vector.extract_strided_slice %get3A_13 {offsets = [0], sizes = [1], strides = [1]} : vector<16xf32> to vector<1xf32>
      %squeeze3A_1110 = vector.extract %slice3A_1109[0] : f32 from vector<1xf32>
      %add3A_1111 = vector.broadcast %squeeze3A_1110 : f32 to vector<16xf32>
      %add3A_1112 = arith.addf %add3A_1108, %add3A_1111 : vector<16xf32>
      %neg3A = arith.constant 0.000000e+00 : f32
      %neg3A_1113 = vector.broadcast %neg3A : f32 to vector<16xf32>
      %neg3A_1114 = arith.subf %neg3A_1113, %add3A_1112 : vector<16xf32>
      %exp3A = math.exp %neg3A_1114 : vector<16xf32>
      %add3A_1115 = arith.constant 1.000000e+00 : f32
      %add3A_1116 = vector.broadcast %add3A_1115 : f32 to vector<16xf32>
      %add3A_1117 = arith.addf %add3A_1116, %exp3A : vector<16xf32>
      %div3A = arith.constant 1.000000e+00 : f32
      %div3A_1118 = vector.broadcast %div3A : f32 to vector<16xf32>
      %div3A_1119 = arith.divf %div3A_1118, %add3A_1117 : vector<16xf32>
      %swap3A = arith.constant 0 : index
      %swap3A_1120 = tpu.vector_load %arg9[%swap3A] {strides = array<i32>} : memref<16xf32, #tpu.memory_space<vmem>>, vector<16xf32>,
      tpu.vector_store %arg9[%swap3A], %div3A_1119 {strides = array<i32>} : memref<16xf32, #tpu.memory_space<vmem>>, vector<16xf32>,
      "tpu.region"() ({
        %run_scoped3A = tpu.sem_alloc : memref<!tpu.dma_semaphore, #tpu.memory_space<semaphore_mem>>
        %dma_start3A_1121 = tpu.memref_slice %arg5[%add3A_22] : memref<16384xf32, #tpu.memory_space<hbm>> -> memref<16xf32, #tpu.memory_space<hbm>>
        %dma_start3A_1122 = tpu.memref_slice %arg5[%add3A_22] : memref<16384xf32, #tpu.memory_space<hbm>> -> memref<16xf32, #tpu.memory_space<hbm>>
        tpu.enqueue_dma source(%arg9 : memref<16xf32, #tpu.memory_space<vmem>>) target(%dma_start3A_1122 : memref<16xf32, #tpu.memory_space<hbm>>) target_semaphore(%run_scoped3A : memref<!tpu.dma_semaphore, #tpu.memory_space<semaphore_mem>>)
        %dma_wait3A_1123 = tpu.memref_slice %arg5[%add3A_22] : memref<16384xf32, #tpu.memory_space<hbm>> -> memref<16xf32, #tpu.memory_space<hbm>>
        %dma_wait3A_1124 = tpu.memref_slice %arg5[%add3A_22] : memref<16384xf32, #tpu.memory_space<hbm>> -> memref<16xf32, #tpu.memory_space<hbm>>
        tpu.wait_dma2 semaphore(%run_scoped3A : memref<!tpu.dma_semaphore, #tpu.memory_space<semaphore_mem>>) src(%arg9 : memref<16xf32, #tpu.memory_space<vmem>>) dst(%dma_wait3A_1124 : memref<16xf32, #tpu.memory_space<hbm>>)
        tpu.yield
      }) : () -> ()
    }
    %scan3A_18 = arith.constant 32 : i32
    return
  }
}

module attributes {stable_mosaic.version = 14 : i64} {
  func.func @_t1_body(%arg0: i32, %arg1: memref<8192x10xf32, #tpu.memory_space<vmem>>, %arg2: memref<10x16xf32, #tpu.memory_space<vmem>>, %arg3: memref<8192x16xf32, #tpu.memory_space<vmem>>) attributes {dimension_semantics = [#tpu.dimension_semantics<arbitrary>], iteration_bounds = array<i64: 13>, scalar_prefetch = 0 : i64, scratch_operands = 0 : i64, tpu.core_type = #tpu.core_type<tc>, window_params = [{transform_indices = @transform_0, window_bounds = array<i64: 8192, 10>}, {pipeline_mode = #tpu.pipeline_mode<synchronous>, transform_indices = @transform_1, window_bounds = array<i64: 10, 16>}, {transform_indices = @transform_2, window_bounds = array<i64: 8192, 16>}]} {
    %get3A = arith.constant 0 : index
    %get3A_0 = arith.constant 0 : index
    %get3A_1 = vector.load %arg1[%get3A, %get3A_0] : memref<8192x10xf32, #tpu.memory_space<vmem>>, vector<8192x10xf32>
    %get3A_2 = arith.constant 0 : index
    %get3A_3 = arith.constant 0 : index
    %get3A_4 = vector.load %arg2[%get3A_2, %get3A_3] : memref<10x16xf32, #tpu.memory_space<vmem>>, vector<10x16xf32>
    %dot_general3A = arith.constant dense<0.000000e+00> : vector<8192x16xf32>
    %dot_general3A_5 = tpu.matmul %get3A_1, %get3A_4, %dot_general3A {dimension_numbers = #tpu.dot_dimension_numbers<[1], [0], [0], [1], [0, 0, 1, 1], [], []>, transpose_lhs_hint = false} : vector<8192x10xf32>, vector<10x16xf32>, vector<8192x16xf32> -> vector<8192x16xf32>
    %mul3A = arith.constant 5.000000e-03 : f32
    %mul3A_6 = vector.broadcast %mul3A : f32 to vector<8192x16xf32>
    %mul3A_7 = arith.mulf %dot_general3A_5, %mul3A_6 : vector<8192x16xf32>
    %swap3A = arith.constant 0 : index
    %swap3A_8 = arith.constant 0 : index
    %swap3A_9 = vector.load %arg3[%swap3A, %swap3A_8] : memref<8192x16xf32, #tpu.memory_space<vmem>>, vector<8192x16xf32>
    tpu.vector_store %arg3[%swap3A, %swap3A_8], %mul3A_7 {strides = array<i32>} : memref<8192x16xf32, #tpu.memory_space<vmem>>, vector<8192x16xf32>,
    return
  }
  func.func @transform_0(%arg0: i32) -> (i32, i32) {
    %c0_i32 = arith.constant 0 : i32
    %c0_i32_0 = arith.constant 0 : i32
    return %arg0, %c0_i32 : i32, i32
  }
  func.func @transform_1(%arg0: i32) -> (i32, i32) {
    %c0_i32 = arith.constant 0 : i32
    %c0_i32_0 = arith.constant 0 : i32
    %c0_i32_1 = arith.constant 0 : i32
    return %c0_i32, %c0_i32_0 : i32, i32
  }
  func.func @transform_2(%arg0: i32) -> (i32, i32) {
    %c0_i32 = arith.constant 0 : i32
    %c0_i32_0 = arith.constant 0 : i32
    return %arg0, %c0_i32 : i32, i32
  }
}

</mosaic_0001>

<sc_bundles>
// kernel: kernel.4.cloned.1.call-start
scs
__scs_entry_jumppad:
0x0: {  	(pc) =	sbr.rel $0x88, $3  }
0x1: {  	(tag) =	ssettag $0x0;
	lr =	simm.s32 $0x1  }
0x2: {  	[smem:$0x3F9B] =	sst lr;
	_ =	strace $0xD0000000  }
0x3: {  	_ = 	snop  }
0x4: {  	_ = 	snop  }
0x5: {  	_ = 	snop  }
0x6: {  	_ = 	snop  }
0x7: {  	_ = 	snop  }
__scs_overlays_trampoline_lowered:
0x8: {  	[smem:$0x3FAA] =	sst s0  }
0x9: {  	[smem:$0x3FAB] =	sst s1  }
0xa: {  	[smem:$0x3FAC] =	sst s2  }
0xb: {  	[smem:$0x3FAD] =	sst s3  }
0xc: {  	[smem:$0x3FAE] =	sst s4  }
0xd: {  	[smem:$0x3FAF] =	sst s5  }
0xe: {  	[smem:$0x3FB0] =	sst s6  }
0xf: {  	[smem:$0x3FB1] =	sst s7  }
0x10: {  	[smem:$0x3FB2] =	sst s8  }
0x11: {  	[smem:$0x3FB3] =	sst s9;
	s0 =	simm.s32 @!p0 $0x0  }
0x12: {  	s1 =	sld [smem:$0x3F99];
	s0 =	simm.s32 @p0 $0x1  }
0x13: {  	[smem:$0x3FB4] =	sst s0;
	s0 =	simm.s32 @!p1 $0x0  }
0x14: {  	s2 =	sld [smem:$0x3F98];
	s0 =	simm.s32 @p1 $0x1  }
0x15: {  	[smem:$0x3FB5] =	sst s0;
	s0 =	simm.s32 @!p2 $0x0  }
0x16: {  	s3 =	sld [smem:$0x3FDB];
	s0 =	simm.s32 @p2 $0x1  }
0x17: {  	s4 =	simm.s32 $0x1BF5;
	[smem:$0x3FB7] =	sst s0  }
0x18: {  	s0 =	sld [smem:$0x3F9A];
	_ =	swait.ge [sflag:s4], $0x0  }
0x19: {  	s7 =	sld [smem:$0x3F9B]  }
0x1a: {  	s8 =	sadd.s32 $0xFFFFE003, lr  }
0x1b: {  	s9 =	sadd.s32 $0xFFFFFEF7, lr;
	s5 =	simm.s32 $0xFFFFFFFF;
	p2 =	slt.u32 s8, $0xFFFFF086  }
0x1c: {  	p1 =	slt.u32 s9, $0xF7A;
	s5 =	simm.s32 @!p2 $0x0  }
0x1d: {  	s5 =	simm.s32 @p1 $0x1;
	p0 =	seq.s32 s7, s2  }
0x1e: {  	s7 =	smul.u32 @!p0 $0xF7A, s2;
	p2 =	seq.s32 @!p0 s5, $0x0  }
0x1f: {  	s9 =	smul.u32 $0xF7A, s1;
	s8 =	simm.s32 @!p0 $0x1BF5;
	p2 =	por !p2, p0  }
0x20: {  	[sflag:s8] =	ssyncset.s32 @!p0 $0xFFFFF086;
	s6 =	sadd.s32 @!p0 s3, s7;
	s7 =	simm.s32 @!p0 $0x108  }
0x21: {  	s3 =	sadd.s32 s3, s9;
	s6 =	sadd.s32 @!p0 $0x88, s6;
	s7 =	simm.s32 @p2 $0x1082  }
0x22: {  	[simem:s7], [sflag:s8] =	dma.local @!p0 [hbm:s6], $0xF7A  }
0x23: {  	s9 =	sor.u32 $0xD0000000, s2;
	s6 =	simm.s32 $0x108;
	_ =	swait.ge @!p0 [sflag:s8], $0x0  }
0x24: {  	s3 =	sadd.s32 $0x88, s3;
	s6 =	simm.s32 @!p1 $0x1082;
	[sflag:s4] =	ssyncset.s32 $0xFFFFF086  }
0x25: {  	[simem:s6], [sflag:s4] =	dma.local [hbm:s3], $0xF7A  }
0x26: {  	[smem:$0x3F9B] =	sst s1;
	(tag) =	ssettag s2;
	_ =	strace s9  }
0x27: {  	s1 =	sld [smem:$0x3FAB]  }
0x28: {  	s2 =	sld [smem:$0x3FAC]  }
0x29: {  	s4 =	sld [smem:$0x3FAE]  }
0x2a: {  	p0 =	seq.s32 s5, $0x0;
	s5 =	sld [smem:$0x3FAF]  }
0x2b: {  	s6 =	sld [smem:$0x3FB0]  }
0x2c: {  	s7 =	sld [smem:$0x3FB1]  }
0x2d: {  	s3 =	simm.s32 $0x108;
	s8 =	sld [smem:$0x3FB2]  }
0x2e: {  	s3 =	simm.s32 @!p0 $0x1082;
	s9 =	sld [smem:$0x3FB3]  }
0x2f: {  	lr =	sadd.s32 s0, s3;
	s0 =	sld [smem:$0x3FAA]  }
0x30: {  	s3 =	sld [smem:$0x3FAD]  }
0x31: {  	[smem:$0x3FB6] =	sst s10  }
0x32: {  	s10 =	sld [smem:$0x3FB4];
	_ =	sdelay $0x3  }
0x33: {  	p0 =	seq.s32 s10, $0x1;
	s10 =	sld [smem:$0x3FB6];
	_ =	sdelay $0x3  }
0x34: {  	[smem:$0x3FB6] =	sst s10  }
0x35: {  	s10 =	sld [smem:$0x3FB5];
	_ =	sdelay $0x3  }
0x36: {  	p1 =	seq.s32 s10, $0x1;
	s10 =	sld [smem:$0x3FB6];
	_ =	sdelay $0x3  }
0x37: {  	[smem:$0x3FB6] =	sst s10  }
0x38: {  	s10 =	sld [smem:$0x3FB7]  }
0x39: {  	_ = 	snop;
	(pc) =	sbr.ind lr, $3  }
0x3a: {  	_ = 	snop  }
0x3b: {  	_ = 	snop  }
0x3c: {  	p2 =	seq.s32 s10, $0x1;
	s10 =	sld [smem:$0x3FB6]  }
0x3d: {  	_ =	shalt  }
0x3e: {  	_ =	shalt  }
0x3f: {  	_ =	shalt  }
0x40: {  	_ =	shalt  }
0x41: {  	_ =	shalt  }
0x42: {  	_ =	shalt  }
0x43: {  	_ =	shalt  }
0x44: {  	_ =	shalt  }
0x45: {  	_ =	shalt  }
0x46: {  	_ =	shalt  }
0x47: {  	_ =	shalt  }
0x48: {  	_ =	shalt  }
0x49: {  	_ =	shalt  }
0x4a: {  	_ =	shalt  }
0x4b: {  	_ =	shalt  }
0x4c: {  	_ =	shalt  }
0x4d: {  	_ =	shalt  }
0x4e: {  	_ =	shalt  }
0x4f: {  	_ =	shalt  }
0x50: {  	_ =	shalt  }
0x51: {  	_ =	shalt  }
0x52: {  	_ =	shalt  }
0x53: {  	_ =	shalt  }
0x54: {  	_ =	shalt  }
0x55: {  	_ =	shalt  }
0x56: {  	_ =	shalt  }
0x57: {  	_ =	shalt  }
0x58: {  	_ =	shalt  }
0x59: {  	_ =	shalt  }
0x5a: {  	_ =	shalt  }
0x5b: {  	_ =	shalt  }
0x5c: {  	_ =	shalt  }
0x5d: {  	_ =	shalt  }
0x5e: {  	_ =	shalt  }
0x5f: {  	_ =	shalt  }
0x60: {  	_ =	shalt  }
0x61: {  	_ =	shalt  }
0x62: {  	_ =	shalt  }
0x63: {  	_ =	shalt  }
0x64: {  	_ =	shalt  }
0x65: {  	_ =	shalt  }
0x66: {  	_ =	shalt  }
0x67: {  	_ =	shalt  }
0x68: {  	_ =	shalt  }
0x69: {  	_ =	shalt  }
0x6a: {  	_ =	shalt  }
0x6b: {  	_ =	shalt  }
0x6c: {  	_ =	shalt  }
0x6d: {  	_ =	shalt  }
0x6e: {  	_ =	shalt  }
0x6f: {  	_ =	shalt  }
0x70: {  	_ =	shalt  }
0x71: {  	_ =	shalt  }
0x72: {  	_ =	shalt  }
0x73: {  	_ =	shalt  }
0x74: {  	_ =	shalt  }
0x75: {  	_ =	shalt  }
0x76: {  	_ =	shalt  }
0x77: {  	_ =	shalt  }
0x78: {  	_ =	shalt  }
0x79: {  	_ =	shalt  }
0x7a: {  	_ =	shalt  }
0x7b: {  	_ =	shalt  }
0x7c: {  	_ =	shalt  }
0x7d: {  	_ =	shalt  }
0x7e: {  	_ =	shalt  }
0x7f: {  	_ =	shalt  }
0x80: {  	_ =	shalt  }
0x81: {  	_ =	shalt  }
0x82: {  	_ =	shalt  }
0x83: {  	_ =	shalt  }
0x84: {  	_ =	shalt  }
0x85: {  	_ =	shalt  }
0x86: {  	_ =	shalt  }
0x87: {  	_ =	shalt  }
.Lfunc_end0:
.L_simem_size_0:
called_computation_lowered:
.L_overlay_start_0:
0x88: {  	s2 =	sld [smem:$0x3FD9]  }
0x89: {  	s3 =	sld [smem:$0x3FFE];
	_ =	sdelay $0x1  }
0x8a: {  	s1 =	srdreg.scid  }
0x8b: {  	s0 =	sand.u32 $0x1, s1  }
0x8c: {  	s17 =	sshll.u32 s0, $0xA;
	s2 =	sadd.s32 s3, s2  }
0x8d: {  	s2 =	sadd.s32 s2, s17  }
0x8e: {  	[smem:$0x3FC2] =	sst s2  }
0x8f: {  	_ = 	snop  }
0x90: {  	s2 =	sld [smem:$0x3FD0];
	(tm) =	ssettm $0x1  }
0x91: {  	s18 =	sld [smem:$0x3FFB];
	_ =	sdelay $0x3  }
0x92: {  	_ =	strace s18  }
0x93: {  	s3 =	sld [smem:$0x3FFC];
	_ =	sdelay $0x3  }
0x94: {  	_ =	strace s3  }
0x95: {  	s3 =	sld [smem:$0x3FFD];
	_ =	sdelay $0x3  }
0x96: {  	_ =	strace s3  }
0x97: {  	_ =	strace $0x8FFFFFFF  }
0x98: {  	s19 =	sld [smem:$0x3FDB];
	_ =	sdelay $0x1  }
0x99: {  	s4 =	simm.s32 $_scs_section_size  }
0x9a: {  	s5 =	simm.s32 $_size__tile_overlayer_lowered;
	s6 =	simm.s32 $_tile_overlayer_lowered  }
0x9b: {  	s22 =	simm.s32 $0x1BFF;
	s21 =	sshll.u32 s6, $0x1;
	s3 =	sadd.s32 s4, s19  }
0x9c: {  	s7 =	simm.s32 $0x0;
	s20 =	sshll.u32 s5, $0x1;
	s5 =	sadd.s32 s21, s3  }
0x9d: {  	[timem:s7], [sflag:s22] =	dma.local [hbm:s5], s20  }
0x9e: {  	_ =	swait.ge [sflag:s22], s20  }
0x9f: {  	s4 =	ssub.s32 $0x0, s20;
	[sflag:s22] =	ssyncset.done $0x0  }
0xa0: {  	[sflag:s22] =	ssyncadd.s32 s4;
	_ =	sdelay $0x1  }
0xa1: {  	s23 =	simm.s32 $0x1B8B  }
0xa2: {  	_ =	swait.ge [sflag:s23], $0x1  }
0xa3: {  	[sflag:s23] =	ssyncset.done $0x0  }
0xa4: {  	s25 =	simm.s32 $0x1B8E;
	s24 =	sld [smem:$0x3FFE];
	[sflag:s23] =	ssyncadd.s32 $0xFFFFFFFF  }
0xa5: {  	s26 =	simm.s32 $execute0_lowered;
	[smem:$0x3FD2] =	sst s25  }
0xa6: {  	s5 =	sshll.u32 s26, $0x1;
	_ =	strace $0x80000046;
	[dreg:$0x1] =	wrdreg $0xFFFFFFFF  }
0xa7: {  	s28 =	simm.s32 $_size_execute0_lowered;
	s3 =	sadd.s32 s3, s5;
	[dreg:$0x0] =	wrdreg $0x0  }
0xa8: {  	s5 =	sshll.u32 s28, $0x1;
	[dreg:$0x2] =	wrdreg s3  }
0xa9: {  	[dreg:$0x3] =	wrdreg s5  }
0xaa: {  	[dreg:$0x4] =	wrdreg $0xC0  }
0xab: {  	_ =	task [dreg:s7], $0x5FFFF  }
0xac: {  	[dreg:$0x1] =	wrdreg $0xFFFFFFFF  }
0xad: {  	[dreg:$0x0] =	wrdreg $0x60  }
0xae: {  	[dreg:$0x2] =	wrdreg s24  }
0xaf: {  	[dreg:$0x3] =	wrdreg s2  }
0xb0: {  	[dreg:$0x4] =	wrdreg $0x9  }
0xb1: {  	_ =	task.clear_ibuf [dreg:s7], $0x5FFFF;
	_ =	strace $0x90000046  }
0xb2: {  	s29 =	simm.s32 $0x9;
	_ =	strace $0x80000048  }
0xb3: {  	_ =	swait.ge [sflag:s29], $0x1  }
0xb4: {  	[sflag:s29] =	ssyncadd.s32 $0xFFFFFFFF  }
0xb5: {  	_ =	strace $0x90000048  }
0xb6: {  	_ =	sfence  }
0xb7: {  	s30 =	sld [smem:$0x0];
	_ =	sdelay $0x2  }
0xb8: {  	s31 =	sshll.u32 s1, $0xD;
	s1 =	sshrl.u32 s1, $0x2  }
0xb9: {  	s3 =	sand.u32 $0x4000, s31;
	s1 =	sadd.s32 s1, s30  }
0xba: {  	s0 =	sor.u32 s3, s0;
	s1 =	sshll.u32 s1, $0x11  }
0xbb: {  	s0 =	sor.u32 s1, s0  }
0xbc: {  	s0 =	sadd.s32 $0x8F2B, s0  }
0xbd: {  	[sflag:s0] =	ssyncadd.remote.s32 $0x1  }
0xbe: {  	_ =	sfence.sel $0xFFFF  }
0xbf: {  	[dreg:$0x0] =	wrdreg $0xFFFFFFFF;
	(pc) =	sbr.abs _section_cstart, $3  }
0xc0: {  	[dreg:$0x1] =	wrdreg $0xFFFFFFFF  }
0xc1: {  	_ =	task.clear_ibuf [dreg:s7], $0x2FFFF;
	_ =	strace $0x9FFFFFFF  }
0xc2: {  	(tm) =	ssettm $0x7FFFFFFF  }
0xc3: {  	_ =	shalt  }
tec
execute0_lowered:
.L_overlay_start_1:
0x0: {  	(tag) =	ssettag $0x1  }
0x1: {  	s0 =	rddreg [dreg:$0x0]  }
0x2: {  	s2 =	simm.s32 $0x0;
	s1 =	srdreg.scid;
	s6 =	stileid.u32  }
0x3: {  	s10 =	simm.s32 $0x2;
	s11 =	simm.s32 $0x64;
	s9 =	simm.s32 $0x9CC0  }
0x4: {  	s8 =	simm.s32 $0xA300;
	s12 =	simm.s32 $0xA940;
	s13 =	simm.s32 $0xA90  }
0x5: {  	s14 =	simm.s32 $0xAF80;
	s15 =	simm.s32 $0xAF8;
	s16 =	simm.s32 $0xB5C0  }
0x6: {  	s17 =	simm.s32 $0xB60;
	s18 =	simm.s32 $0xBC00;
	s19 =	simm.s32 $0xBC8  }
0x7: {  	s20 =	simm.s32 $0xC240;
	s21 =	simm.s32 $0xC30;
	s22 =	simm.s32 $0xC880  }
0x8: {  	v0 =	vlaneseq.u32;
	s23 =	simm.s32 $0xC98;
	s24 =	simm.s32 $0xCEC0;
	s25 =	simm.s32 $0x1  }
0x9: {  	s26 =	simm.s32 $0xD500;
	s28 =	simm.s32 $0xD600;
	s29 =	simm.s32 $0x0;
	v0 =	vmul.u32 $0x10, v0  }
0xa: {  	[smem:$0x7FF] =	sst s2;
	s1 =	sand.u32 $0x1, s1;
	s4 =	sadd.s32 $0x32800, s0  }
0xb: {  	s5 =	sadd.s32 $0x1A00, s0;
	s0 =	sadd.s32 $0x9A800, s0;
	s3 =	ssub.s32 $0x2, s1;
	v1 =	vor.u32 $0x1, v0  }
0xc: {  	s31 =	sshll.u32 s6, $0xA;
	_ =	strace $0x80000047;
	s30 =	sshrl.u32 s3, $0x1;
	v2 =	vor.u32 $0x2, v0;
	v3 =	vor.u32 $0x3, v0;
	v4 =	vor.u32 $0x4, v0  }
0xd: {  	[dreg:$0x3] =	wrdreg s0;
	s1 =	sshll.u32 s1, $0x9;
	v5 =	vor.u32 $0x5, v0;
	v6 =	vor.u32 $0x6, v0;
	v7 =	vor.u32 $0x7, v0;
	s0 =	ssub.s32 s3, s30  }
0xe: {  	s6 =	simm.s32 $0x9C0;
	s7 =	sor.u32 s1, s31;
	v8 =	vor.u32 $0x8, v0;
	v9 =	vor.u32 $0x9, v0;
	v10 =	vor.u32 $0xA, v0;
	s0 =	smax.u32 s0, $0x1  }
0xf: {  	s1 =	simm.s32 $0xA28;
	v11 =	vor.u32 $0xB, v0;
	v12 =	vor.u32 $0xC, v0;
	v13 =	vor.u32 $0xD, v0;
	s3 =	simm.s32 $0x958;
	[dreg:$0x4] =	wrdreg s0  }
.LBB2_1:
0x10: {  	[dreg:$0x5] =	wrdreg s29  }
0x11: {  	s0 =	rddreg [dreg:$0x3];
	s29 =	simm.s32 $0xD610  }
0x12: {  	[tilespmem:s29], [sflag:$0x2] =	stream.linear.gather [hbm4b:s0+s2], $0x30, $0x38;
	[tilespmem:$0xD640] =	vst v63  }
0x13: {  	_ =	swait.ge [sflag:s10], $0x30  }
0x14: {  	[sflag:s10] =	ssyncset.done $0x0  }
0x15: {  	[sflag:s10] =	ssyncadd.s32 $0xFFFFFFD0  }
0x16: {  	v44 =	vld [tilespmem:$0xD610]  }
0x17: {  	v45 =	vld [tilespmem:$0xD620];
	_ =	sdelay $0x4  }
0x18: {  	v14 =	vbroadcast v44, $0x0;
	v15 =	vbroadcast v45, $0x0  }
0x19: {  	v16 =	vbroadcast v44, $0x1;
	v17 =	vbroadcast v45, $0x1  }
0x1a: {  	v18 =	vbroadcast v44, $0x2;
	v19 =	vbroadcast v45, $0x2  }
0x1b: {  	v20 =	vbroadcast v44, $0x3;
	v21 =	vbroadcast v45, $0x3  }
0x1c: {  	v22 =	vbroadcast v44, $0x4;
	v23 =	vbroadcast v45, $0x4  }
0x1d: {  	v24 =	vbroadcast v44, $0x5;
	v25 =	vbroadcast v45, $0x5  }
0x1e: {  	v26 =	vbroadcast v44, $0x6;
	v27 =	vbroadcast v45, $0x6  }
0x1f: {  	v28 =	vbroadcast v44, $0x7;
	v29 =	vbroadcast v45, $0x7  }
0x20: {  	v30 =	vbroadcast v44, $0x8;
	v31 =	vbroadcast v45, $0x8  }
0x21: {  	v32 =	vbroadcast v44, $0x9;
	v33 =	vbroadcast v45, $0x9  }
0x22: {  	v34 =	vbroadcast v44, $0xA;
	v35 =	vbroadcast v45, $0xA  }
0x23: {  	v36 =	vbroadcast v44, $0xB;
	v37 =	vbroadcast v45, $0xB  }
0x24: {  	v38 =	vbroadcast v44, $0xC;
	v39 =	vbroadcast v45, $0xC  }
0x25: {  	v40 =	vbroadcast v44, $0xD;
	v41 =	vbroadcast v45, $0xD  }
0x26: {  	v42 =	vbroadcast v44, $0xE;
	v43 =	vbroadcast v45, $0xE  }
0x27: {  	s29 =	simm.s32 $0x0;
	v46 =	vld.msk [tilespmem:$0xD630 ss:$0x0], $0xffff;
	v44 =	vbroadcast v44, $0xF;
	v45 =	vbroadcast v45, $0xF  }
.LBB2_2:
0x28: {  	s0 =	sshll.u32 s29, $0x4  }
0x29: {  	s30 =	sadd.s32 s7, s0  }
0x2a: {  	s0 =	smul.u32 $0x1A, s30;
	_ =	sdelay $0x1  }
0x2b: {  	s0 =	sadd.s32 s4, s0  }
0x2c: {  	[tilespmem:s2], [sflag:$0x2] =	stream.linear.gather [hbm4b:s0+s2], $0xD00, $0x38;
	[tilespmem:$0xD640] =	vst v63  }
0x2d: {  	_ =	swait.ge [sflag:s10], $0xD00  }
0x2e: {  	[sflag:s10] =	ssyncset.done $0x0  }
0x2f: {  	s0 =	simm.s32 $0xD00;
	[sflag:s10] =	ssyncadd.s32 $0xFFFFF300  }
0x30: {  	[tilespmem:s0], [sflag:$0x1] =	stream.indirect.gather [hbm4b:s5+s11], $0x10, s2, s11, $0xb8;
	[tilespmem:$0xD640] =	vst v63  }
0x31: {  	s31 =	simm.s32 $0x1340;
	s0 =	simm.s32 $0x68  }
0x32: {  	[tilespmem:s31], [sflag:$0x1] =	stream.indirect.gather [hbm4b:s5+s11], $0x10, s0, s11, $0xb8;
	[tilespmem:$0xD640] =	vst v63  }
0x33: {  	s0 =	simm.s32 $0xD0;
	s31 =	simm.s32 $0x1980  }
0x34: {  	[tilespmem:s31], [sflag:$0x1] =	stream.indirect.gather [hbm4b:s5+s11], $0x10, s0, s11, $0xb8;
	[tilespmem:$0xD640] =	vst v63  }
0x35: {  	s0 =	simm.s32 $0x138;
	s31 =	simm.s32 $0x1FC0  }
0x36: {  	[tilespmem:s31], [sflag:$0x1] =	stream.indirect.gather [hbm4b:s5+s11], $0x10, s0, s11, $0xb8;
	[tilespmem:$0xD640] =	vst v63  }
0x37: {  	s0 =	simm.s32 $0x1A0;
	s31 =	simm.s32 $0x2600  }
0x38: {  	[tilespmem:s31], [sflag:$0x1] =	stream.indirect.gather [hbm4b:s5+s11], $0x10, s0, s11, $0xb8;
	[tilespmem:$0xD640] =	vst v63  }
0x39: {  	s0 =	simm.s32 $0x208;
	s31 =	simm.s32 $0x2C40  }
0x3a: {  	[tilespmem:s31], [sflag:$0x1] =	stream.indirect.gather [hbm4b:s5+s11], $0x10, s0, s11, $0xb8;
	[tilespmem:$0xD640] =	vst v63  }
0x3b: {  	s0 =	simm.s32 $0x270;
	s31 =	simm.s32 $0x3280  }
0x3c: {  	[tilespmem:s31], [sflag:$0x1] =	stream.indirect.gather [hbm4b:s5+s11], $0x10, s0, s11, $0xb8;
	[tilespmem:$0xD640] =	vst v63  }
0x3d: {  	s0 =	simm.s32 $0x2D8;
	s31 =	simm.s32 $0x38C0  }
0x3e: {  	[tilespmem:s31], [sflag:$0x1] =	stream.indirect.gather [hbm4b:s5+s11], $0x10, s0, s11, $0xb8;
	[tilespmem:$0xD640] =	vst v63  }
0x3f: {  	s0 =	simm.s32 $0x340;
	s31 =	simm.s32 $0x3F00  }
0x40: {  	[tilespmem:s31], [sflag:$0x1] =	stream.indirect.gather [hbm4b:s5+s11], $0x10, s0, s11, $0xb8;
	[tilespmem:$0xD640] =	vst v63  }
0x41: {  	s0 =	simm.s32 $0x3A8;
	s31 =	simm.s32 $0x4540  }
0x42: {  	[tilespmem:s31], [sflag:$0x1] =	stream.indirect.gather [hbm4b:s5+s11], $0x10, s0, s11, $0xb8;
	[tilespmem:$0xD640] =	vst v63  }
0x43: {  	s0 =	simm.s32 $0x410;
	s31 =	simm.s32 $0x4B80  }
0x44: {  	[tilespmem:s31], [sflag:$0x1] =	stream.indirect.gather [hbm4b:s5+s11], $0x10, s0, s11, $0xb8;
	[tilespmem:$0xD640] =	vst v63  }
0x45: {  	s0 =	simm.s32 $0x478;
	s31 =	simm.s32 $0x51C0  }
0x46: {  	[tilespmem:s31], [sflag:$0x1] =	stream.indirect.gather [hbm4b:s5+s11], $0x10, s0, s11, $0xb8;
	[tilespmem:$0xD640] =	vst v63  }
0x47: {  	s0 =	simm.s32 $0x4E0;
	s31 =	simm.s32 $0x5800  }
0x48: {  	[tilespmem:s31], [sflag:$0x1] =	stream.indirect.gather [hbm4b:s5+s11], $0x10, s0, s11, $0xb8;
	[tilespmem:$0xD640] =	vst v63  }
0x49: {  	s0 =	simm.s32 $0x548;
	s31 =	simm.s32 $0x5E40  }
0x4a: {  	[tilespmem:s31], [sflag:$0x1] =	stream.indirect.gather [hbm4b:s5+s11], $0x10, s0, s11, $0xb8;
	[tilespmem:$0xD640] =	vst v63  }
0x4b: {  	s0 =	simm.s32 $0x5B0;
	s31 =	simm.s32 $0x6480  }
0x4c: {  	[tilespmem:s31], [sflag:$0x1] =	stream.indirect.gather [hbm4b:s5+s11], $0x10, s0, s11, $0xb8;
	[tilespmem:$0xD640] =	vst v63  }
0x4d: {  	s0 =	simm.s32 $0x618;
	s31 =	simm.s32 $0x6AC0  }
0x4e: {  	[tilespmem:s31], [sflag:$0x1] =	stream.indirect.gather [hbm4b:s5+s11], $0x10, s0, s11, $0xb8;
	[tilespmem:$0xD640] =	vst v63  }
0x4f: {  	s0 =	simm.s32 $0x680;
	s31 =	simm.s32 $0x7100  }
0x50: {  	[tilespmem:s31], [sflag:$0x1] =	stream.indirect.gather [hbm4b:s5+s11], $0x10, s0, s11, $0xb8;
	[tilespmem:$0xD640] =	vst v63  }
0x51: {  	s0 =	simm.s32 $0x6E8;
	s31 =	simm.s32 $0x7740  }
0x52: {  	[tilespmem:s31], [sflag:$0x1] =	stream.indirect.gather [hbm4b:s5+s11], $0x10, s0, s11, $0xb8;
	[tilespmem:$0xD640] =	vst v63  }
0x53: {  	s0 =	simm.s32 $0x750;
	s31 =	simm.s32 $0x7D80  }
0x54: {  	[tilespmem:s31], [sflag:$0x1] =	stream.indirect.gather [hbm4b:s5+s11], $0x10, s0, s11, $0xb8;
	[tilespmem:$0xD640] =	vst v63  }
0x55: {  	s0 =	simm.s32 $0x7B8;
	s31 =	simm.s32 $0x83C0  }
0x56: {  	[tilespmem:s31], [sflag:$0x1] =	stream.indirect.gather [hbm4b:s5+s11], $0x10, s0, s11, $0xb8;
	[tilespmem:$0xD640] =	vst v63  }
0x57: {  	s0 =	simm.s32 $0x820;
	s31 =	simm.s32 $0x8A00  }
0x58: {  	[tilespmem:s31], [sflag:$0x1] =	stream.indirect.gather [hbm4b:s5+s11], $0x10, s0, s11, $0xb8;
	[tilespmem:$0xD640] =	vst v63  }
0x59: {  	s0 =	simm.s32 $0x888;
	s31 =	simm.s32 $0x9040  }
0x5a: {  	[tilespmem:s31], [sflag:$0x1] =	stream.indirect.gather [hbm4b:s5+s11], $0x10, s0, s11, $0xb8;
	[tilespmem:$0xD640] =	vst v63  }
0x5b: {  	s0 =	simm.s32 $0x8F0;
	s31 =	simm.s32 $0x9680  }
0x5c: {  	[tilespmem:s31], [sflag:$0x1] =	stream.indirect.gather [hbm4b:s5+s11], $0x10, s0, s11, $0xb8;
	[tilespmem:$0xD640] =	vst v63  }
0x5d: {  	_ = 	snop  }
0x5e: {  	[tilespmem:s9], [sflag:$0x1] =	stream.indirect.gather [hbm4b:s5+s11], $0x10, s3, s11, $0xb8;
	[tilespmem:$0xD640] =	vst v63  }
0x5f: {  	_ = 	snop  }
0x60: {  	[tilespmem:s8], [sflag:$0x1] =	stream.indirect.gather [hbm4b:s5+s11], $0x10, s6, s11, $0xb8;
	[tilespmem:$0xD640] =	vst v63  }
0x61: {  	_ = 	snop  }
0x62: {  	[tilespmem:s12], [sflag:$0x1] =	stream.indirect.gather [hbm4b:s5+s11], $0x10, s1, s11, $0xb8;
	[tilespmem:$0xD640] =	vst v63  }
0x63: {  	_ = 	snop  }
0x64: {  	[tilespmem:s14], [sflag:$0x1] =	stream.indirect.gather [hbm4b:s5+s11], $0x10, s13, s11, $0xb8;
	[tilespmem:$0xD640] =	vst v63  }
0x65: {  	_ = 	snop  }
0x66: {  	[tilespmem:s16], [sflag:$0x1] =	stream.indirect.gather [hbm4b:s5+s11], $0x10, s15, s11, $0xb8;
	[tilespmem:$0xD640] =	vst v63  }
0x67: {  	_ = 	snop  }
0x68: {  	[tilespmem:s18], [sflag:$0x1] =	stream.indirect.gather [hbm4b:s5+s11], $0x10, s17, s11, $0xb8;
	[tilespmem:$0xD640] =	vst v63  }
0x69: {  	_ = 	snop  }
0x6a: {  	[tilespmem:s20], [sflag:$0x1] =	stream.indirect.gather [hbm4b:s5+s11], $0x10, s19, s11, $0xb8;
	[tilespmem:$0xD640] =	vst v63  }
0x6b: {  	_ = 	snop  }
0x6c: {  	[tilespmem:s22], [sflag:$0x1] =	stream.indirect.gather [hbm4b:s5+s11], $0x10, s21, s11, $0xb8;
	[tilespmem:$0xD640] =	vst v63  }
0x6d: {  	_ = 	snop  }
0x6e: {  	[tilespmem:s24], [sflag:$0x1] =	stream.indirect.gather [hbm4b:s5+s11], $0x10, s23, s11, $0xb8;
	[tilespmem:$0xD640] =	vst v63  }
0x6f: {  	_ =	swait.ge [sflag:s25], $0x640  }
0x70: {  	[sflag:s25] =	ssyncset.done $0x0  }
0x71: {  	[sflag:s25] =	ssyncadd.s32 $0xFFFFF9C0  }
0x72: {  	_ =	swait.ge [sflag:s25], $0x640  }
0x73: {  	[sflag:s25] =	ssyncset.done $0x0  }
0x74: {  	[sflag:s25] =	ssyncadd.s32 $0xFFFFF9C0  }
0x75: {  	_ =	swait.ge [sflag:s25], $0x640  }
0x76: {  	[sflag:s25] =	ssyncset.done $0x0  }
0x77: {  	[sflag:s25] =	ssyncadd.s32 $0xFFFFF9C0  }
0x78: {  	_ =	swait.ge [sflag:s25], $0x640  }
0x79: {  	[sflag:s25] =	ssyncset.done $0x0  }
0x7a: {  	[sflag:s25] =	ssyncadd.s32 $0xFFFFF9C0  }
0x7b: {  	_ =	swait.ge [sflag:s25], $0x640  }
0x7c: {  	[sflag:s25] =	ssyncset.done $0x0  }
0x7d: {  	[sflag:s25] =	ssyncadd.s32 $0xFFFFF9C0  }
0x7e: {  	_ =	swait.ge [sflag:s25], $0x640  }
0x7f: {  	[sflag:s25] =	ssyncset.done $0x0  }
0x80: {  	[sflag:s25] =	ssyncadd.s32 $0xFFFFF9C0  }
0x81: {  	_ =	swait.ge [sflag:s25], $0x640  }
0x82: {  	[sflag:s25] =	ssyncset.done $0x0  }
0x83: {  	[sflag:s25] =	ssyncadd.s32 $0xFFFFF9C0  }
0x84: {  	_ =	swait.ge [sflag:s25], $0x640  }
0x85: {  	[sflag:s25] =	ssyncset.done $0x0  }
0x86: {  	[sflag:s25] =	ssyncadd.s32 $0xFFFFF9C0  }
0x87: {  	_ =	swait.ge [sflag:s25], $0x640  }
0x88: {  	[sflag:s25] =	ssyncset.done $0x0  }
0x89: {  	[sflag:s25] =	ssyncadd.s32 $0xFFFFF9C0  }
0x8a: {  	_ =	swait.ge [sflag:s25], $0x640  }
0x8b: {  	[sflag:s25] =	ssyncset.done $0x0  }
0x8c: {  	[sflag:s25] =	ssyncadd.s32 $0xFFFFF9C0  }
0x8d: {  	_ =	swait.ge [sflag:s25], $0x640  }
0x8e: {  	[sflag:s25] =	ssyncset.done $0x0  }
0x8f: {  	[sflag:s25] =	ssyncadd.s32 $0xFFFFF9C0  }
0x90: {  	_ =	swait.ge [sflag:s25], $0x640  }
0x91: {  	[sflag:s25] =	ssyncset.done $0x0  }
0x92: {  	[sflag:s25] =	ssyncadd.s32 $0xFFFFF9C0  }
0x93: {  	_ =	swait.ge [sflag:s25], $0x640  }
0x94: {  	[sflag:s25] =	ssyncset.done $0x0  }
0x95: {  	[sflag:s25] =	ssyncadd.s32 $0xFFFFF9C0  }
0x96: {  	_ =	swait.ge [sflag:s25], $0x640  }
0x97: {  	[sflag:s25] =	ssyncset.done $0x0  }
0x98: {  	[sflag:s25] =	ssyncadd.s32 $0xFFFFF9C0  }
0x99: {  	_ =	swait.ge [sflag:s25], $0x640  }
0x9a: {  	[sflag:s25] =	ssyncset.done $0x0  }
0x9b: {  	[sflag:s25] =	ssyncadd.s32 $0xFFFFF9C0  }
0x9c: {  	_ =	swait.ge [sflag:s25], $0x640  }
0x9d: {  	[sflag:s25] =	ssyncset.done $0x0  }
0x9e: {  	[sflag:s25] =	ssyncadd.s32 $0xFFFFF9C0  }
0x9f: {  	_ =	swait.ge [sflag:s25], $0x640  }
0xa0: {  	[sflag:s25] =	ssyncset.done $0x0  }
0xa1: {  	[sflag:s25] =	ssyncadd.s32 $0xFFFFF9C0  }
0xa2: {  	_ =	swait.ge [sflag:s25], $0x640  }
0xa3: {  	[sflag:s25] =	ssyncset.done $0x0  }
0xa4: {  	[sflag:s25] =	ssyncadd.s32 $0xFFFFF9C0  }
0xa5: {  	_ =	swait.ge [sflag:s25], $0x640  }
0xa6: {  	[sflag:s25] =	ssyncset.done $0x0  }
0xa7: {  	[sflag:s25] =	ssyncadd.s32 $0xFFFFF9C0  }
0xa8: {  	_ =	swait.ge [sflag:s25], $0x640  }
0xa9: {  	[sflag:s25] =	ssyncset.done $0x0  }
0xaa: {  	[sflag:s25] =	ssyncadd.s32 $0xFFFFF9C0  }
0xab: {  	_ =	swait.ge [sflag:s25], $0x640  }
0xac: {  	[sflag:s25] =	ssyncset.done $0x0  }
0xad: {  	[sflag:s25] =	ssyncadd.s32 $0xFFFFF9C0  }
0xae: {  	_ =	swait.ge [sflag:s25], $0x640  }
0xaf: {  	[sflag:s25] =	ssyncset.done $0x0  }
0xb0: {  	[sflag:s25] =	ssyncadd.s32 $0xFFFFF9C0  }
0xb1: {  	_ =	swait.ge [sflag:s25], $0x640  }
0xb2: {  	[sflag:s25] =	ssyncset.done $0x0  }
0xb3: {  	[sflag:s25] =	ssyncadd.s32 $0xFFFFF9C0  }
0xb4: {  	_ =	swait.ge [sflag:s25], $0x640  }
0xb5: {  	[sflag:s25] =	ssyncset.done $0x0  }
0xb6: {  	[sflag:s25] =	ssyncadd.s32 $0xFFFFF9C0  }
0xb7: {  	_ =	swait.ge [sflag:s25], $0x640  }
0xb8: {  	[sflag:s25] =	ssyncset.done $0x0  }
0xb9: {  	[sflag:s25] =	ssyncadd.s32 $0xFFFFF9C0  }
0xba: {  	_ =	swait.ge [sflag:s25], $0x640  }
0xbb: {  	[sflag:s25] =	ssyncset.done $0x0  }
0xbc: {  	[sflag:s25] =	ssyncadd.s32 $0xFFFFF9C0  }
0xbd: {  	_ =	swait.ge [sflag:s25], $0x640  }
0xbe: {  	[sflag:s25] =	ssyncset.done $0x0  }
0xbf: {  	[sflag:s25] =	ssyncadd.s32 $0xFFFFF9C0  }
0xc0: {  	_ =	swait.ge [sflag:s25], $0x640  }
0xc1: {  	[sflag:s25] =	ssyncset.done $0x0  }
0xc2: {  	[sflag:s25] =	ssyncadd.s32 $0xFFFFF9C0  }
0xc3: {  	_ =	swait.ge [sflag:s25], $0x640  }
0xc4: {  	[sflag:s25] =	ssyncset.done $0x0  }
0xc5: {  	[sflag:s25] =	ssyncadd.s32 $0xFFFFF9C0  }
0xc6: {  	_ =	swait.ge [sflag:s25], $0x640  }
0xc7: {  	[sflag:s25] =	ssyncset.done $0x0  }
0xc8: {  	[sflag:s25] =	ssyncadd.s32 $0xFFFFF9C0  }
0xc9: {  	_ =	swait.ge [sflag:s25], $0x640  }
0xca: {  	[sflag:s25] =	ssyncset.done $0x0  }
0xcb: {  	[sflag:s25] =	ssyncadd.s32 $0xFFFFF9C0  }
0xcc: {  	_ =	swait.ge [sflag:s25], $0x640  }
0xcd: {  	[sflag:s25] =	ssyncset.done $0x0  }
0xce: {  	s0 =	simm.s32 $0xD40;
	[sflag:s25] =	ssyncadd.s32 $0xFFFFF9C0  }
0xcf: {  	v47 =	vld [tilespmem:s0+$0xFFFFFFC0];
	_ =	sdelay $0x1  }
0xd0: {  	v48 =	vld [tilespmem:s0+$0xFFFFFFD0];
	_ =	sdelay $0x1  }
0xd1: {  	v49 =	vimm.f32 $0.0e+00;
	v50 =	vld [tilespmem:s0+$0xFFFFFFE0]  }
0xd2: {  	v47 =	vadd.f32 v47, v49  }
0xd3: {  	v61 =	vld [tilespmem:s0+$0xFFFFFFF0]  }
0xd4: {  	v47 =	vadd.f32 v48, v47  }
0xd5: {  	v62 =	vld [tilespmem:s0+$0x0]  }
0xd6: {  	v47 =	vadd.f32 v50, v47;
	_ =	sdelay $0x1  }
0xd7: {  	v63 =	vld [tilespmem:s0+$0x10];
	v47 =	vadd.f32 v61, v47;
	_ =	sdelay $0x1  }
0xd8: {  	v49 =	vadd.f32 v62, v47;
	v47 =	vld [tilespmem:s0+$0x20];
	_ =	sdelay $0x1  }
0xd9: {  	v48 =	vld [tilespmem:s0+$0x30]  }
0xda: {  	s31 =	simm.s32 $0x0;
	s0 =	simm.s32 $0xDC0;
	v49 =	vadd.f32 v63, v49  }
.LBB2_3:
0xdb: {  	v50 =	vld [tilespmem:s0+$0xFFFFFFC0];
	s31 =	sadd.s32 $0x8, s31  }
0xdc: {  	p0 =	slt.u32 s31, $0xC0;
	v47 =	vadd.f32 v47, v49  }
0xdd: {  	v49 =	vld [tilespmem:s0+$0xFFFFFFD0]  }
0xde: {  	v47 =	vadd.f32 v48, v47  }
0xdf: {  	v48 =	vld [tilespmem:s0+$0xFFFFFFE0]  }
0xe0: {  	v47 =	vadd.f32 v50, v47  }
0xe1: {  	v50 =	vld [tilespmem:s0+$0xFFFFFFF0]  }
0xe2: {  	v47 =	vadd.f32 v49, v47  }
0xe3: {  	v49 =	vld [tilespmem:s0+$0x0]  }
0xe4: {  	v47 =	vadd.f32 v48, v47  }
0xe5: {  	v51 =	vld [tilespmem:s0+$0x10]  }
.Ltmp0:
0xe6: {  	v48 =	vadd.f32 v50, v47;
	(pc) =	sbr.rel @p0 .LBB2_3-.Ltmp0, $4  }
0xe7: {  	v47 =	vld [tilespmem:s0+$0x20]  }
0xe8: {  	v49 =	vadd.f32 v49, v48  }
0xe9: {  	v48 =	vld [tilespmem:s0+$0x30]  }
0xea: {  	s0 =	sadd.s32 $0x80, s0;
	v49 =	vadd.f32 v51, v49  }
0xeb: {  	_ = 	snop  }
0xec: {  	v47 =	vadd.f32 v47, v49;
	_ =	sdelay $0x1  }
0xed: {  	v47 =	vadd.f32 v48, v47;
	_ =	sdelay $0x1  }
0xee: {  	s0 =	simm.s32 $0x19F0;
	[tilespmem:v0+s26+$0x0] =	vst.idx.msk $0xffff, v47  }
0xef: {  	v47 =	vld [tilespmem:s0+$0xFFFFFF90];
	_ =	sdelay $0x1  }
0xf0: {  	v59 =	vld [tilespmem:s0+$0xFFFFFFA0];
	_ =	sdelay $0x1  }
0xf1: {  	v60 =	vimm.f32 $0.0e+00;
	v50 =	vld [tilespmem:s0+$0xFFFFFFB0]  }
0xf2: {  	v47 =	vadd.f32 v47, v60  }
0xf3: {  	v61 =	vld [tilespmem:s0+$0xFFFFFFC0]  }
0xf4: {  	v47 =	vadd.f32 v59, v47  }
0xf5: {  	v62 =	vld [tilespmem:s0+$0xFFFFFFD0]  }
0xf6: {  	v47 =	vadd.f32 v50, v47;
	_ =	sdelay $0x1  }
0xf7: {  	v63 =	vld [tilespmem:s0+$0xFFFFFFE0];
	v47 =	vadd.f32 v61, v47;
	_ =	sdelay $0x1  }
0xf8: {  	v49 =	vadd.f32 v62, v47;
	v47 =	vld [tilespmem:s0+$0xFFFFFFF0];
	_ =	sdelay $0x1  }
0xf9: {  	v48 =	vld [tilespmem:s0+$0x0]  }
0xfa: {  	s31 =	simm.s32 $0x0;
	s0 =	simm.s32 $0x1A70;
	v49 =	vadd.f32 v63, v49  }
.LBB2_5:
0xfb: {  	v50 =	vld [tilespmem:s0+$0xFFFFFF90];
	s31 =	sadd.s32 $0x8, s31  }
0xfc: {  	p0 =	slt.u32 s31, $0xC0;
	v47 =	vadd.f32 v47, v49  }
0xfd: {  	v49 =	vld [tilespmem:s0+$0xFFFFFFA0]  }
0xfe: {  	v47 =	vadd.f32 v48, v47  }
0xff: {  	v48 =	vld [tilespmem:s0+$0xFFFFFFB0]  }
0x100: {  	v47 =	vadd.f32 v50, v47  }
0x101: {  	v50 =	vld [tilespmem:s0+$0xFFFFFFC0]  }
0x102: {  	v47 =	vadd.f32 v49, v47  }
0x103: {  	v49 =	vld [tilespmem:s0+$0xFFFFFFD0]  }
0x104: {  	v47 =	vadd.f32 v48, v47  }
0x105: {  	v51 =	vld [tilespmem:s0+$0xFFFFFFE0]  }
.Ltmp1:
0x106: {  	v48 =	vadd.f32 v50, v47;
	(pc) =	sbr.rel @p0 .LBB2_5-.Ltmp1, $4  }
0x107: {  	v47 =	vld [tilespmem:s0+$0xFFFFFFF0]  }
0x108: {  	v49 =	vadd.f32 v49, v48  }
0x109: {  	v48 =	vld [tilespmem:s0+$0x0]  }
0x10a: {  	s0 =	sadd.s32 $0x80, s0;
	v49 =	vadd.f32 v51, v49  }
0x10b: {  	_ = 	snop  }
0x10c: {  	v47 =	vadd.f32 v47, v49;
	_ =	sdelay $0x1  }
0x10d: {  	v47 =	vadd.f32 v48, v47;
	_ =	sdelay $0x1  }
0x10e: {  	s0 =	simm.s32 $0x2670;
	[tilespmem:v1+s26+$0x0] =	vst.idx.msk $0xffff, v47  }
0x10f: {  	v47 =	vld [tilespmem:s0+$0xFFFFFF90];
	_ =	sdelay $0x1  }
0x110: {  	v59 =	vld [tilespmem:s0+$0xFFFFFFA0];
	_ =	sdelay $0x1  }
0x111: {  	v60 =	vimm.f32 $0.0e+00;
	v50 =	vld [tilespmem:s0+$0xFFFFFFB0]  }
0x112: {  	v47 =	vadd.f32 v47, v60  }
0x113: {  	v61 =	vld [tilespmem:s0+$0xFFFFFFC0]  }
0x114: {  	v47 =	vadd.f32 v59, v47  }
0x115: {  	v62 =	vld [tilespmem:s0+$0xFFFFFFD0]  }
0x116: {  	v47 =	vadd.f32 v50, v47;
	_ =	sdelay $0x1  }
0x117: {  	v63 =	vld [tilespmem:s0+$0xFFFFFFE0];
	v47 =	vadd.f32 v61, v47;
	_ =	sdelay $0x1  }
0x118: {  	v49 =	vadd.f32 v62, v47;
	v47 =	vld [tilespmem:s0+$0xFFFFFFF0];
	_ =	sdelay $0x1  }
0x119: {  	v48 =	vld [tilespmem:s0+$0x0]  }
0x11a: {  	s31 =	simm.s32 $0x0;
	s0 =	simm.s32 $0x26F0;
	v49 =	vadd.f32 v63, v49  }
.LBB2_7:
0x11b: {  	v50 =	vld [tilespmem:s0+$0xFFFFFF90];
	s31 =	sadd.s32 $0x8, s31  }
0x11c: {  	p0 =	slt.u32 s31, $0xC0;
	v47 =	vadd.f32 v47, v49  }
0x11d: {  	v49 =	vld [tilespmem:s0+$0xFFFFFFA0]  }
0x11e: {  	v47 =	vadd.f32 v48, v47  }
0x11f: {  	v48 =	vld [tilespmem:s0+$0xFFFFFFB0]  }
0x120: {  	v47 =	vadd.f32 v50, v47  }
0x121: {  	v50 =	vld [tilespmem:s0+$0xFFFFFFC0]  }
0x122: {  	v47 =	vadd.f32 v49, v47  }
0x123: {  	v49 =	vld [tilespmem:s0+$0xFFFFFFD0]  }
0x124: {  	v47 =	vadd.f32 v48, v47  }
0x125: {  	v51 =	vld [tilespmem:s0+$0xFFFFFFE0]  }
.Ltmp2:
0x126: {  	v48 =	vadd.f32 v50, v47;
	(pc) =	sbr.rel @p0 .LBB2_7-.Ltmp2, $4  }
0x127: {  	v47 =	vld [tilespmem:s0+$0xFFFFFFF0]  }
0x128: {  	v49 =	vadd.f32 v49, v48  }
0x129: {  	v48 =	vld [tilespmem:s0+$0x0]  }
0x12a: {  	s0 =	sadd.s32 $0x80, s0;
	v49 =	vadd.f32 v51, v49  }
0x12b: {  	_ = 	snop  }
0x12c: {  	v47 =	vadd.f32 v47, v49;
	_ =	sdelay $0x1  }
0x12d: {  	v47 =	vadd.f32 v48, v47;
	_ =	sdelay $0x1  }
0x12e: {  	s0 =	simm.s32 $0x32F0;
	[tilespmem:v2+s26+$0x0] =	vst.idx.msk $0xffff, v47  }
0x12f: {  	v47 =	vld [tilespmem:s0+$0xFFFFFF90];
	_ =	sdelay $0x1  }
0x130: {  	v59 =	vld [tilespmem:s0+$0xFFFFFFA0];
	_ =	sdelay $0x1  }
0x131: {  	v60 =	vimm.f32 $0.0e+00;
	v50 =	vld [tilespmem:s0+$0xFFFFFFB0]  }
0x132: {  	v47 =	vadd.f32 v47, v60  }
0x133: {  	v61 =	vld [tilespmem:s0+$0xFFFFFFC0]  }
0x134: {  	v47 =	vadd.f32 v59, v47  }
0x135: {  	v62 =	vld [tilespmem:s0+$0xFFFFFFD0]  }
0x136: {  	v47 =	vadd.f32 v50, v47;
	_ =	sdelay $0x1  }
0x137: {  	v63 =	vld [tilespmem:s0+$0xFFFFFFE0];
	v47 =	vadd.f32 v61, v47;
	_ =	sdelay $0x1  }
0x138: {  	v49 =	vadd.f32 v62, v47;
	v47 =	vld [tilespmem:s0+$0xFFFFFFF0];
	_ =	sdelay $0x1  }
0x139: {  	v48 =	vld [tilespmem:s0+$0x0]  }
0x13a: {  	s31 =	simm.s32 $0x0;
	s0 =	simm.s32 $0x3370;
	v49 =	vadd.f32 v63, v49  }
.LBB2_9:
0x13b: {  	v50 =	vld [tilespmem:s0+$0xFFFFFF90];
	s31 =	sadd.s32 $0x8, s31  }
0x13c: {  	p0 =	slt.u32 s31, $0xC0;
	v47 =	vadd.f32 v47, v49  }
0x13d: {  	v49 =	vld [tilespmem:s0+$0xFFFFFFA0]  }
0x13e: {  	v47 =	vadd.f32 v48, v47  }
0x13f: {  	v48 =	vld [tilespmem:s0+$0xFFFFFFB0]  }
0x140: {  	v47 =	vadd.f32 v50, v47  }
0x141: {  	v50 =	vld [tilespmem:s0+$0xFFFFFFC0]  }
0x142: {  	v47 =	vadd.f32 v49, v47  }
0x143: {  	v49 =	vld [tilespmem:s0+$0xFFFFFFD0]  }
0x144: {  	v47 =	vadd.f32 v48, v47  }
0x145: {  	v51 =	vld [tilespmem:s0+$0xFFFFFFE0]  }
.Ltmp3:
0x146: {  	v48 =	vadd.f32 v50, v47;
	(pc) =	sbr.rel @p0 .LBB2_9-.Ltmp3, $4  }
0x147: {  	v47 =	vld [tilespmem:s0+$0xFFFFFFF0]  }
0x148: {  	v49 =	vadd.f32 v49, v48  }
0x149: {  	v48 =	vld [tilespmem:s0+$0x0]  }
0x14a: {  	s0 =	sadd.s32 $0x80, s0;
	v49 =	vadd.f32 v51, v49  }
0x14b: {  	_ = 	snop  }
0x14c: {  	v47 =	vadd.f32 v47, v49;
	_ =	sdelay $0x1  }
0x14d: {  	v47 =	vadd.f32 v48, v47;
	_ =	sdelay $0x1  }
0x14e: {  	s0 =	simm.s32 $0x3F70;
	[tilespmem:v3+s26+$0x0] =	vst.idx.msk $0xffff, v47  }
0x14f: {  	v47 =	vld [tilespmem:s0+$0xFFFFFF90];
	_ =	sdelay $0x1  }
0x150: {  	v59 =	vld [tilespmem:s0+$0xFFFFFFA0];
	_ =	sdelay $0x1  }
0x151: {  	v60 =	vimm.f32 $0.0e+00;
	v50 =	vld [tilespmem:s0+$0xFFFFFFB0]  }
0x152: {  	v47 =	vadd.f32 v47, v60  }
0x153: {  	v61 =	vld [tilespmem:s0+$0xFFFFFFC0]  }
0x154: {  	v47 =	vadd.f32 v59, v47  }
0x155: {  	v62 =	vld [tilespmem:s0+$0xFFFFFFD0]  }
0x156: {  	v47 =	vadd.f32 v50, v47;
	_ =	sdelay $0x1  }
0x157: {  	v63 =	vld [tilespmem:s0+$0xFFFFFFE0];
	v47 =	vadd.f32 v61, v47;
	_ =	sdelay $0x1  }
0x158: {  	v49 =	vadd.f32 v62, v47;
	v47 =	vld [tilespmem:s0+$0xFFFFFFF0];
	_ =	sdelay $0x1  }
0x159: {  	v48 =	vld [tilespmem:s0+$0x0]  }
0x15a: {  	s31 =	simm.s32 $0x0;
	s0 =	simm.s32 $0x3FF0;
	v49 =	vadd.f32 v63, v49  }
.LBB2_11:
0x15b: {  	v50 =	vld [tilespmem:s0+$0xFFFFFF90];
	s31 =	sadd.s32 $0x8, s31  }
0x15c: {  	p0 =	slt.u32 s31, $0xC0;
	v47 =	vadd.f32 v47, v49  }
0x15d: {  	v49 =	vld [tilespmem:s0+$0xFFFFFFA0]  }
0x15e: {  	v47 =	vadd.f32 v48, v47  }
0x15f: {  	v48 =	vld [tilespmem:s0+$0xFFFFFFB0]  }
0x160: {  	v47 =	vadd.f32 v50, v47  }
0x161: {  	v50 =	vld [tilespmem:s0+$0xFFFFFFC0]  }
0x162: {  	v47 =	vadd.f32 v49, v47  }
0x163: {  	v49 =	vld [tilespmem:s0+$0xFFFFFFD0]  }
0x164: {  	v47 =	vadd.f32 v48, v47  }
0x165: {  	v51 =	vld [tilespmem:s0+$0xFFFFFFE0]  }
.Ltmp4:
0x166: {  	v48 =	vadd.f32 v50, v47;
	(pc) =	sbr.rel @p0 .LBB2_11-.Ltmp4, $4  }
0x167: {  	v47 =	vld [tilespmem:s0+$0xFFFFFFF0]  }
0x168: {  	v49 =	vadd.f32 v49, v48  }
0x169: {  	v48 =	vld [tilespmem:s0+$0x0]  }
0x16a: {  	s0 =	sadd.s32 $0x80, s0;
	v49 =	vadd.f32 v51, v49  }
0x16b: {  	_ = 	snop  }
0x16c: {  	v47 =	vadd.f32 v47, v49;
	_ =	sdelay $0x1  }
0x16d: {  	v47 =	vadd.f32 v48, v47;
	_ =	sdelay $0x1  }
0x16e: {  	s0 =	simm.s32 $0x4BF0;
	[tilespmem:v4+s26+$0x0] =	vst.idx.msk $0xffff, v47  }
0x16f: {  	v47 =	vld [tilespmem:s0+$0xFFFFFF90];
	_ =	sdelay $0x1  }
0x170: {  	v59 =	vld [tilespmem:s0+$0xFFFFFFA0];
	_ =	sdelay $0x1  }
0x171: {  	v60 =	vimm.f32 $0.0e+00;
	v50 =	vld [tilespmem:s0+$0xFFFFFFB0]  }
0x172: {  	v47 =	vadd.f32 v47, v60  }
0x173: {  	v61 =	vld [tilespmem:s0+$0xFFFFFFC0]  }
0x174: {  	v47 =	vadd.f32 v59, v47  }
0x175: {  	v62 =	vld [tilespmem:s0+$0xFFFFFFD0]  }
0x176: {  	v47 =	vadd.f32 v50, v47;
	_ =	sdelay $0x1  }
0x177: {  	v63 =	vld [tilespmem:s0+$0xFFFFFFE0];
	v47 =	vadd.f32 v61, v47;
	_ =	sdelay $0x1  }
0x178: {  	v49 =	vadd.f32 v62, v47;
	v47 =	vld [tilespmem:s0+$0xFFFFFFF0];
	_ =	sdelay $0x1  }
0x179: {  	v48 =	vld [tilespmem:s0+$0x0]  }
0x17a: {  	s31 =	simm.s32 $0x0;
	s0 =	simm.s32 $0x4C70;
	v49 =	vadd.f32 v63, v49  }
.LBB2_13:
0x17b: {  	v50 =	vld [tilespmem:s0+$0xFFFFFF90];
	s31 =	sadd.s32 $0x8, s31  }
0x17c: {  	p0 =	slt.u32 s31, $0xC0;
	v47 =	vadd.f32 v47, v49  }
0x17d: {  	v49 =	vld [tilespmem:s0+$0xFFFFFFA0]  }
0x17e: {  	v47 =	vadd.f32 v48, v47  }
0x17f: {  	v48 =	vld [tilespmem:s0+$0xFFFFFFB0]  }
0x180: {  	v47 =	vadd.f32 v50, v47  }
0x181: {  	v50 =	vld [tilespmem:s0+$0xFFFFFFC0]  }
0x182: {  	v47 =	vadd.f32 v49, v47  }
0x183: {  	v49 =	vld [tilespmem:s0+$0xFFFFFFD0]  }
0x184: {  	v47 =	vadd.f32 v48, v47  }
0x185: {  	v51 =	vld [tilespmem:s0+$0xFFFFFFE0]  }
.Ltmp5:
0x186: {  	v48 =	vadd.f32 v50, v47;
	(pc) =	sbr.rel @p0 .LBB2_13-.Ltmp5, $4  }
0x187: {  	v47 =	vld [tilespmem:s0+$0xFFFFFFF0]  }
0x188: {  	v49 =	vadd.f32 v49, v48  }
0x189: {  	v48 =	vld [tilespmem:s0+$0x0]  }
0x18a: {  	s0 =	sadd.s32 $0x80, s0;
	v49 =	vadd.f32 v51, v49  }
0x18b: {  	_ = 	snop  }
0x18c: {  	v47 =	vadd.f32 v47, v49;
	_ =	sdelay $0x1  }
0x18d: {  	v47 =	vadd.f32 v48, v47;
	_ =	sdelay $0x1  }
0x18e: {  	s0 =	simm.s32 $0x5870;
	[tilespmem:v5+s26+$0x0] =	vst.idx.msk $0xffff, v47  }
0x18f: {  	v47 =	vld [tilespmem:s0+$0xFFFFFF90];
	_ =	sdelay $0x1  }
0x190: {  	v59 =	vld [tilespmem:s0+$0xFFFFFFA0];
	_ =	sdelay $0x1  }
0x191: {  	v60 =	vimm.f32 $0.0e+00;
	v50 =	vld [tilespmem:s0+$0xFFFFFFB0]  }
0x192: {  	v47 =	vadd.f32 v47, v60  }
0x193: {  	v61 =	vld [tilespmem:s0+$0xFFFFFFC0]  }
0x194: {  	v47 =	vadd.f32 v59, v47  }
0x195: {  	v62 =	vld [tilespmem:s0+$0xFFFFFFD0]  }
0x196: {  	v47 =	vadd.f32 v50, v47;
	_ =	sdelay $0x1  }
0x197: {  	v63 =	vld [tilespmem:s0+$0xFFFFFFE0];
	v47 =	vadd.f32 v61, v47;
	_ =	sdelay $0x1  }
0x198: {  	v49 =	vadd.f32 v62, v47;
	v47 =	vld [tilespmem:s0+$0xFFFFFFF0];
	_ =	sdelay $0x1  }
0x199: {  	v48 =	vld [tilespmem:s0+$0x0]  }
0x19a: {  	s31 =	simm.s32 $0x0;
	s0 =	simm.s32 $0x58F0;
	v49 =	vadd.f32 v63, v49  }
.LBB2_15:
0x19b: {  	v50 =	vld [tilespmem:s0+$0xFFFFFF90];
	s31 =	sadd.s32 $0x8, s31  }
0x19c: {  	p0 =	slt.u32 s31, $0xC0;
	v47 =	vadd.f32 v47, v49  }
0x19d: {  	v49 =	vld [tilespmem:s0+$0xFFFFFFA0]  }
0x19e: {  	v47 =	vadd.f32 v48, v47  }
0x19f: {  	v48 =	vld [tilespmem:s0+$0xFFFFFFB0]  }
0x1a0: {  	v47 =	vadd.f32 v50, v47  }
0x1a1: {  	v50 =	vld [tilespmem:s0+$0xFFFFFFC0]  }
0x1a2: {  	v47 =	vadd.f32 v49, v47  }
0x1a3: {  	v49 =	vld [tilespmem:s0+$0xFFFFFFD0]  }
0x1a4: {  	v47 =	vadd.f32 v48, v47  }
0x1a5: {  	v51 =	vld [tilespmem:s0+$0xFFFFFFE0]  }
.Ltmp6:
0x1a6: {  	v48 =	vadd.f32 v50, v47;
	(pc) =	sbr.rel @p0 .LBB2_15-.Ltmp6, $4  }
0x1a7: {  	v47 =	vld [tilespmem:s0+$0xFFFFFFF0]  }
0x1a8: {  	v49 =	vadd.f32 v49, v48  }
0x1a9: {  	v48 =	vld [tilespmem:s0+$0x0]  }
0x1aa: {  	s0 =	sadd.s32 $0x80, s0;
	v49 =	vadd.f32 v51, v49  }
0x1ab: {  	_ = 	snop  }
0x1ac: {  	v47 =	vadd.f32 v47, v49;
	_ =	sdelay $0x1  }
0x1ad: {  	v47 =	vadd.f32 v48, v47;
	_ =	sdelay $0x1  }
0x1ae: {  	s0 =	simm.s32 $0x64F0;
	[tilespmem:v6+s26+$0x0] =	vst.idx.msk $0xffff, v47  }
0x1af: {  	v47 =	vld [tilespmem:s0+$0xFFFFFF90];
	_ =	sdelay $0x1  }
0x1b0: {  	v59 =	vld [tilespmem:s0+$0xFFFFFFA0];
	_ =	sdelay $0x1  }
0x1b1: {  	v60 =	vimm.f32 $0.0e+00;
	v50 =	vld [tilespmem:s0+$0xFFFFFFB0]  }
0x1b2: {  	v47 =	vadd.f32 v47, v60  }
0x1b3: {  	v61 =	vld [tilespmem:s0+$0xFFFFFFC0]  }
0x1b4: {  	v47 =	vadd.f32 v59, v47  }
0x1b5: {  	v62 =	vld [tilespmem:s0+$0xFFFFFFD0]  }
0x1b6: {  	v47 =	vadd.f32 v50, v47;
	_ =	sdelay $0x1  }
0x1b7: {  	v63 =	vld [tilespmem:s0+$0xFFFFFFE0];
	v47 =	vadd.f32 v61, v47;
	_ =	sdelay $0x1  }
0x1b8: {  	v49 =	vadd.f32 v62, v47;
	v47 =	vld [tilespmem:s0+$0xFFFFFFF0];
	_ =	sdelay $0x1  }
0x1b9: {  	v48 =	vld [tilespmem:s0+$0x0]  }
0x1ba: {  	s31 =	simm.s32 $0x0;
	s0 =	simm.s32 $0x6570;
	v49 =	vadd.f32 v63, v49  }
.LBB2_17:
0x1bb: {  	v50 =	vld [tilespmem:s0+$0xFFFFFF90];
	s31 =	sadd.s32 $0x8, s31  }
0x1bc: {  	p0 =	slt.u32 s31, $0xC0;
	v47 =	vadd.f32 v47, v49  }
0x1bd: {  	v49 =	vld [tilespmem:s0+$0xFFFFFFA0]  }
0x1be: {  	v47 =	vadd.f32 v48, v47  }
0x1bf: {  	v48 =	vld [tilespmem:s0+$0xFFFFFFB0]  }
0x1c0: {  	v47 =	vadd.f32 v50, v47  }
0x1c1: {  	v50 =	vld [tilespmem:s0+$0xFFFFFFC0]  }
0x1c2: {  	v47 =	vadd.f32 v49, v47  }
0x1c3: {  	v49 =	vld [tilespmem:s0+$0xFFFFFFD0]  }
0x1c4: {  	v47 =	vadd.f32 v48, v47  }
0x1c5: {  	v51 =	vld [tilespmem:s0+$0xFFFFFFE0]  }
.Ltmp7:
0x1c6: {  	v48 =	vadd.f32 v50, v47;
	(pc) =	sbr.rel @p0 .LBB2_17-.Ltmp7, $4  }
0x1c7: {  	v47 =	vld [tilespmem:s0+$0xFFFFFFF0]  }
0x1c8: {  	v49 =	vadd.f32 v49, v48  }
0x1c9: {  	v48 =	vld [tilespmem:s0+$0x0]  }
0x1ca: {  	s0 =	sadd.s32 $0x80, s0;
	v49 =	vadd.f32 v51, v49  }
0x1cb: {  	_ = 	snop  }
0x1cc: {  	v47 =	vadd.f32 v47, v49;
	_ =	sdelay $0x1  }
0x1cd: {  	v47 =	vadd.f32 v48, v47;
	_ =	sdelay $0x1  }
0x1ce: {  	s0 =	simm.s32 $0x7170;
	[tilespmem:v7+s26+$0x0] =	vst.idx.msk $0xffff, v47  }
0x1cf: {  	v47 =	vld [tilespmem:s0+$0xFFFFFF90];
	_ =	sdelay $0x1  }
0x1d0: {  	v59 =	vld [tilespmem:s0+$0xFFFFFFA0];
	_ =	sdelay $0x1  }
0x1d1: {  	v60 =	vimm.f32 $0.0e+00;
	v50 =	vld [tilespmem:s0+$0xFFFFFFB0]  }
0x1d2: {  	v47 =	vadd.f32 v47, v60  }
0x1d3: {  	v61 =	vld [tilespmem:s0+$0xFFFFFFC0]  }
0x1d4: {  	v47 =	vadd.f32 v59, v47  }
0x1d5: {  	v62 =	vld [tilespmem:s0+$0xFFFFFFD0]  }
0x1d6: {  	v47 =	vadd.f32 v50, v47;
	_ =	sdelay $0x1  }
0x1d7: {  	v63 =	vld [tilespmem:s0+$0xFFFFFFE0];
	v47 =	vadd.f32 v61, v47;
	_ =	sdelay $0x1  }
0x1d8: {  	v49 =	vadd.f32 v62, v47;
	v47 =	vld [tilespmem:s0+$0xFFFFFFF0];
	_ =	sdelay $0x1  }
0x1d9: {  	v48 =	vld [tilespmem:s0+$0x0]  }
0x1da: {  	s31 =	simm.s32 $0x0;
	s0 =	simm.s32 $0x71F0;
	v49 =	vadd.f32 v63, v49  }
.LBB2_19:
0x1db: {  	v50 =	vld [tilespmem:s0+$0xFFFFFF90];
	s31 =	sadd.s32 $0x8, s31  }
0x1dc: {  	p0 =	slt.u32 s31, $0xC0;
	v47 =	vadd.f32 v47, v49  }
0x1dd: {  	v49 =	vld [tilespmem:s0+$0xFFFFFFA0]  }
0x1de: {  	v47 =	vadd.f32 v48, v47  }
0x1df: {  	v48 =	vld [tilespmem:s0+$0xFFFFFFB0]  }
0x1e0: {  	v47 =	vadd.f32 v50, v47  }
0x1e1: {  	v50 =	vld [tilespmem:s0+$0xFFFFFFC0]  }
0x1e2: {  	v47 =	vadd.f32 v49, v47  }
0x1e3: {  	v49 =	vld [tilespmem:s0+$0xFFFFFFD0]  }
0x1e4: {  	v47 =	vadd.f32 v48, v47  }
0x1e5: {  	v51 =	vld [tilespmem:s0+$0xFFFFFFE0]  }
.Ltmp8:
0x1e6: {  	v48 =	vadd.f32 v50, v47;
	(pc) =	sbr.rel @p0 .LBB2_19-.Ltmp8, $4  }
0x1e7: {  	v47 =	vld [tilespmem:s0+$0xFFFFFFF0]  }
0x1e8: {  	v49 =	vadd.f32 v49, v48  }
0x1e9: {  	v48 =	vld [tilespmem:s0+$0x0]  }
0x1ea: {  	s0 =	sadd.s32 $0x80, s0;
	v49 =	vadd.f32 v51, v49  }
0x1eb: {  	_ = 	snop  }
0x1ec: {  	v47 =	vadd.f32 v47, v49;
	_ =	sdelay $0x1  }
0x1ed: {  	v47 =	vadd.f32 v48, v47;
	_ =	sdelay $0x1  }
0x1ee: {  	s0 =	simm.s32 $0x7DF0;
	[tilespmem:v8+s26+$0x0] =	vst.idx.msk $0xffff, v47  }
0x1ef: {  	v47 =	vld [tilespmem:s0+$0xFFFFFF90];
	_ =	sdelay $0x1  }
0x1f0: {  	v59 =	vld [tilespmem:s0+$0xFFFFFFA0];
	_ =	sdelay $0x1  }
0x1f1: {  	v60 =	vimm.f32 $0.0e+00;
	v50 =	vld [tilespmem:s0+$0xFFFFFFB0]  }
0x1f2: {  	v47 =	vadd.f32 v47, v60  }
0x1f3: {  	v61 =	vld [tilespmem:s0+$0xFFFFFFC0]  }
0x1f4: {  	v47 =	vadd.f32 v59, v47  }
0x1f5: {  	v62 =	vld [tilespmem:s0+$0xFFFFFFD0]  }
0x1f6: {  	v47 =	vadd.f32 v50, v47;
	_ =	sdelay $0x1  }
0x1f7: {  	v63 =	vld [tilespmem:s0+$0xFFFFFFE0];
	v47 =	vadd.f32 v61, v47;
	_ =	sdelay $0x1  }
0x1f8: {  	v49 =	vadd.f32 v62, v47;
	v47 =	vld [tilespmem:s0+$0xFFFFFFF0];
	_ =	sdelay $0x1  }
0x1f9: {  	v48 =	vld [tilespmem:s0+$0x0]  }
0x1fa: {  	s31 =	simm.s32 $0x0;
	s0 =	simm.s32 $0x7E70;
	v49 =	vadd.f32 v63, v49  }
.LBB2_21:
0x1fb: {  	v50 =	vld [tilespmem:s0+$0xFFFFFF90];
	s31 =	sadd.s32 $0x8, s31  }
0x1fc: {  	p0 =	slt.u32 s31, $0xC0;
	v47 =	vadd.f32 v47, v49  }
0x1fd: {  	v49 =	vld [tilespmem:s0+$0xFFFFFFA0]  }
0x1fe: {  	v47 =	vadd.f32 v48, v47  }
0x1ff: {  	v48 =	vld [tilespmem:s0+$0xFFFFFFB0]  }
0x200: {  	v47 =	vadd.f32 v50, v47  }
0x201: {  	v50 =	vld [tilespmem:s0+$0xFFFFFFC0]  }
0x202: {  	v47 =	vadd.f32 v49, v47  }
0x203: {  	v49 =	vld [tilespmem:s0+$0xFFFFFFD0]  }
0x204: {  	v47 =	vadd.f32 v48, v47  }
0x205: {  	v51 =	vld [tilespmem:s0+$0xFFFFFFE0]  }
.Ltmp9:
0x206: {  	v48 =	vadd.f32 v50, v47;
	(pc) =	sbr.rel @p0 .LBB2_21-.Ltmp9, $4  }
0x207: {  	v47 =	vld [tilespmem:s0+$0xFFFFFFF0]  }
0x208: {  	v49 =	vadd.f32 v49, v48  }
0x209: {  	v48 =	vld [tilespmem:s0+$0x0]  }
0x20a: {  	s0 =	sadd.s32 $0x80, s0;
	v49 =	vadd.f32 v51, v49  }
0x20b: {  	_ = 	snop  }
0x20c: {  	v47 =	vadd.f32 v47, v49;
	_ =	sdelay $0x1  }
0x20d: {  	v47 =	vadd.f32 v48, v47;
	_ =	sdelay $0x1  }
0x20e: {  	s0 =	simm.s32 $0x8A70;
	[tilespmem:v9+s26+$0x0] =	vst.idx.msk $0xffff, v47  }
0x20f: {  	v47 =	vld [tilespmem:s0+$0xFFFFFF90];
	_ =	sdelay $0x1  }
0x210: {  	v59 =	vld [tilespmem:s0+$0xFFFFFFA0];
	_ =	sdelay $0x1  }
0x211: {  	v60 =	vimm.f32 $0.0e+00;
	v50 =	vld [tilespmem:s0+$0xFFFFFFB0]  }
0x212: {  	v47 =	vadd.f32 v47, v60  }
0x213: {  	v61 =	vld [tilespmem:s0+$0xFFFFFFC0]  }
0x214: {  	v47 =	vadd.f32 v59, v47  }
0x215: {  	v62 =	vld [tilespmem:s0+$0xFFFFFFD0]  }
0x216: {  	v47 =	vadd.f32 v50, v47;
	_ =	sdelay $0x1  }
0x217: {  	v63 =	vld [tilespmem:s0+$0xFFFFFFE0];
	v47 =	vadd.f32 v61, v47;
	_ =	sdelay $0x1  }
0x218: {  	v49 =	vadd.f32 v62, v47;
	v47 =	vld [tilespmem:s0+$0xFFFFFFF0];
	_ =	sdelay $0x1  }
0x219: {  	v48 =	vld [tilespmem:s0+$0x0]  }
0x21a: {  	s31 =	simm.s32 $0x0;
	s0 =	simm.s32 $0x8AF0;
	v49 =	vadd.f32 v63, v49  }
.LBB2_23:
0x21b: {  	v50 =	vld [tilespmem:s0+$0xFFFFFF90];
	s31 =	sadd.s32 $0x8, s31  }
0x21c: {  	p0 =	slt.u32 s31, $0xC0;
	v47 =	vadd.f32 v47, v49  }
0x21d: {  	v49 =	vld [tilespmem:s0+$0xFFFFFFA0]  }
0x21e: {  	v47 =	vadd.f32 v48, v47  }
0x21f: {  	v48 =	vld [tilespmem:s0+$0xFFFFFFB0]  }
0x220: {  	v47 =	vadd.f32 v50, v47  }
0x221: {  	v50 =	vld [tilespmem:s0+$0xFFFFFFC0]  }
0x222: {  	v47 =	vadd.f32 v49, v47  }
0x223: {  	v49 =	vld [tilespmem:s0+$0xFFFFFFD0]  }
0x224: {  	v47 =	vadd.f32 v48, v47  }
0x225: {  	v51 =	vld [tilespmem:s0+$0xFFFFFFE0]  }
.Ltmp10:
0x226: {  	v48 =	vadd.f32 v50, v47;
	(pc) =	sbr.rel @p0 .LBB2_23-.Ltmp10, $4  }
0x227: {  	v47 =	vld [tilespmem:s0+$0xFFFFFFF0]  }
0x228: {  	v49 =	vadd.f32 v49, v48  }
0x229: {  	v48 =	vld [tilespmem:s0+$0x0]  }
0x22a: {  	s0 =	sadd.s32 $0x80, s0;
	v49 =	vadd.f32 v51, v49  }
0x22b: {  	_ = 	snop  }
0x22c: {  	v47 =	vadd.f32 v47, v49;
	_ =	sdelay $0x1  }
0x22d: {  	v47 =	vadd.f32 v48, v47;
	_ =	sdelay $0x1  }
0x22e: {  	s0 =	simm.s32 $0x96F0;
	[tilespmem:v10+s26+$0x0] =	vst.idx.msk $0xffff, v47  }
0x22f: {  	v47 =	vld [tilespmem:s0+$0xFFFFFF90];
	_ =	sdelay $0x1  }
0x230: {  	v59 =	vld [tilespmem:s0+$0xFFFFFFA0];
	_ =	sdelay $0x1  }
0x231: {  	v60 =	vimm.f32 $0.0e+00;
	v50 =	vld [tilespmem:s0+$0xFFFFFFB0]  }
0x232: {  	v47 =	vadd.f32 v47, v60  }
0x233: {  	v61 =	vld [tilespmem:s0+$0xFFFFFFC0]  }
0x234: {  	v47 =	vadd.f32 v59, v47  }
0x235: {  	v62 =	vld [tilespmem:s0+$0xFFFFFFD0]  }
0x236: {  	v47 =	vadd.f32 v50, v47;
	_ =	sdelay $0x1  }
0x237: {  	v63 =	vld [tilespmem:s0+$0xFFFFFFE0];
	v47 =	vadd.f32 v61, v47;
	_ =	sdelay $0x1  }
0x238: {  	v49 =	vadd.f32 v62, v47;
	v47 =	vld [tilespmem:s0+$0xFFFFFFF0];
	_ =	sdelay $0x1  }
0x239: {  	v48 =	vld [tilespmem:s0+$0x0]  }
0x23a: {  	s31 =	simm.s32 $0x0;
	s0 =	simm.s32 $0x9770;
	v49 =	vadd.f32 v63, v49  }
.LBB2_25:
0x23b: {  	v50 =	vld [tilespmem:s0+$0xFFFFFF90];
	s31 =	sadd.s32 $0x8, s31  }
0x23c: {  	p0 =	slt.u32 s31, $0xC0;
	v47 =	vadd.f32 v47, v49  }
0x23d: {  	v49 =	vld [tilespmem:s0+$0xFFFFFFA0]  }
0x23e: {  	v47 =	vadd.f32 v48, v47  }
0x23f: {  	v48 =	vld [tilespmem:s0+$0xFFFFFFB0]  }
0x240: {  	v47 =	vadd.f32 v50, v47  }
0x241: {  	v50 =	vld [tilespmem:s0+$0xFFFFFFC0]  }
0x242: {  	v47 =	vadd.f32 v49, v47  }
0x243: {  	v49 =	vld [tilespmem:s0+$0xFFFFFFD0]  }
0x244: {  	v47 =	vadd.f32 v48, v47  }
0x245: {  	v51 =	vld [tilespmem:s0+$0xFFFFFFE0]  }
.Ltmp11:
0x246: {  	v48 =	vadd.f32 v50, v47;
	(pc) =	sbr.rel @p0 .LBB2_25-.Ltmp11, $4  }
0x247: {  	v47 =	vld [tilespmem:s0+$0xFFFFFFF0]  }
0x248: {  	v49 =	vadd.f32 v49, v48  }
0x249: {  	v48 =	vld [tilespmem:s0+$0x0]  }
0x24a: {  	s0 =	sadd.s32 $0x80, s0;
	v49 =	vadd.f32 v51, v49  }
0x24b: {  	_ = 	snop  }
0x24c: {  	v47 =	vadd.f32 v47, v49;
	_ =	sdelay $0x1  }
0x24d: {  	v47 =	vadd.f32 v48, v47;
	_ =	sdelay $0x1  }
0x24e: {  	s0 =	simm.s32 $0xA370;
	[tilespmem:v11+s26+$0x0] =	vst.idx.msk $0xffff, v47  }
0x24f: {  	v47 =	vld [tilespmem:s0+$0xFFFFFF90];
	_ =	sdelay $0x1  }
0x250: {  	v59 =	vld [tilespmem:s0+$0xFFFFFFA0];
	_ =	sdelay $0x1  }
0x251: {  	v60 =	vimm.f32 $0.0e+00;
	v50 =	vld [tilespmem:s0+$0xFFFFFFB0]  }
0x252: {  	v47 =	vadd.f32 v47, v60  }
0x253: {  	v61 =	vld [tilespmem:s0+$0xFFFFFFC0]  }
0x254: {  	v47 =	vadd.f32 v59, v47  }
0x255: {  	v62 =	vld [tilespmem:s0+$0xFFFFFFD0]  }
0x256: {  	v47 =	vadd.f32 v50, v47;
	_ =	sdelay $0x1  }
0x257: {  	v63 =	vld [tilespmem:s0+$0xFFFFFFE0];
	v47 =	vadd.f32 v61, v47;
	_ =	sdelay $0x1  }
0x258: {  	v49 =	vadd.f32 v62, v47;
	v47 =	vld [tilespmem:s0+$0xFFFFFFF0];
	_ =	sdelay $0x1  }
0x259: {  	v48 =	vld [tilespmem:s0+$0x0]  }
0x25a: {  	s31 =	simm.s32 $0x0;
	s0 =	simm.s32 $0xA3F0;
	v49 =	vadd.f32 v63, v49  }
.LBB2_27:
0x25b: {  	v50 =	vld [tilespmem:s0+$0xFFFFFF90];
	s31 =	sadd.s32 $0x8, s31  }
0x25c: {  	p0 =	slt.u32 s31, $0xC0;
	v47 =	vadd.f32 v47, v49  }
0x25d: {  	v49 =	vld [tilespmem:s0+$0xFFFFFFA0]  }
0x25e: {  	v47 =	vadd.f32 v48, v47  }
0x25f: {  	v48 =	vld [tilespmem:s0+$0xFFFFFFB0]  }
0x260: {  	v47 =	vadd.f32 v50, v47  }
0x261: {  	v50 =	vld [tilespmem:s0+$0xFFFFFFC0]  }
0x262: {  	v47 =	vadd.f32 v49, v47  }
0x263: {  	v49 =	vld [tilespmem:s0+$0xFFFFFFD0]  }
0x264: {  	v47 =	vadd.f32 v48, v47  }
0x265: {  	v51 =	vld [tilespmem:s0+$0xFFFFFFE0]  }
.Ltmp12:
0x266: {  	v48 =	vadd.f32 v50, v47;
	(pc) =	sbr.rel @p0 .LBB2_27-.Ltmp12, $4  }
0x267: {  	v47 =	vld [tilespmem:s0+$0xFFFFFFF0]  }
0x268: {  	v49 =	vadd.f32 v49, v48  }
0x269: {  	v48 =	vld [tilespmem:s0+$0x0]  }
0x26a: {  	s0 =	sadd.s32 $0x80, s0;
	v49 =	vadd.f32 v51, v49  }
0x26b: {  	_ = 	snop  }
0x26c: {  	v47 =	vadd.f32 v47, v49;
	_ =	sdelay $0x1  }
0x26d: {  	v47 =	vadd.f32 v48, v47;
	_ =	sdelay $0x1  }
0x26e: {  	s0 =	simm.s32 $0xAFF0;
	[tilespmem:v12+s26+$0x0] =	vst.idx.msk $0xffff, v47  }
0x26f: {  	v47 =	vld [tilespmem:s0+$0xFFFFFF90];
	_ =	sdelay $0x1  }
0x270: {  	v59 =	vld [tilespmem:s0+$0xFFFFFFA0];
	_ =	sdelay $0x1  }
0x271: {  	v60 =	vimm.f32 $0.0e+00;
	v50 =	vld [tilespmem:s0+$0xFFFFFFB0]  }
0x272: {  	v47 =	vadd.f32 v47, v60  }
0x273: {  	v61 =	vld [tilespmem:s0+$0xFFFFFFC0]  }
0x274: {  	v47 =	vadd.f32 v59, v47  }
0x275: {  	v62 =	vld [tilespmem:s0+$0xFFFFFFD0]  }
0x276: {  	v47 =	vadd.f32 v50, v47;
	_ =	sdelay $0x1  }
0x277: {  	v63 =	vld [tilespmem:s0+$0xFFFFFFE0];
	v47 =	vadd.f32 v61, v47;
	_ =	sdelay $0x1  }
0x278: {  	v49 =	vadd.f32 v62, v47;
	v47 =	vld [tilespmem:s0+$0xFFFFFFF0];
	_ =	sdelay $0x1  }
0x279: {  	v48 =	vld [tilespmem:s0+$0x0]  }
0x27a: {  	s31 =	simm.s32 $0x0;
	s0 =	simm.s32 $0xB070;
	v49 =	vadd.f32 v63, v49  }
.LBB2_29:
0x27b: {  	v50 =	vld [tilespmem:s0+$0xFFFFFF90];
	s31 =	sadd.s32 $0x8, s31  }
0x27c: {  	p0 =	slt.u32 s31, $0xC0;
	v47 =	vadd.f32 v47, v49  }
0x27d: {  	v49 =	vld [tilespmem:s0+$0xFFFFFFA0]  }
0x27e: {  	v47 =	vadd.f32 v48, v47  }
0x27f: {  	v48 =	vld [tilespmem:s0+$0xFFFFFFB0]  }
0x280: {  	v47 =	vadd.f32 v50, v47  }
0x281: {  	v50 =	vld [tilespmem:s0+$0xFFFFFFC0]  }
0x282: {  	v47 =	vadd.f32 v49, v47  }
0x283: {  	v49 =	vld [tilespmem:s0+$0xFFFFFFD0]  }
0x284: {  	v47 =	vadd.f32 v48, v47  }
0x285: {  	v51 =	vld [tilespmem:s0+$0xFFFFFFE0]  }
.Ltmp13:
0x286: {  	v48 =	vadd.f32 v50, v47;
	(pc) =	sbr.rel @p0 .LBB2_29-.Ltmp13, $4  }
0x287: {  	v47 =	vld [tilespmem:s0+$0xFFFFFFF0]  }
0x288: {  	v49 =	vadd.f32 v49, v48  }
0x289: {  	v48 =	vld [tilespmem:s0+$0x0]  }
0x28a: {  	s0 =	sadd.s32 $0x80, s0;
	v49 =	vadd.f32 v51, v49  }
0x28b: {  	_ = 	snop  }
0x28c: {  	v47 =	vadd.f32 v47, v49;
	_ =	sdelay $0x1  }
0x28d: {  	v47 =	vadd.f32 v48, v47;
	_ =	sdelay $0x1  }
0x28e: {  	s0 =	simm.s32 $0xBC70;
	[tilespmem:v13+s26+$0x0] =	vst.idx.msk $0xffff, v47  }
0x28f: {  	v47 =	vld [tilespmem:s0+$0xFFFFFF90];
	_ =	sdelay $0x1  }
0x290: {  	v59 =	vld [tilespmem:s0+$0xFFFFFFA0];
	_ =	sdelay $0x1  }
0x291: {  	v60 =	vimm.f32 $0.0e+00;
	v50 =	vld [tilespmem:s0+$0xFFFFFFB0]  }
0x292: {  	v47 =	vadd.f32 v47, v60  }
0x293: {  	v61 =	vld [tilespmem:s0+$0xFFFFFFC0]  }
0x294: {  	v47 =	vadd.f32 v59, v47  }
0x295: {  	v62 =	vld [tilespmem:s0+$0xFFFFFFD0]  }
0x296: {  	v47 =	vadd.f32 v50, v47;
	_ =	sdelay $0x1  }
0x297: {  	v63 =	vld [tilespmem:s0+$0xFFFFFFE0];
	v47 =	vadd.f32 v61, v47;
	_ =	sdelay $0x1  }
0x298: {  	v49 =	vadd.f32 v62, v47;
	v47 =	vld [tilespmem:s0+$0xFFFFFFF0];
	_ =	sdelay $0x1  }
0x299: {  	v48 =	vld [tilespmem:s0+$0x0]  }
0x29a: {  	s31 =	simm.s32 $0x0;
	s0 =	simm.s32 $0xBCF0;
	v49 =	vadd.f32 v63, v49  }
.LBB2_31:
0x29b: {  	v50 =	vld [tilespmem:s0+$0xFFFFFF90];
	s31 =	sadd.s32 $0x8, s31  }
0x29c: {  	p0 =	slt.u32 s31, $0xC0;
	v47 =	vadd.f32 v47, v49  }
0x29d: {  	v49 =	vld [tilespmem:s0+$0xFFFFFFA0]  }
0x29e: {  	v47 =	vadd.f32 v48, v47  }
0x29f: {  	v48 =	vld [tilespmem:s0+$0xFFFFFFB0]  }
0x2a0: {  	v47 =	vadd.f32 v50, v47  }
0x2a1: {  	v50 =	vld [tilespmem:s0+$0xFFFFFFC0]  }
0x2a2: {  	v47 =	vadd.f32 v49, v47  }
0x2a3: {  	v49 =	vld [tilespmem:s0+$0xFFFFFFD0]  }
0x2a4: {  	v47 =	vadd.f32 v48, v47  }
0x2a5: {  	v51 =	vld [tilespmem:s0+$0xFFFFFFE0]  }
.Ltmp14:
0x2a6: {  	v48 =	vadd.f32 v50, v47;
	(pc) =	sbr.rel @p0 .LBB2_31-.Ltmp14, $4  }
0x2a7: {  	v47 =	vld [tilespmem:s0+$0xFFFFFFF0]  }
0x2a8: {  	v49 =	vadd.f32 v49, v48  }
0x2a9: {  	v48 =	vld [tilespmem:s0+$0x0]  }
0x2aa: {  	s0 =	sadd.s32 $0x80, s0;
	v49 =	vadd.f32 v51, v49  }
0x2ab: {  	v50 =	vor.u32 $0xE, v0  }
0x2ac: {  	v47 =	vadd.f32 v47, v49;
	_ =	sdelay $0x1  }
0x2ad: {  	v47 =	vadd.f32 v48, v47;
	_ =	sdelay $0x1  }
0x2ae: {  	s0 =	simm.s32 $0xC8F0;
	[tilespmem:v50+s26+$0x0] =	vst.idx.msk $0xffff, v47  }
0x2af: {  	v47 =	vld [tilespmem:s0+$0xFFFFFF90];
	_ =	sdelay $0x1  }
0x2b0: {  	v59 =	vld [tilespmem:s0+$0xFFFFFFA0];
	_ =	sdelay $0x1  }
0x2b1: {  	v60 =	vimm.f32 $0.0e+00;
	v50 =	vld [tilespmem:s0+$0xFFFFFFB0]  }
0x2b2: {  	v47 =	vadd.f32 v47, v60  }
0x2b3: {  	v61 =	vld [tilespmem:s0+$0xFFFFFFC0]  }
0x2b4: {  	v47 =	vadd.f32 v59, v47  }
0x2b5: {  	v62 =	vld [tilespmem:s0+$0xFFFFFFD0]  }
0x2b6: {  	v47 =	vadd.f32 v50, v47;
	_ =	sdelay $0x1  }
0x2b7: {  	v63 =	vld [tilespmem:s0+$0xFFFFFFE0];
	v47 =	vadd.f32 v61, v47;
	_ =	sdelay $0x1  }
0x2b8: {  	v49 =	vadd.f32 v62, v47;
	v47 =	vld [tilespmem:s0+$0xFFFFFFF0];
	_ =	sdelay $0x1  }
0x2b9: {  	v48 =	vld [tilespmem:s0+$0x0]  }
0x2ba: {  	s31 =	simm.s32 $0x0;
	s0 =	simm.s32 $0xC970;
	v49 =	vadd.f32 v63, v49  }
.LBB2_33:
0x2bb: {  	v50 =	vld [tilespmem:s0+$0xFFFFFF90];
	s31 =	sadd.s32 $0x8, s31  }
0x2bc: {  	p0 =	slt.u32 s31, $0xC0;
	v47 =	vadd.f32 v47, v49  }
0x2bd: {  	v49 =	vld [tilespmem:s0+$0xFFFFFFA0]  }
0x2be: {  	v47 =	vadd.f32 v48, v47  }
0x2bf: {  	v48 =	vld [tilespmem:s0+$0xFFFFFFB0]  }
0x2c0: {  	v47 =	vadd.f32 v50, v47  }
0x2c1: {  	v50 =	vld [tilespmem:s0+$0xFFFFFFC0]  }
0x2c2: {  	v47 =	vadd.f32 v49, v47  }
0x2c3: {  	v49 =	vld [tilespmem:s0+$0xFFFFFFD0]  }
0x2c4: {  	v47 =	vadd.f32 v48, v47  }
0x2c5: {  	v51 =	vld [tilespmem:s0+$0xFFFFFFE0]  }
.Ltmp15:
0x2c6: {  	v48 =	vadd.f32 v50, v47;
	(pc) =	sbr.rel @p0 .LBB2_33-.Ltmp15, $4  }
0x2c7: {  	v47 =	vld [tilespmem:s0+$0xFFFFFFF0]  }
0x2c8: {  	v49 =	vadd.f32 v49, v48  }
0x2c9: {  	v48 =	vld [tilespmem:s0+$0x0]  }
0x2ca: {  	s0 =	sadd.s32 $0x80, s0;
	v49 =	vadd.f32 v51, v49  }
0x2cb: {  	v50 =	vor.u32 $0xF, v0  }
0x2cc: {  	v47 =	vadd.f32 v47, v49;
	_ =	sdelay $0x1  }
0x2cd: {  	v47 =	vadd.f32 v48, v47;
	_ =	sdelay $0x1  }
0x2ce: {  	[tilespmem:v50+s26+$0x0] =	vst.idx.msk $0xffff, v47  }
0x2cf: {  	v47 =	vld [tilespmem:$0xD500];
	_ =	sdelay $0x1  }
0x2d0: {  	v60 =	vld [tilespmem:$0xD510];
	_ =	sdelay $0x1  }
0x2d1: {  	v61 =	vld [tilespmem:$0xD520]  }
0x2d2: {  	v47 =	vadd.f32 v47, v14  }
0x2d3: {  	v50 =	vld [tilespmem:$0xD530]  }
0x2d4: {  	v48 =	vadd.f32 v60, v16;
	v47 =	vmax.f32 v47, $0.0e+00  }
0x2d5: {  	v51 =	vld [tilespmem:$0xD540];
	v47 =	vmul.f32 v47, v15  }
0x2d6: {  	v49 =	vadd.f32 v61, v18;
	v48 =	vmax.f32 v48, $0.0e+00  }
0x2d7: {  	v52 =	vld [tilespmem:$0xD550];
	v48 =	vmul.f32 v48, v17;
	v47 =	vadd.f32 $0.0e+00, v47  }
0x2d8: {  	v50 =	vadd.f32 v50, v20;
	v49 =	vmax.f32 v49, $0.0e+00  }
0x2d9: {  	v63 =	vld [tilespmem:$0xD560];
	v62 =	vmul.f32 v49, v19;
	v47 =	vadd.f32 v48, v47  }
0x2da: {  	v51 =	vadd.f32 v51, v22;
	v50 =	vmax.f32 v50, $0.0e+00  }
0x2db: {  	v57 =	vld [tilespmem:$0xD570];
	v56 =	vmul.f32 v50, v21;
	v47 =	vadd.f32 v62, v47  }
0x2dc: {  	v52 =	vadd.f32 v52, v24;
	v51 =	vmax.f32 v51, $0.0e+00  }
0x2dd: {  	v59 =	vld [tilespmem:$0xD580];
	v58 =	vmul.f32 v51, v23;
	v47 =	vadd.f32 v56, v47  }
0x2de: {  	v52 =	vmax.f32 v52, $0.0e+00;
	v49 =	vadd.f32 v63, v26  }
0x2df: {  	v61 =	vld [tilespmem:$0xD590];
	v60 =	vmul.f32 v52, v25;
	v47 =	vadd.f32 v58, v47  }
0x2e0: {  	v50 =	vadd.f32 v57, v28;
	v49 =	vmax.f32 v49, $0.0e+00  }
0x2e1: {  	v63 =	vld [tilespmem:$0xD5A0];
	v62 =	vmul.f32 v49, v27;
	v47 =	vadd.f32 v60, v47  }
0x2e2: {  	v51 =	vadd.f32 v59, v30;
	v50 =	vmax.f32 v50, $0.0e+00  }
0x2e3: {  	v57 =	vld [tilespmem:$0xD5B0];
	v56 =	vmul.f32 v50, v29;
	v47 =	vadd.f32 v62, v47  }
0x2e4: {  	v51 =	vmax.f32 v51, $0.0e+00;
	v52 =	vadd.f32 v61, v32  }
0x2e5: {  	v59 =	vld [tilespmem:$0xD5C0];
	v58 =	vmul.f32 v51, v31;
	v47 =	vadd.f32 v56, v47  }
0x2e6: {  	v52 =	vmax.f32 v52, $0.0e+00;
	v49 =	vadd.f32 v63, v34  }
0x2e7: {  	v61 =	vld [tilespmem:$0xD5D0];
	v60 =	vmul.f32 v52, v33;
	v47 =	vadd.f32 v58, v47  }
0x2e8: {  	v49 =	vmax.f32 v49, $0.0e+00;
	v50 =	vadd.f32 v57, v36  }
0x2e9: {  	v63 =	vld [tilespmem:$0xD5E0];
	v62 =	vmul.f32 v49, v35;
	v47 =	vadd.f32 v60, v47  }
0x2ea: {  	v50 =	vmax.f32 v50, $0.0e+00;
	v51 =	vadd.f32 v59, v38  }
0x2eb: {  	v57 =	vld [tilespmem:$0xD5F0];
	v56 =	vmul.f32 v50, v37;
	v47 =	vadd.f32 v62, v47  }
0x2ec: {  	v51 =	vmax.f32 v51, $0.0e+00;
	v52 =	vadd.f32 v61, v40  }
0x2ed: {  	v58 =	vmul.f32 v51, v39;
	v47 =	vadd.f32 v56, v47  }
0x2ee: {  	v59 =	vmax.f32 v52, $0.0e+00;
	v49 =	vadd.f32 v63, v42  }
0x2ef: {  	v60 =	vmul.f32 v59, v41;
	v47 =	vadd.f32 v58, v47  }
0x2f0: {  	v49 =	vmax.f32 v49, $0.0e+00;
	v50 =	vadd.f32 v57, v44  }
0x2f1: {  	v61 =	vmul.f32 v49, v43;
	v47 =	vadd.f32 v60, v47  }
0x2f2: {  	v62 =	vmax.f32 v50, $0.0e+00  }
0x2f3: {  	v63 =	vmul.f32 v62, v45;
	v47 =	vadd.f32 v61, v47;
	_ =	sdelay $0x1  }
0x2f4: {  	v47 =	vadd.f32 v63, v47;
	_ =	sdelay $0x1  }
0x2f5: {  	v47 =	vadd.f32 v47, v46;
	_ =	sdelay $0x1  }
0x2f6: {  	v47 =	vsub.f32 $0.0e+00, v47;
	_ =	sdelay $0x1  }
0x2f7: {  	v47 =	vmul.f32 $1.442695020e+00, v47;
	_ =	sdelay $0x1  }
0x2f8: {  	(erf) = vpow2.f32 v47;
	_ =	sdelay $0x8  }
0x2f9: {  	v47 =	vpop (erf)  }
0x2fa: {  	v47 =	vadd.f32 $1.000000000e+00, v47;
	_ =	sdelay $0x1  }
0x2fb: {  	(erf) = vrcp.f32 v47;
	_ =	sdelay $0x7  }
0x2fc: {  	s29 =	sadd.s32 $0x1, s29  }
0x2fd: {  	s0 =	sshrl.u32 s30, $0x3;
	s31 =	rddreg [dreg:$0x1];
	p0 =	sne.s32 s29, $0x20;
	v47 =	vpop (erf)  }
.Ltmp16:
0x2fe: {  	s0 =	sadd.s32 s31, s0;
	[tilespmem:$0xD600] =	vst v47;
	(pc) =	sbr.rel @p0 .LBB2_2-.Ltmp16, $4  }
0x2ff: {  	[hbm4b:s0+s2] =	stream.linear.scatter [tilespmem:s28], [sflag:$0x2], $0x10, $0x38;
	[tilespmem:$0xD640] =	vst v63  }
0x300: {  	_ =	swait.ge [sflag:s10], $0x10  }
0x301: {  	[sflag:s10] =	ssyncset.done $0x0  }
0x302: {  	[sflag:s10] =	ssyncadd.s32 $0xFFFFFFF0  }
0x303: {  	s29 =	rddreg [dreg:$0x5]  }
0x304: {  	s0 =	rddreg [dreg:$0x4];
	s29 =	sadd.s32 $0x1, s29  }
0x305: {  	p0 =	sne.s32 s29, s0  }
.Ltmp17:
0x306: {  	_ = 	snop;
	(pc) =	sbr.rel @p0 .LBB2_1-.Ltmp17, $1  }
0x307: {  	_ =	sdelay $0x3  }
0x308: {  	_ =	sfence.sel $0x180000  }
0x309: {  	[bflag:$0x0] =	sbarrier.arrive $0xFFFF  }
0x30a: {  	_ =	strace $0x90000047  }
0x30b: {  	s0 =	stileid.u32;
	[bflag:$0x2] =	sbarrier.arrive $0xFFFF  }
0x30c: {  	p0 =	sne.s32 s0, $0x0;
	s0 =	rddreg [dreg:$0x2]  }
0x30d: {  	s0 =	sadd.s32 @!p0 $0x100000, s0  }
0x30e: {  	[sflag:s0] =	ssyncadd.tile.s32 @!p0 $0x1;
	_ =	shalt  }
.Lfunc_end2:
_tile_overlayer_lowered:
.L_overlay_start_2:
0x30f: {  	(tag) =	ssettag $0x2  }
0x310: {  	s0 =	rddreg [dreg:$0x0];
	s2 =	stileid.u32  }
0x311: {  	s1 =	rddreg [dreg:$0x1];
	p0 =	sne.s32 s2, $0x0  }
0x312: {  	s3 =	rddreg [dreg:$0x2];
	[bflag:$0x3] =	sbarrier.arrive $0xFFFF;
	s2 =	simm.s32 @!p0 $0x1C02  }
0x313: {  	[timem:s3], [sflag:s2] =	dma.local @!p0 [hbm:s0], s1  }
0x314: {  	s0 =	simm.s32 @!p0 $0x2  }
0x315: {  	_ =	swait.ge @!p0 [sflag:s0], s1  }
0x316: {  	s1 =	ssub.s32 @!p0 $0x0, s1;
	[sflag:s0] =	ssyncset.done @!p0 $0x0  }
0x317: {  	[sflag:s0] =	ssyncadd.s32 @!p0 s1  }
0x318: {  	[bflag:$0x3] =	sbarrier.arrive $0xFFFF  }
0x319: {  	_ =	shalt  }

</sc_bundles>
